<compile_context>
chip_gen: v7x
topology: tpu7x:2x2x1
jax: 0.10.2.dev20260603
libtpu: 0.0.44.dev20260713+nightly
codegen_flags: <defaults>
</compile_context>

<pallas_src>
import jax
import jax.numpy as jnp
from jax.experimental import pallas as pl
from jax.experimental.pallas import tpu as pltpu
from jax.experimental.pallas import tpu_sc as plsc

_FEAT = 8
_POS_DIM = 248
_ROW = _FEAT + _POS_DIM
_MAX_ROWS = 6
_NTAB = 7
_BLKB = 512


def _masked_slab_body(mid_ref, len_ref, tab_ref, wpos_ref, out_ref):
    n_m = out_ref.shape[0]
    n_pos = wpos_ref.shape[0]
    for c in range(n_m):
        mid = mid_ref[c]
        bid = jnp.minimum(mid, _NTAB - 1)
        tbl = tab_ref[pl.ds(bid, 1)]
        mrow = len_ref[bid] - 1
        vec8 = jnp.zeros((1, _FEAT), jnp.float32)
        for k in range(_MAX_ROWS):
            vec8 = vec8 + jnp.where(mrow == k, 1.0, 0.0) * tbl[0, k:k + 1, :]
        pos_row = wpos_ref[pl.ds(jnp.clip(mid, 0, n_pos - 1), 1), :]
        out_ref[c:c + 1, :] = jnp.concatenate([vec8, pos_row], axis=1)


def _replicate_masked(slab, bsz):
    n_m, row = slab.shape
    mesh = plsc.ScalarSubcoreMesh(axis_name="core", num_cores=2)
    seg = bsz // 2

    @pl.kernel(out_type=jax.ShapeDtypeStruct((bsz, n_m, row), slab.dtype),
               mesh=mesh,
               scratch_types=[pltpu.SemaphoreType.DMA])
    def repl(slab_hbm, o_hbm, sem):
        base = jax.lax.axis_index("core") * seg
        pltpu.async_copy(slab_hbm, o_hbm.at[base], sem).wait()
        n = 1
        while n < seg:
            pltpu.async_copy(o_hbm.at[pl.ds(base, n)],
                             o_hbm.at[pl.ds(base + n, n)], sem).wait()
            n *= 2

    return repl(slab)


def _unmasked_body(aid_ref, len_ref, data_ref, tab_ref, wnum_ref, wpos_ref,
                   out_un_ref, pos_s, emb_s, aux_s, bufu, semu):
    blkb, n_un = data_ref.shape
    n_pos = wpos_ref.shape[0]
    nsteps = pl.num_programs(0)
    i = pl.program_id(0)

    @pl.when(i == 0)
    def _build_patterns():
        for c in range(n_un):
            aid = aid_ref[c]
            bid = jnp.minimum(aid, _NTAB)
            tid = jnp.minimum(bid, _NTAB - 1)
            pos_row = wpos_ref[pl.ds(jnp.clip(aid, 0, n_pos - 1), 1), :]
            pos_s[c:c + 1, :] = jnp.concatenate(
                [jnp.zeros((1, _FEAT), jnp.float32), pos_row], axis=1)
            tbl = tab_ref[pl.ds(tid, 1)]
            numflag = bid == _NTAB
            lanes = pl.ds(c * _FEAT, _FEAT)
            for k in range(_MAX_ROWS):
                emb_s[k:k + 1, lanes] = jnp.where(
                    numflag, jnp.zeros((1, _FEAT), jnp.float32),
                    tbl[0, k:k + 1, :])
            bound = jnp.where(numflag, -1, len_ref[tid] - 1)
            nrow1 = jnp.reshape(bound, (1, 1)).astype(jnp.float32)
            aux_s[0:1, lanes] = jnp.broadcast_to(nrow1, (1, _FEAT))
            aux_s[1:2, lanes] = wnum_ref[0:1, :]
        for s in range(2):
            bufu[s] = jnp.broadcast_to(pos_s[...][None], (blkb, n_un, _ROW))

    def _compute_into(bu):
        d96 = jnp.concatenate(
            [jnp.broadcast_to(data_ref[:, c:c + 1], (blkb, _FEAT))
             for c in range(n_un)], axis=1)
        di96 = jnp.clip(d96, 0.0, aux_s[0:1, :]).astype(jnp.int32)
        acc = d96 * aux_s[1:2, :]
        for k in range(_MAX_ROWS):
            acc = jnp.where(di96 == k, emb_s[k:k + 1, :], acc)
        emb3t = jnp.stack([acc[:, c * _FEAT:(c + 1) * _FEAT]
                           for c in range(n_un)], axis=0)
        bu[:, :, 0:_FEAT] = jnp.transpose(emb3t, (1, 0, 2))

    row_ds = pl.ds(i * blkb, blkb)

    for s in range(2):
        @pl.when(jax.lax.rem(i, 2) == s)
        def _slot(s=s):
            cp_u = pltpu.make_async_copy(bufu.at[s], out_un_ref.at[row_ds],
                                         semu.at[s])

            @pl.when(i >= 2)
            def _wait_prev():
                cp_u.wait()

            _compute_into(bufu.at[s])
            cp_u.start()

    @pl.when(i == nsteps - 1)
    def _drain():
        for s in range(2):
            pltpu.make_async_copy(bufu.at[s], out_un_ref.at[row_ds],
                                  semu.at[s]).wait()


def kernel(unmasked_data, unmasked_idx, masked_idx, W_Gender, W_Department,
           W_Grade, W_Extracurricular_Activities, W_Internet_Access_at_Home,
           W_Parent_Education_Level, W_Family_Income_Level, W_num, W_pos):
    tables = [W_Gender, W_Department, W_Grade, W_Extracurricular_Activities,
              W_Internet_Access_at_Home, W_Parent_Education_Level,
              W_Family_Income_Level]
    bsz, n_un = unmasked_data.shape
    n_m = masked_idx.shape[1]
    stacked = jnp.stack(
        [jnp.pad(t, ((0, _MAX_ROWS - t.shape[0]), (0, 0))) for t in tables])
    lens = jnp.array([t.shape[0] for t in tables], jnp.int32)
    aid = unmasked_idx[0, :]
    mid = masked_idx[0, :]

    m_slab = pl.pallas_call(
        _masked_slab_body,
        in_specs=[
            pl.BlockSpec(memory_space=pltpu.SMEM),
            pl.BlockSpec(memory_space=pltpu.SMEM),
            pl.BlockSpec((_NTAB, _MAX_ROWS, _FEAT), lambda: (0, 0, 0)),
            pl.BlockSpec(W_pos.shape, lambda: (0, 0)),
        ],
        out_specs=pl.BlockSpec((n_m, _ROW), lambda: (0, 0)),
        out_shape=jax.ShapeDtypeStruct((n_m, _ROW), jnp.float32),
    )(mid, lens, stacked, W_pos)

    out_m = _replicate_masked(m_slab, bsz)

    grid = (bsz // _BLKB,)
    out_un = pl.pallas_call(
        _unmasked_body,
        grid=grid,
        in_specs=[
            pl.BlockSpec(memory_space=pltpu.SMEM),
            pl.BlockSpec(memory_space=pltpu.SMEM),
            pl.BlockSpec((_BLKB, n_un), lambda i: (i, 0)),
            pl.BlockSpec((_NTAB, _MAX_ROWS, _FEAT), lambda i: (0, 0, 0)),
            pl.BlockSpec((1, _FEAT), lambda i: (0, 0)),
            pl.BlockSpec(W_pos.shape, lambda i: (0, 0)),
        ],
        out_specs=pl.BlockSpec(memory_space=pl.ANY),
        out_shape=jax.ShapeDtypeStruct((bsz, n_un, _ROW), jnp.float32),
        scratch_shapes=[
            pltpu.VMEM((12, _ROW), jnp.float32),
            pltpu.VMEM((_MAX_ROWS, 12 * _FEAT), jnp.float32),
            pltpu.VMEM((2, 12 * _FEAT), jnp.float32),
            pltpu.VMEM((2, _BLKB, 12, _ROW), jnp.float32),
            pltpu.SemaphoreType.DMA((2,)),
        ],
        compiler_params=pltpu.CompilerParams(
            dimension_semantics=("arbitrary",)),
    )(aid, lens, unmasked_data, stacked, W_num, W_pos)
    return out_un, out_m

# --- scband reference (transcript-rebuilt; emitter-appended) ---
"""Pipeline reference for scband-feature-embed-50818053047062 (READ-ONLY COPY).

The authoritative reference and input builder live on the scoring server;
editing this copy changes nothing except your own understanding.
"""

import jax, jax.numpy as jnp
import numpy as np

CAT_NAMES = ["Gender", "Department", "Grade", "Extracurricular_Activities", "Internet_Access_at_Home", "Parent_Education_Level", "Family_Income_Level"]
CAT_LEN = {"Gender": 2, "Department": 5, "Grade": 4, "Extracurricular_Activities": 2, "Internet_Access_at_Home": 2, "Parent_Education_Level": 4, "Family_Income_Level": 3}
FEAT = 8
POS = 248
NUM_VARS = 18
B = 16384


def setup_inputs(seed: int = 0):
    key = jax.random.key(seed)
    ks = jax.random.split(key, 16)
    inp = {}
    # unmasked_data: float values; for categorical columns these are category ids stored as floats.
    # rand in [0,1) floors to 0 via .long(), which is always a valid row for every embedding table.
    inp["unmasked_data"] = jax.random.uniform(ks[0], (B, 12), dtype=jnp.float32)
    # column ids must be constant within each column (module asserts this); zeros -> col id 0 = Gender (categorical)
    inp["unmasked_idx"] = jnp.zeros((B, 12), dtype=jnp.int32)
    # ones -> col id 1 = Department (categorical) so the masked branch is deterministic (no torch.rand path)
    inp["masked_idx"] = jnp.ones((B, 6), dtype=jnp.int32)
    for i, name in enumerate(CAT_NAMES):
        inp["W_" + name] = jax.random.normal(ks[1 + i], (CAT_LEN[name] + 1, FEAT), dtype=jnp.float32) * 0.02
    # numerical_encoder: nn.Linear(1, FEAT, bias=False); stored here as [1, FEAT] so out = x @ W_num
    inp["W_num"] = jax.random.normal(ks[8], (1, FEAT), dtype=jnp.float32) * 0.02
    inp["W_pos"] = jax.random.normal(ks[9], (NUM_VARS, POS), dtype=jnp.float32) * 0.02
    return inp


def _encode(unmasked_data, unmasked_idx, masked_idx, tables, W_num, W_pos):
    # Faithful jax translation of Feature_Embed.encode (dropout is identity in eval mode)
    bsz = unmasked_data.shape[0]
    unmasked_pos_info = W_pos[unmasked_idx]  # gather [B, 12, POS]
    masked_pos_info = W_pos[masked_idx]      # gather [B, 6, POS]

    def _cat_branch(t):
        return lambda col: tables[t][jax.lax.stop_gradient(col).astype(jnp.int32)]

    def _num_branch(col):
        return col[:, None] @ W_num

    un_branches = [_cat_branch(t) for t in range(len(CAT_NAMES))] + [_num_branch]
    un_cols = []
    for c in range(unmasked_data.shape[1]):
        aid = unmasked_idx[0, c]  # constant per column by module assertion
        un_cols.append(jax.lax.switch(aid, un_branches, unmasked_data[:, c]))
    unmasked_emb = jnp.stack(un_cols, axis=1)
    unmasked_emb = jnp.concatenate([unmasked_emb, unmasked_pos_info], axis=2)

    def _mask_branch(t):
        mask_id = CAT_LEN[CAT_NAMES[t]]  # the reserved [MASK] row of the table
        return lambda _: tables[t][jnp.full((bsz,), mask_id, dtype=jnp.int32)]

    m_branches = [_mask_branch(t) for t in range(len(CAT_NAMES))]
    m_cols = []
    for c in range(masked_idx.shape[1]):
        mid = masked_idx[0, c]
        m_cols.append(jax.lax.switch(mid, m_branches, mid))
    masked_emb = jnp.stack(m_cols, axis=1)
    masked_emb = jnp.concatenate([masked_emb, masked_pos_info], axis=2)
    return unmasked_emb, masked_emb


def reference(unmasked_data, unmasked_idx, masked_idx, W_Gender, W_Department, W_Grade, W_Extracurricular_Activities, W_Internet_Access_at_Home, W_Parent_Education_Level, W_Family_Income_Level, W_num, W_pos):
    tables = [W_Gender, W_Department, W_Grade, W_Extracurricular_Activities, W_Internet_Access_at_Home, W_Parent_Education_Level, W_Family_Income_Level]
    return _encode(unmasked_data, unmasked_idx, masked_idx, tables, W_num, W_pos)


if False:  # reference __main__ guard neutralized (emitter)
    out = reference(**setup_inputs())
    print(out[0].shape, out[1].shape)

if __name__ == "__main__":
    import jax
    _d = setup_inputs()
    print(jax.jit(kernel)(*tuple(_d.values())))

</pallas_src>

<mosaic_0001>
#map = affine_map<(d0) -> (0, 0)>
#map1 = affine_map<(d0) -> (0, 0, 0)>
module attributes {stable_mosaic.version = 14 : i64} {
  func.func @repl(%arg0: i32, %arg1: memref<6x256xf32, #tpu.memory_space<hbm>>, %arg2: memref<16384x6x256xf32, #tpu.memory_space<hbm>>, %arg3: memref<!tpu.dma_semaphore, #tpu.memory_space<semaphore_mem>>) attributes {dimension_semantics = [#tpu.dimension_semantics<core_parallel>], iteration_bounds = array<i64: 2>, scalar_prefetch = 0 : i64, scratch_operands = 1 : i64, tpu.core_type = #tpu.core_type<sc_scalar_subcore>, window_params = [{transform_indices = #map}, {transform_indices = #map1}]} {
    %mul3A = arith.constant 8192 : i32
    %mul3A_0 = arith.muli %arg0, %mul3A : i32
    %dma_start3A = arith.constant 0 : i32
    %dma_start3A_1 = arith.constant 0 : i32
    %dma_start3A_2 = tpu.memref_slice %arg2[%mul3A_0, %dma_start3A, %dma_start3A_1] : memref<16384x6x256xf32, #tpu.memory_space<hbm>> -> memref<1x6x256xf32, #tpu.memory_space<hbm>>
    %dma_start3A_3 = tpu.memref_squeeze %dma_start3A_2 : memref<1x6x256xf32, #tpu.memory_space<hbm>> -> memref<6x256xf32, #tpu.memory_space<hbm>>
    tpu.enqueue_dma source(%arg1 : memref<6x256xf32, #tpu.memory_space<hbm>>) target(%dma_start3A_3 : memref<6x256xf32, #tpu.memory_space<hbm>>) target_semaphore(%arg3 : memref<!tpu.dma_semaphore, #tpu.memory_space<semaphore_mem>>)
    %dma_wait3A = arith.constant 0 : i32
    %dma_wait3A_4 = arith.constant 0 : i32
    %dma_wait3A_5 = tpu.memref_slice %arg2[%mul3A_0, %dma_wait3A, %dma_wait3A_4] : memref<16384x6x256xf32, #tpu.memory_space<hbm>> -> memref<1x6x256xf32, #tpu.memory_space<hbm>>
    %dma_wait3A_6 = tpu.memref_squeeze %dma_wait3A_5 : memref<1x6x256xf32, #tpu.memory_space<hbm>> -> memref<6x256xf32, #tpu.memory_space<hbm>>
    tpu.wait_dma2 semaphore(%arg3 : memref<!tpu.dma_semaphore, #tpu.memory_space<semaphore_mem>>) src(%arg1 : memref<6x256xf32, #tpu.memory_space<hbm>>) dst(%dma_wait3A_6 : memref<6x256xf32, #tpu.memory_space<hbm>>)
    %add3A = arith.constant 1 : i32
    %add3A_7 = arith.addi %mul3A_0, %add3A : i32
    %dma_start3A_8 = arith.constant 0 : i32
    %dma_start3A_9 = arith.constant 0 : i32
    %dma_start3A_10 = tpu.memref_slice %arg2[%add3A_7, %dma_start3A_8, %dma_start3A_9] : memref<16384x6x256xf32, #tpu.memory_space<hbm>> -> memref<1x6x256xf32, #tpu.memory_space<hbm>>
    %dma_start3A_11 = arith.constant 0 : i32
    %dma_start3A_12 = arith.constant 0 : i32
    %dma_start3A_13 = tpu.memref_slice %arg2[%mul3A_0, %dma_start3A_11, %dma_start3A_12] : memref<16384x6x256xf32, #tpu.memory_space<hbm>> -> memref<1x6x256xf32, #tpu.memory_space<hbm>>
    tpu.enqueue_dma source(%dma_start3A_13 : memref<1x6x256xf32, #tpu.memory_space<hbm>>) target(%dma_start3A_10 : memref<1x6x256xf32, #tpu.memory_space<hbm>>) target_semaphore(%arg3 : memref<!tpu.dma_semaphore, #tpu.memory_space<semaphore_mem>>)
    %dma_wait3A_14 = arith.constant 0 : i32
    %dma_wait3A_15 = arith.constant 0 : i32
    %dma_wait3A_16 = tpu.memref_slice %arg2[%add3A_7, %dma_wait3A_14, %dma_wait3A_15] : memref<16384x6x256xf32, #tpu.memory_space<hbm>> -> memref<1x6x256xf32, #tpu.memory_space<hbm>>
    %dma_wait3A_17 = arith.constant 0 : i32
    %dma_wait3A_18 = arith.constant 0 : i32
    %dma_wait3A_19 = tpu.memref_slice %arg2[%mul3A_0, %dma_wait3A_17, %dma_wait3A_18] : memref<16384x6x256xf32, #tpu.memory_space<hbm>> -> memref<1x6x256xf32, #tpu.memory_space<hbm>>
    tpu.wait_dma2 semaphore(%arg3 : memref<!tpu.dma_semaphore, #tpu.memory_space<semaphore_mem>>) src(%dma_wait3A_19 : memref<1x6x256xf32, #tpu.memory_space<hbm>>) dst(%dma_wait3A_16 : memref<1x6x256xf32, #tpu.memory_space<hbm>>)
    %add3A_20 = arith.constant 2 : i32
    %add3A_21 = arith.addi %mul3A_0, %add3A_20 : i32
    %dma_start3A_22 = arith.constant 0 : i32
    %dma_start3A_23 = arith.constant 0 : i32
    %dma_start3A_24 = tpu.memref_slice %arg2[%add3A_21, %dma_start3A_22, %dma_start3A_23] : memref<16384x6x256xf32, #tpu.memory_space<hbm>> -> memref<2x6x256xf32, #tpu.memory_space<hbm>>
    %dma_start3A_25 = arith.constant 0 : i32
    %dma_start3A_26 = arith.constant 0 : i32
    %dma_start3A_27 = tpu.memref_slice %arg2[%mul3A_0, %dma_start3A_25, %dma_start3A_26] : memref<16384x6x256xf32, #tpu.memory_space<hbm>> -> memref<2x6x256xf32, #tpu.memory_space<hbm>>
    tpu.enqueue_dma source(%dma_start3A_27 : memref<2x6x256xf32, #tpu.memory_space<hbm>>) target(%dma_start3A_24 : memref<2x6x256xf32, #tpu.memory_space<hbm>>) target_semaphore(%arg3 : memref<!tpu.dma_semaphore, #tpu.memory_space<semaphore_mem>>)
    %dma_wait3A_28 = arith.constant 0 : i32
    %dma_wait3A_29 = arith.constant 0 : i32
    %dma_wait3A_30 = tpu.memref_slice %arg2[%add3A_21, %dma_wait3A_28, %dma_wait3A_29] : memref<16384x6x256xf32, #tpu.memory_space<hbm>> -> memref<2x6x256xf32, #tpu.memory_space<hbm>>
    %dma_wait3A_31 = arith.constant 0 : i32
    %dma_wait3A_32 = arith.constant 0 : i32
    %dma_wait3A_33 = tpu.memref_slice %arg2[%mul3A_0, %dma_wait3A_31, %dma_wait3A_32] : memref<16384x6x256xf32, #tpu.memory_space<hbm>> -> memref<2x6x256xf32, #tpu.memory_space<hbm>>
    tpu.wait_dma2 semaphore(%arg3 : memref<!tpu.dma_semaphore, #tpu.memory_space<semaphore_mem>>) src(%dma_wait3A_33 : memref<2x6x256xf32, #tpu.memory_space<hbm>>) dst(%dma_wait3A_30 : memref<2x6x256xf32, #tpu.memory_space<hbm>>)
    %add3A_34 = arith.constant 4 : i32
    %add3A_35 = arith.addi %mul3A_0, %add3A_34 : i32
    %dma_start3A_36 = arith.constant 0 : i32
    %dma_start3A_37 = arith.constant 0 : i32
    %dma_start3A_38 = tpu.memref_slice %arg2[%add3A_35, %dma_start3A_36, %dma_start3A_37] : memref<16384x6x256xf32, #tpu.memory_space<hbm>> -> memref<4x6x256xf32, #tpu.memory_space<hbm>>
    %dma_start3A_39 = arith.constant 0 : i32
    %dma_start3A_40 = arith.constant 0 : i32
    %dma_start3A_41 = tpu.memref_slice %arg2[%mul3A_0, %dma_start3A_39, %dma_start3A_40] : memref<16384x6x256xf32, #tpu.memory_space<hbm>> -> memref<4x6x256xf32, #tpu.memory_space<hbm>>
    tpu.enqueue_dma source(%dma_start3A_41 : memref<4x6x256xf32, #tpu.memory_space<hbm>>) target(%dma_start3A_38 : memref<4x6x256xf32, #tpu.memory_space<hbm>>) target_semaphore(%arg3 : memref<!tpu.dma_semaphore, #tpu.memory_space<semaphore_mem>>)
    %dma_wait3A_42 = arith.constant 0 : i32
    %dma_wait3A_43 = arith.constant 0 : i32
    %dma_wait3A_44 = tpu.memref_slice %arg2[%add3A_35, %dma_wait3A_42, %dma_wait3A_43] : memref<16384x6x256xf32, #tpu.memory_space<hbm>> -> memref<4x6x256xf32, #tpu.memory_space<hbm>>
    %dma_wait3A_45 = arith.constant 0 : i32
    %dma_wait3A_46 = arith.constant 0 : i32
    %dma_wait3A_47 = tpu.memref_slice %arg2[%mul3A_0, %dma_wait3A_45, %dma_wait3A_46] : memref<16384x6x256xf32, #tpu.memory_space<hbm>> -> memref<4x6x256xf32, #tpu.memory_space<hbm>>
    tpu.wait_dma2 semaphore(%arg3 : memref<!tpu.dma_semaphore, #tpu.memory_space<semaphore_mem>>) src(%dma_wait3A_47 : memref<4x6x256xf32, #tpu.memory_space<hbm>>) dst(%dma_wait3A_44 : memref<4x6x256xf32, #tpu.memory_space<hbm>>)
    %add3A_48 = arith.constant 8 : i32
    %add3A_49 = arith.addi %mul3A_0, %add3A_48 : i32
    %dma_start3A_50 = arith.constant 0 : i32
    %dma_start3A_51 = arith.constant 0 : i32
    %dma_start3A_52 = tpu.memref_slice %arg2[%add3A_49, %dma_start3A_50, %dma_start3A_51] : memref<16384x6x256xf32, #tpu.memory_space<hbm>> -> memref<8x6x256xf32, #tpu.memory_space<hbm>>
    %dma_start3A_53 = arith.constant 0 : i32
    %dma_start3A_54 = arith.constant 0 : i32
    %dma_start3A_55 = tpu.memref_slice %arg2[%mul3A_0, %dma_start3A_53, %dma_start3A_54] : memref<16384x6x256xf32, #tpu.memory_space<hbm>> -> memref<8x6x256xf32, #tpu.memory_space<hbm>>
    tpu.enqueue_dma source(%dma_start3A_55 : memref<8x6x256xf32, #tpu.memory_space<hbm>>) target(%dma_start3A_52 : memref<8x6x256xf32, #tpu.memory_space<hbm>>) target_semaphore(%arg3 : memref<!tpu.dma_semaphore, #tpu.memory_space<semaphore_mem>>)
    %dma_wait3A_56 = arith.constant 0 : i32
    %dma_wait3A_57 = arith.constant 0 : i32
    %dma_wait3A_58 = tpu.memref_slice %arg2[%add3A_49, %dma_wait3A_56, %dma_wait3A_57] : memref<16384x6x256xf32, #tpu.memory_space<hbm>> -> memref<8x6x256xf32, #tpu.memory_space<hbm>>
    %dma_wait3A_59 = arith.constant 0 : i32
    %dma_wait3A_60 = arith.constant 0 : i32
    %dma_wait3A_61 = tpu.memref_slice %arg2[%mul3A_0, %dma_wait3A_59, %dma_wait3A_60] : memref<16384x6x256xf32, #tpu.memory_space<hbm>> -> memref<8x6x256xf32, #tpu.memory_space<hbm>>
    tpu.wait_dma2 semaphore(%arg3 : memref<!tpu.dma_semaphore, #tpu.memory_space<semaphore_mem>>) src(%dma_wait3A_61 : memref<8x6x256xf32, #tpu.memory_space<hbm>>) dst(%dma_wait3A_58 : memref<8x6x256xf32, #tpu.memory_space<hbm>>)
    %add3A_62 = arith.constant 16 : i32
    %add3A_63 = arith.addi %mul3A_0, %add3A_62 : i32
    %dma_start3A_64 = arith.constant 0 : i32
    %dma_start3A_65 = arith.constant 0 : i32
    %dma_start3A_66 = tpu.memref_slice %arg2[%add3A_63, %dma_start3A_64, %dma_start3A_65] : memref<16384x6x256xf32, #tpu.memory_space<hbm>> -> memref<16x6x256xf32, #tpu.memory_space<hbm>>
    %dma_start3A_67 = arith.constant 0 : i32
    %dma_start3A_68 = arith.constant 0 : i32
    %dma_start3A_69 = tpu.memref_slice %arg2[%mul3A_0, %dma_start3A_67, %dma_start3A_68] : memref<16384x6x256xf32, #tpu.memory_space<hbm>> -> memref<16x6x256xf32, #tpu.memory_space<hbm>>
    tpu.enqueue_dma source(%dma_start3A_69 : memref<16x6x256xf32, #tpu.memory_space<hbm>>) target(%dma_start3A_66 : memref<16x6x256xf32, #tpu.memory_space<hbm>>) target_semaphore(%arg3 : memref<!tpu.dma_semaphore, #tpu.memory_space<semaphore_mem>>)
    %dma_wait3A_70 = arith.constant 0 : i32
    %dma_wait3A_71 = arith.constant 0 : i32
    %dma_wait3A_72 = tpu.memref_slice %arg2[%add3A_63, %dma_wait3A_70, %dma_wait3A_71] : memref<16384x6x256xf32, #tpu.memory_space<hbm>> -> memref<16x6x256xf32, #tpu.memory_space<hbm>>
    %dma_wait3A_73 = arith.constant 0 : i32
    %dma_wait3A_74 = arith.constant 0 : i32
    %dma_wait3A_75 = tpu.memref_slice %arg2[%mul3A_0, %dma_wait3A_73, %dma_wait3A_74] : memref<16384x6x256xf32, #tpu.memory_space<hbm>> -> memref<16x6x256xf32, #tpu.memory_space<hbm>>
    tpu.wait_dma2 semaphore(%arg3 : memref<!tpu.dma_semaphore, #tpu.memory_space<semaphore_mem>>) src(%dma_wait3A_75 : memref<16x6x256xf32, #tpu.memory_space<hbm>>) dst(%dma_wait3A_72 : memref<16x6x256xf32, #tpu.memory_space<hbm>>)
    %add3A_76 = arith.constant 32 : i32
    %add3A_77 = arith.addi %mul3A_0, %add3A_76 : i32
    %dma_start3A_78 = arith.constant 0 : i32
    %dma_start3A_79 = arith.constant 0 : i32
    %dma_start3A_80 = tpu.memref_slice %arg2[%add3A_77, %dma_start3A_78, %dma_start3A_79] : memref<16384x6x256xf32, #tpu.memory_space<hbm>> -> memref<32x6x256xf32, #tpu.memory_space<hbm>>
    %dma_start3A_81 = arith.constant 0 : i32
    %dma_start3A_82 = arith.constant 0 : i32
    %dma_start3A_83 = tpu.memref_slice %arg2[%mul3A_0, %dma_start3A_81, %dma_start3A_82] : memref<16384x6x256xf32, #tpu.memory_space<hbm>> -> memref<32x6x256xf32, #tpu.memory_space<hbm>>
    tpu.enqueue_dma source(%dma_start3A_83 : memref<32x6x256xf32, #tpu.memory_space<hbm>>) target(%dma_start3A_80 : memref<32x6x256xf32, #tpu.memory_space<hbm>>) target_semaphore(%arg3 : memref<!tpu.dma_semaphore, #tpu.memory_space<semaphore_mem>>)
    %dma_wait3A_84 = arith.constant 0 : i32
    %dma_wait3A_85 = arith.constant 0 : i32
    %dma_wait3A_86 = tpu.memref_slice %arg2[%add3A_77, %dma_wait3A_84, %dma_wait3A_85] : memref<16384x6x256xf32, #tpu.memory_space<hbm>> -> memref<32x6x256xf32, #tpu.memory_space<hbm>>
    %dma_wait3A_87 = arith.constant 0 : i32
    %dma_wait3A_88 = arith.constant 0 : i32
    %dma_wait3A_89 = tpu.memref_slice %arg2[%mul3A_0, %dma_wait3A_87, %dma_wait3A_88] : memref<16384x6x256xf32, #tpu.memory_space<hbm>> -> memref<32x6x256xf32, #tpu.memory_space<hbm>>
    tpu.wait_dma2 semaphore(%arg3 : memref<!tpu.dma_semaphore, #tpu.memory_space<semaphore_mem>>) src(%dma_wait3A_89 : memref<32x6x256xf32, #tpu.memory_space<hbm>>) dst(%dma_wait3A_86 : memref<32x6x256xf32, #tpu.memory_space<hbm>>)
    %add3A_90 = arith.constant 64 : i32
    %add3A_91 = arith.addi %mul3A_0, %add3A_90 : i32
    %dma_start3A_92 = arith.constant 0 : i32
    %dma_start3A_93 = arith.constant 0 : i32
    %dma_start3A_94 = tpu.memref_slice %arg2[%add3A_91, %dma_start3A_92, %dma_start3A_93] : memref<16384x6x256xf32, #tpu.memory_space<hbm>> -> memref<64x6x256xf32, #tpu.memory_space<hbm>>
    %dma_start3A_95 = arith.constant 0 : i32
    %dma_start3A_96 = arith.constant 0 : i32
    %dma_start3A_97 = tpu.memref_slice %arg2[%mul3A_0, %dma_start3A_95, %dma_start3A_96] : memref<16384x6x256xf32, #tpu.memory_space<hbm>> -> memref<64x6x256xf32, #tpu.memory_space<hbm>>
    tpu.enqueue_dma source(%dma_start3A_97 : memref<64x6x256xf32, #tpu.memory_space<hbm>>) target(%dma_start3A_94 : memref<64x6x256xf32, #tpu.memory_space<hbm>>) target_semaphore(%arg3 : memref<!tpu.dma_semaphore, #tpu.memory_space<semaphore_mem>>)
    %dma_wait3A_98 = arith.constant 0 : i32
    %dma_wait3A_99 = arith.constant 0 : i32
    %dma_wait3A_100 = tpu.memref_slice %arg2[%add3A_91, %dma_wait3A_98, %dma_wait3A_99] : memref<16384x6x256xf32, #tpu.memory_space<hbm>> -> memref<64x6x256xf32, #tpu.memory_space<hbm>>
    %dma_wait3A_101 = arith.constant 0 : i32
    %dma_wait3A_102 = arith.constant 0 : i32
    %dma_wait3A_103 = tpu.memref_slice %arg2[%mul3A_0, %dma_wait3A_101, %dma_wait3A_102] : memref<16384x6x256xf32, #tpu.memory_space<hbm>> -> memref<64x6x256xf32, #tpu.memory_space<hbm>>
    tpu.wait_dma2 semaphore(%arg3 : memref<!tpu.dma_semaphore, #tpu.memory_space<semaphore_mem>>) src(%dma_wait3A_103 : memref<64x6x256xf32, #tpu.memory_space<hbm>>) dst(%dma_wait3A_100 : memref<64x6x256xf32, #tpu.memory_space<hbm>>)
    %add3A_104 = arith.constant 128 : i32
    %add3A_105 = arith.addi %mul3A_0, %add3A_104 : i32
    %dma_start3A_106 = arith.constant 0 : i32
    %dma_start3A_107 = arith.constant 0 : i32
    %dma_start3A_108 = tpu.memref_slice %arg2[%add3A_105, %dma_start3A_106, %dma_start3A_107] : memref<16384x6x256xf32, #tpu.memory_space<hbm>> -> memref<128x6x256xf32, #tpu.memory_space<hbm>>
    %dma_start3A_109 = arith.constant 0 : i32
    %dma_start3A_110 = arith.constant 0 : i32
    %dma_start3A_111 = tpu.memref_slice %arg2[%mul3A_0, %dma_start3A_109, %dma_start3A_110] : memref<16384x6x256xf32, #tpu.memory_space<hbm>> -> memref<128x6x256xf32, #tpu.memory_space<hbm>>
    tpu.enqueue_dma source(%dma_start3A_111 : memref<128x6x256xf32, #tpu.memory_space<hbm>>) target(%dma_start3A_108 : memref<128x6x256xf32, #tpu.memory_space<hbm>>) target_semaphore(%arg3 : memref<!tpu.dma_semaphore, #tpu.memory_space<semaphore_mem>>)
    %dma_wait3A_112 = arith.constant 0 : i32
    %dma_wait3A_113 = arith.constant 0 : i32
    %dma_wait3A_114 = tpu.memref_slice %arg2[%add3A_105, %dma_wait3A_112, %dma_wait3A_113] : memref<16384x6x256xf32, #tpu.memory_space<hbm>> -> memref<128x6x256xf32, #tpu.memory_space<hbm>>
    %dma_wait3A_115 = arith.constant 0 : i32
    %dma_wait3A_116 = arith.constant 0 : i32
    %dma_wait3A_117 = tpu.memref_slice %arg2[%mul3A_0, %dma_wait3A_115, %dma_wait3A_116] : memref<16384x6x256xf32, #tpu.memory_space<hbm>> -> memref<128x6x256xf32, #tpu.memory_space<hbm>>
    tpu.wait_dma2 semaphore(%arg3 : memref<!tpu.dma_semaphore, #tpu.memory_space<semaphore_mem>>) src(%dma_wait3A_117 : memref<128x6x256xf32, #tpu.memory_space<hbm>>) dst(%dma_wait3A_114 : memref<128x6x256xf32, #tpu.memory_space<hbm>>)
    %add3A_118 = arith.constant 256 : i32
    %add3A_119 = arith.addi %mul3A_0, %add3A_118 : i32
    %dma_start3A_120 = arith.constant 0 : i32
    %dma_start3A_121 = arith.constant 0 : i32
    %dma_start3A_122 = tpu.memref_slice %arg2[%add3A_119, %dma_start3A_120, %dma_start3A_121] : memref<16384x6x256xf32, #tpu.memory_space<hbm>> -> memref<256x6x256xf32, #tpu.memory_space<hbm>>
    %dma_start3A_123 = arith.constant 0 : i32
    %dma_start3A_124 = arith.constant 0 : i32
    %dma_start3A_125 = tpu.memref_slice %arg2[%mul3A_0, %dma_start3A_123, %dma_start3A_124] : memref<16384x6x256xf32, #tpu.memory_space<hbm>> -> memref<256x6x256xf32, #tpu.memory_space<hbm>>
    tpu.enqueue_dma source(%dma_start3A_125 : memref<256x6x256xf32, #tpu.memory_space<hbm>>) target(%dma_start3A_122 : memref<256x6x256xf32, #tpu.memory_space<hbm>>) target_semaphore(%arg3 : memref<!tpu.dma_semaphore, #tpu.memory_space<semaphore_mem>>)
    %dma_wait3A_126 = arith.constant 0 : i32
    %dma_wait3A_127 = arith.constant 0 : i32
    %dma_wait3A_128 = tpu.memref_slice %arg2[%add3A_119, %dma_wait3A_126, %dma_wait3A_127] : memref<16384x6x256xf32, #tpu.memory_space<hbm>> -> memref<256x6x256xf32, #tpu.memory_space<hbm>>
    %dma_wait3A_129 = arith.constant 0 : i32
    %dma_wait3A_130 = arith.constant 0 : i32
    %dma_wait3A_131 = tpu.memref_slice %arg2[%mul3A_0, %dma_wait3A_129, %dma_wait3A_130] : memref<16384x6x256xf32, #tpu.memory_space<hbm>> -> memref<256x6x256xf32, #tpu.memory_space<hbm>>
    tpu.wait_dma2 semaphore(%arg3 : memref<!tpu.dma_semaphore, #tpu.memory_space<semaphore_mem>>) src(%dma_wait3A_131 : memref<256x6x256xf32, #tpu.memory_space<hbm>>) dst(%dma_wait3A_128 : memref<256x6x256xf32, #tpu.memory_space<hbm>>)
    %add3A_132 = arith.constant 512 : i32
    %add3A_133 = arith.addi %mul3A_0, %add3A_132 : i32
    %dma_start3A_134 = arith.constant 0 : i32
    %dma_start3A_135 = arith.constant 0 : i32
    %dma_start3A_136 = tpu.memref_slice %arg2[%add3A_133, %dma_start3A_134, %dma_start3A_135] : memref<16384x6x256xf32, #tpu.memory_space<hbm>> -> memref<512x6x256xf32, #tpu.memory_space<hbm>>
    %dma_start3A_137 = arith.constant 0 : i32
    %dma_start3A_138 = arith.constant 0 : i32
    %dma_start3A_139 = tpu.memref_slice %arg2[%mul3A_0, %dma_start3A_137, %dma_start3A_138] : memref<16384x6x256xf32, #tpu.memory_space<hbm>> -> memref<512x6x256xf32, #tpu.memory_space<hbm>>
    tpu.enqueue_dma source(%dma_start3A_139 : memref<512x6x256xf32, #tpu.memory_space<hbm>>) target(%dma_start3A_136 : memref<512x6x256xf32, #tpu.memory_space<hbm>>) target_semaphore(%arg3 : memref<!tpu.dma_semaphore, #tpu.memory_space<semaphore_mem>>)
    %dma_wait3A_140 = arith.constant 0 : i32
    %dma_wait3A_141 = arith.constant 0 : i32
    %dma_wait3A_142 = tpu.memref_slice %arg2[%add3A_133, %dma_wait3A_140, %dma_wait3A_141] : memref<16384x6x256xf32, #tpu.memory_space<hbm>> -> memref<512x6x256xf32, #tpu.memory_space<hbm>>
    %dma_wait3A_143 = arith.constant 0 : i32
    %dma_wait3A_144 = arith.constant 0 : i32
    %dma_wait3A_145 = tpu.memref_slice %arg2[%mul3A_0, %dma_wait3A_143, %dma_wait3A_144] : memref<16384x6x256xf32, #tpu.memory_space<hbm>> -> memref<512x6x256xf32, #tpu.memory_space<hbm>>
    tpu.wait_dma2 semaphore(%arg3 : memref<!tpu.dma_semaphore, #tpu.memory_space<semaphore_mem>>) src(%dma_wait3A_145 : memref<512x6x256xf32, #tpu.memory_space<hbm>>) dst(%dma_wait3A_142 : memref<512x6x256xf32, #tpu.memory_space<hbm>>)
    %add3A_146 = arith.constant 1024 : i32
    %add3A_147 = arith.addi %mul3A_0, %add3A_146 : i32
    %dma_start3A_148 = arith.constant 0 : i32
    %dma_start3A_149 = arith.constant 0 : i32
    %dma_start3A_150 = tpu.memref_slice %arg2[%add3A_147, %dma_start3A_148, %dma_start3A_149] : memref<16384x6x256xf32, #tpu.memory_space<hbm>> -> memref<1024x6x256xf32, #tpu.memory_space<hbm>>
    %dma_start3A_151 = arith.constant 0 : i32
    %dma_start3A_152 = arith.constant 0 : i32
    %dma_start3A_153 = tpu.memref_slice %arg2[%mul3A_0, %dma_start3A_151, %dma_start3A_152] : memref<16384x6x256xf32, #tpu.memory_space<hbm>> -> memref<1024x6x256xf32, #tpu.memory_space<hbm>>
    tpu.enqueue_dma source(%dma_start3A_153 : memref<1024x6x256xf32, #tpu.memory_space<hbm>>) target(%dma_start3A_150 : memref<1024x6x256xf32, #tpu.memory_space<hbm>>) target_semaphore(%arg3 : memref<!tpu.dma_semaphore, #tpu.memory_space<semaphore_mem>>)
    %dma_wait3A_154 = arith.constant 0 : i32
    %dma_wait3A_155 = arith.constant 0 : i32
    %dma_wait3A_156 = tpu.memref_slice %arg2[%add3A_147, %dma_wait3A_154, %dma_wait3A_155] : memref<16384x6x256xf32, #tpu.memory_space<hbm>> -> memref<1024x6x256xf32, #tpu.memory_space<hbm>>
    %dma_wait3A_157 = arith.constant 0 : i32
    %dma_wait3A_158 = arith.constant 0 : i32
    %dma_wait3A_159 = tpu.memref_slice %arg2[%mul3A_0, %dma_wait3A_157, %dma_wait3A_158] : memref<16384x6x256xf32, #tpu.memory_space<hbm>> -> memref<1024x6x256xf32, #tpu.memory_space<hbm>>
    tpu.wait_dma2 semaphore(%arg3 : memref<!tpu.dma_semaphore, #tpu.memory_space<semaphore_mem>>) src(%dma_wait3A_159 : memref<1024x6x256xf32, #tpu.memory_space<hbm>>) dst(%dma_wait3A_156 : memref<1024x6x256xf32, #tpu.memory_space<hbm>>)
    %add3A_160 = arith.constant 2048 : i32
    %add3A_161 = arith.addi %mul3A_0, %add3A_160 : i32
    %dma_start3A_162 = arith.constant 0 : i32
    %dma_start3A_163 = arith.constant 0 : i32
    %dma_start3A_164 = tpu.memref_slice %arg2[%add3A_161, %dma_start3A_162, %dma_start3A_163] : memref<16384x6x256xf32, #tpu.memory_space<hbm>> -> memref<2048x6x256xf32, #tpu.memory_space<hbm>>
    %dma_start3A_165 = arith.constant 0 : i32
    %dma_start3A_166 = arith.constant 0 : i32
    %dma_start3A_167 = tpu.memref_slice %arg2[%mul3A_0, %dma_start3A_165, %dma_start3A_166] : memref<16384x6x256xf32, #tpu.memory_space<hbm>> -> memref<2048x6x256xf32, #tpu.memory_space<hbm>>
    tpu.enqueue_dma source(%dma_start3A_167 : memref<2048x6x256xf32, #tpu.memory_space<hbm>>) target(%dma_start3A_164 : memref<2048x6x256xf32, #tpu.memory_space<hbm>>) target_semaphore(%arg3 : memref<!tpu.dma_semaphore, #tpu.memory_space<semaphore_mem>>)
    %dma_wait3A_168 = arith.constant 0 : i32
    %dma_wait3A_169 = arith.constant 0 : i32
    %dma_wait3A_170 = tpu.memref_slice %arg2[%add3A_161, %dma_wait3A_168, %dma_wait3A_169] : memref<16384x6x256xf32, #tpu.memory_space<hbm>> -> memref<2048x6x256xf32, #tpu.memory_space<hbm>>
    %dma_wait3A_171 = arith.constant 0 : i32
    %dma_wait3A_172 = arith.constant 0 : i32
    %dma_wait3A_173 = tpu.memref_slice %arg2[%mul3A_0, %dma_wait3A_171, %dma_wait3A_172] : memref<16384x6x256xf32, #tpu.memory_space<hbm>> -> memref<2048x6x256xf32, #tpu.memory_space<hbm>>
    tpu.wait_dma2 semaphore(%arg3 : memref<!tpu.dma_semaphore, #tpu.memory_space<semaphore_mem>>) src(%dma_wait3A_173 : memref<2048x6x256xf32, #tpu.memory_space<hbm>>) dst(%dma_wait3A_170 : memref<2048x6x256xf32, #tpu.memory_space<hbm>>)
    %add3A_174 = arith.constant 4096 : i32
    %add3A_175 = arith.addi %mul3A_0, %add3A_174 : i32
    %dma_start3A_176 = arith.constant 0 : i32
    %dma_start3A_177 = arith.constant 0 : i32
    %dma_start3A_178 = tpu.memref_slice %arg2[%add3A_175, %dma_start3A_176, %dma_start3A_177] : memref<16384x6x256xf32, #tpu.memory_space<hbm>> -> memref<4096x6x256xf32, #tpu.memory_space<hbm>>
    %dma_start3A_179 = arith.constant 0 : i32
    %dma_start3A_180 = arith.constant 0 : i32
    %dma_start3A_181 = tpu.memref_slice %arg2[%mul3A_0, %dma_start3A_179, %dma_start3A_180] : memref<16384x6x256xf32, #tpu.memory_space<hbm>> -> memref<4096x6x256xf32, #tpu.memory_space<hbm>>
    tpu.enqueue_dma source(%dma_start3A_181 : memref<4096x6x256xf32, #tpu.memory_space<hbm>>) target(%dma_start3A_178 : memref<4096x6x256xf32, #tpu.memory_space<hbm>>) target_semaphore(%arg3 : memref<!tpu.dma_semaphore, #tpu.memory_space<semaphore_mem>>)
    %dma_wait3A_182 = arith.constant 0 : i32
    %dma_wait3A_183 = arith.constant 0 : i32
    %dma_wait3A_184 = tpu.memref_slice %arg2[%add3A_175, %dma_wait3A_182, %dma_wait3A_183] : memref<16384x6x256xf32, #tpu.memory_space<hbm>> -> memref<4096x6x256xf32, #tpu.memory_space<hbm>>
    %dma_wait3A_185 = arith.constant 0 : i32
    %dma_wait3A_186 = arith.constant 0 : i32
    %dma_wait3A_187 = tpu.memref_slice %arg2[%mul3A_0, %dma_wait3A_185, %dma_wait3A_186] : memref<16384x6x256xf32, #tpu.memory_space<hbm>> -> memref<4096x6x256xf32, #tpu.memory_space<hbm>>
    tpu.wait_dma2 semaphore(%arg3 : memref<!tpu.dma_semaphore, #tpu.memory_space<semaphore_mem>>) src(%dma_wait3A_187 : memref<4096x6x256xf32, #tpu.memory_space<hbm>>) dst(%dma_wait3A_184 : memref<4096x6x256xf32, #tpu.memory_space<hbm>>)
    return
  }
}

module attributes {stable_mosaic.version = 14 : i64} {
  func.func @_unmasked_body(%arg0: i32, %arg1: memref<12xi32, #tpu.memory_space<smem>>, %arg2: memref<7xi32, #tpu.memory_space<smem>>, %arg3: memref<512x12xf32, #tpu.memory_space<vmem>>, %arg4: memref<7x6x8xf32, #tpu.memory_space<vmem>>, %arg5: memref<1x8xf32, #tpu.memory_space<vmem>>, %arg6: memref<18x248xf32, #tpu.memory_space<vmem>>, %arg7: memref<16384x12x256xf32, #tpu.memory_space<any>>, %arg8: memref<12x256xf32, #tpu.memory_space<vmem>>, %arg9: memref<6x96xf32, #tpu.memory_space<vmem>>, %arg10: memref<2x96xf32, #tpu.memory_space<vmem>>, %arg11: memref<2x512x12x256xf32, #tpu.memory_space<vmem>>, %arg12: memref<2x!tpu.dma_semaphore, #tpu.memory_space<semaphore_mem>>) attributes {dimension_semantics = [#tpu.dimension_semantics<arbitrary>], iteration_bounds = array<i64: 32>, scalar_prefetch = 0 : i64, scratch_operands = 5 : i64, tpu.core_type = #tpu.core_type<tc>, window_params = [{transform_indices = @transform_0, window_bounds = array<i64: 12>}, {transform_indices = @transform_1, window_bounds = array<i64: 7>}, {transform_indices = @transform_2, window_bounds = array<i64: 512, 12>}, {pipeline_mode = #tpu.pipeline_mode<synchronous>, transform_indices = @transform_3, window_bounds = array<i64: 7, 6, 8>}, {pipeline_mode = #tpu.pipeline_mode<synchronous>, transform_indices = @transform_4, window_bounds = array<i64: 1, 8>}, {pipeline_mode = #tpu.pipeline_mode<synchronous>, transform_indices = @transform_5, window_bounds = array<i64: 18, 248>}, {}]} {
    %eq3A = arith.constant 0 : i32
    %eq3A_0 = arith.cmpi eq, %arg0, %eq3A : i32
    %convert_element_type3A = arith.extui %eq3A_0 : i1 to i32
    %cond3A = arith.constant 0 : i32
    %cond3A_1 = arith.cmpi ne, %convert_element_type3A, %cond3A : i32
    scf.if %cond3A_1 {
      %get3A = arith.constant 0 : index
      %get3A_21 = memref.load %arg1[%get3A] : memref<12xi32, #tpu.memory_space<smem>>
      %min3A = arith.constant 7 : i32
      %min3A_22 = arith.minsi %get3A_21, %min3A : i32
      %min3A_23 = arith.constant 6 : i32
      %min3A_24 = arith.minsi %min3A_22, %min3A_23 : i32
      %jit3A = arith.constant 0 : i32
      %jit3A_25 = arith.constant 17 : i32
      %max3A = arith.maxsi %jit3A, %get3A_21 : i32
      %min3A_26 = arith.minsi %jit3A_25, %max3A : i32
      %get3A_27 = arith.index_cast %min3A_26 : i32 to index
      %get3A_28 = arith.constant 0 : index
      %get3A_29 = vector.load %arg6[%get3A_27, %get3A_28] : memref<18x248xf32, #tpu.memory_space<vmem>>, vector<1x248xf32>
      %broadcast_in_dim3A = arith.constant 0.000000e+00 : f32
      %broadcast_in_dim3A_30 = vector.broadcast %broadcast_in_dim3A : f32 to vector<1x8xf32>
      %concatenate3A = tpu.concatenate %broadcast_in_dim3A_30, %get3A_29 in 1 : vector<1x8xf32>, vector<1x248xf32> -> vector<1x256xf32>
      %swap3A = arith.constant 0 : index
      %swap3A_31 = arith.constant 0 : index
      %swap3A_32 = vector.load %arg8[%swap3A, %swap3A_31] : memref<12x256xf32, #tpu.memory_space<vmem>>, vector<1x256xf32>
      tpu.vector_store %arg8[%swap3A, %swap3A_31], %concatenate3A {strides = array<i32>} : memref<12x256xf32, #tpu.memory_space<vmem>>, vector<1x256xf32>,
      %get3A_33 = arith.index_cast %min3A_24 : i32 to index
      %get3A_34 = arith.constant 0 : index
      %get3A_35 = arith.constant 0 : index
      %get3A_36 = vector.load %arg4[%get3A_33, %get3A_34, %get3A_35] : memref<7x6x8xf32, #tpu.memory_space<vmem>>, vector<1x6x8xf32>
      %eq3A_37 = arith.constant 7 : i32
      %eq3A_38 = arith.cmpi eq, %min3A_22, %eq3A_37 : i32
      %broadcast_in_dim3A_39 = arith.constant 0.000000e+00 : f32
      %broadcast_in_dim3A_40 = vector.broadcast %broadcast_in_dim3A_39 : f32 to vector<1x8xf32>
      %slice3A = vector.extract_strided_slice %get3A_36 {offsets = [0, 0, 0], sizes = [1, 1, 8], strides = [1, 1, 1]} : vector<1x6x8xf32> to vector<1x1x8xf32>
      %squeeze3A = vector.shape_cast %slice3A : vector<1x1x8xf32> to vector<1x8xf32>
      %select_n3A = arith.select %eq3A_38, %broadcast_in_dim3A_40, %squeeze3A : vector<1x8xf32>
      %swap3A_41 = arith.constant 0 : index
      %swap3A_42 = arith.constant 0 : index
      %swap3A_43 = vector.load %arg9[%swap3A_41, %swap3A_42] : memref<6x96xf32, #tpu.memory_space<vmem>>, vector<1x8xf32>
      tpu.vector_store %arg9[%swap3A_41, %swap3A_42], %select_n3A {strides = array<i32>} : memref<6x96xf32, #tpu.memory_space<vmem>>, vector<1x8xf32>,
      %broadcast_in_dim3A_44 = arith.constant 0.000000e+00 : f32
      %broadcast_in_dim3A_45 = vector.broadcast %broadcast_in_dim3A_44 : f32 to vector<1x8xf32>
      %slice3A_46 = vector.extract_strided_slice %get3A_36 {offsets = [0, 1, 0], sizes = [1, 1, 8], strides = [1, 1, 1]} : vector<1x6x8xf32> to vector<1x1x8xf32>
      %squeeze3A_47 = vector.shape_cast %slice3A_46 : vector<1x1x8xf32> to vector<1x8xf32>
      %select_n3A_48 = arith.select %eq3A_38, %broadcast_in_dim3A_45, %squeeze3A_47 : vector<1x8xf32>
      %swap3A_49 = arith.constant 1 : index
      %swap3A_50 = arith.constant 0 : index
      %swap3A_51 = vector.load %arg9[%swap3A_49, %swap3A_50] : memref<6x96xf32, #tpu.memory_space<vmem>>, vector<1x8xf32>
      tpu.vector_store %arg9[%swap3A_49, %swap3A_50], %select_n3A_48 {strides = array<i32>} : memref<6x96xf32, #tpu.memory_space<vmem>>, vector<1x8xf32>,
      %broadcast_in_dim3A_52 = arith.constant 0.000000e+00 : f32
      %broadcast_in_dim3A_53 = vector.broadcast %broadcast_in_dim3A_52 : f32 to vector<1x8xf32>
      %slice3A_54 = vector.extract_strided_slice %get3A_36 {offsets = [0, 2, 0], sizes = [1, 1, 8], strides = [1, 1, 1]} : vector<1x6x8xf32> to vector<1x1x8xf32>
      %squeeze3A_55 = vector.shape_cast %slice3A_54 : vector<1x1x8xf32> to vector<1x8xf32>
      %select_n3A_56 = arith.select %eq3A_38, %broadcast_in_dim3A_53, %squeeze3A_55 : vector<1x8xf32>
      %swap3A_57 = arith.constant 2 : index
      %swap3A_58 = arith.constant 0 : index
      %swap3A_59 = vector.load %arg9[%swap3A_57, %swap3A_58] : memref<6x96xf32, #tpu.memory_space<vmem>>, vector<1x8xf32>
      tpu.vector_store %arg9[%swap3A_57, %swap3A_58], %select_n3A_56 {strides = array<i32>} : memref<6x96xf32, #tpu.memory_space<vmem>>, vector<1x8xf32>,
      %broadcast_in_dim3A_60 = arith.constant 0.000000e+00 : f32
      %broadcast_in_dim3A_61 = vector.broadcast %broadcast_in_dim3A_60 : f32 to vector<1x8xf32>
      %slice3A_62 = vector.extract_strided_slice %get3A_36 {offsets = [0, 3, 0], sizes = [1, 1, 8], strides = [1, 1, 1]} : vector<1x6x8xf32> to vector<1x1x8xf32>
      %squeeze3A_63 = vector.shape_cast %slice3A_62 : vector<1x1x8xf32> to vector<1x8xf32>
      %select_n3A_64 = arith.select %eq3A_38, %broadcast_in_dim3A_61, %squeeze3A_63 : vector<1x8xf32>
      %swap3A_65 = arith.constant 3 : index
      %swap3A_66 = arith.constant 0 : index
      %swap3A_67 = vector.load %arg9[%swap3A_65, %swap3A_66] : memref<6x96xf32, #tpu.memory_space<vmem>>, vector<1x8xf32>
      tpu.vector_store %arg9[%swap3A_65, %swap3A_66], %select_n3A_64 {strides = array<i32>} : memref<6x96xf32, #tpu.memory_space<vmem>>, vector<1x8xf32>,
      %broadcast_in_dim3A_68 = arith.constant 0.000000e+00 : f32
      %broadcast_in_dim3A_69 = vector.broadcast %broadcast_in_dim3A_68 : f32 to vector<1x8xf32>
      %slice3A_70 = vector.extract_strided_slice %get3A_36 {offsets = [0, 4, 0], sizes = [1, 1, 8], strides = [1, 1, 1]} : vector<1x6x8xf32> to vector<1x1x8xf32>
      %squeeze3A_71 = vector.shape_cast %slice3A_70 : vector<1x1x8xf32> to vector<1x8xf32>
      %select_n3A_72 = arith.select %eq3A_38, %broadcast_in_dim3A_69, %squeeze3A_71 : vector<1x8xf32>
      %swap3A_73 = arith.constant 4 : index
      %swap3A_74 = arith.constant 0 : index
      %swap3A_75 = vector.load %arg9[%swap3A_73, %swap3A_74] : memref<6x96xf32, #tpu.memory_space<vmem>>, vector<1x8xf32>
      tpu.vector_store %arg9[%swap3A_73, %swap3A_74], %select_n3A_72 {strides = array<i32>} : memref<6x96xf32, #tpu.memory_space<vmem>>, vector<1x8xf32>,
      %broadcast_in_dim3A_76 = arith.constant 0.000000e+00 : f32
      %broadcast_in_dim3A_77 = vector.broadcast %broadcast_in_dim3A_76 : f32 to vector<1x8xf32>
      %slice3A_78 = vector.extract_strided_slice %get3A_36 {offsets = [0, 5, 0], sizes = [1, 1, 8], strides = [1, 1, 1]} : vector<1x6x8xf32> to vector<1x1x8xf32>
      %squeeze3A_79 = vector.shape_cast %slice3A_78 : vector<1x1x8xf32> to vector<1x8xf32>
      %select_n3A_80 = arith.select %eq3A_38, %broadcast_in_dim3A_77, %squeeze3A_79 : vector<1x8xf32>
      %swap3A_81 = arith.constant 5 : index
      %swap3A_82 = arith.constant 0 : index
      %swap3A_83 = vector.load %arg9[%swap3A_81, %swap3A_82] : memref<6x96xf32, #tpu.memory_space<vmem>>, vector<1x8xf32>
      tpu.vector_store %arg9[%swap3A_81, %swap3A_82], %select_n3A_80 {strides = array<i32>} : memref<6x96xf32, #tpu.memory_space<vmem>>, vector<1x8xf32>,
      %get3A_84 = arith.index_cast %min3A_24 : i32 to index
      %get3A_85 = memref.load %arg2[%get3A_84] : memref<7xi32, #tpu.memory_space<smem>>
      %sub3A = arith.constant 1 : i32
      %sub3A_86 = arith.subi %get3A_85, %sub3A : i32
      %jit3A_87 = arith.constant -1 : i32
      %select_n3A_88 = arith.select %eq3A_38, %jit3A_87, %sub3A_86 : i32
      %reshape3A = vector.broadcast %select_n3A_88 : i32 to vector<1x1xi32>
      %convert_element_type3A_89 = arith.sitofp %reshape3A : vector<1x1xi32> to vector<1x1xf32>
      %broadcast_in_dim3A_90 = vector.shape_cast %convert_element_type3A_89 : vector<1x1xf32> to vector<1x1xf32>
      %broadcast_in_dim3A_91 = vector.broadcast %broadcast_in_dim3A_90 : vector<1x1xf32> to vector<1x8xf32>
      %swap3A_92 = arith.constant 0 : index
      %swap3A_93 = arith.constant 0 : index
      %swap3A_94 = vector.load %arg10[%swap3A_92, %swap3A_93] : memref<2x96xf32, #tpu.memory_space<vmem>>, vector<1x8xf32>
      tpu.vector_store %arg10[%swap3A_92, %swap3A_93], %broadcast_in_dim3A_91 {strides = array<i32>} : memref<2x96xf32, #tpu.memory_space<vmem>>, vector<1x8xf32>,
      %get3A_95 = arith.constant 0 : index
      %get3A_96 = arith.constant 0 : index
      %get3A_97 = vector.load %arg5[%get3A_95, %get3A_96] : memref<1x8xf32, #tpu.memory_space<vmem>>, vector<1x8xf32>
      %swap3A_98 = arith.constant 1 : index
      %swap3A_99 = arith.constant 0 : index
      %swap3A_100 = vector.load %arg10[%swap3A_98, %swap3A_99] : memref<2x96xf32, #tpu.memory_space<vmem>>, vector<1x8xf32>
      tpu.vector_store %arg10[%swap3A_98, %swap3A_99], %get3A_97 {strides = array<i32>} : memref<2x96xf32, #tpu.memory_space<vmem>>, vector<1x8xf32>,
      %get3A_101 = arith.constant 1 : index
      %get3A_102 = memref.load %arg1[%get3A_101] : memref<12xi32, #tpu.memory_space<smem>>
      %min3A_103 = arith.constant 7 : i32
      %min3A_104 = arith.minsi %get3A_102, %min3A_103 : i32
      %min3A_105 = arith.constant 6 : i32
      %min3A_106 = arith.minsi %min3A_104, %min3A_105 : i32
      %jit3A_107 = arith.constant 0 : i32
      %jit3A_108 = arith.constant 17 : i32
      %max3A_109 = arith.maxsi %jit3A_107, %get3A_102 : i32
      %min3A_110 = arith.minsi %jit3A_108, %max3A_109 : i32
      %get3A_111 = arith.index_cast %min3A_110 : i32 to index
      %get3A_112 = arith.constant 0 : index
      %get3A_113 = vector.load %arg6[%get3A_111, %get3A_112] : memref<18x248xf32, #tpu.memory_space<vmem>>, vector<1x248xf32>
      %broadcast_in_dim3A_114 = arith.constant 0.000000e+00 : f32
      %broadcast_in_dim3A_115 = vector.broadcast %broadcast_in_dim3A_114 : f32 to vector<1x8xf32>
      %concatenate3A_116 = tpu.concatenate %broadcast_in_dim3A_115, %get3A_113 in 1 : vector<1x8xf32>, vector<1x248xf32> -> vector<1x256xf32>
      %swap3A_117 = arith.constant 1 : index
      %swap3A_118 = arith.constant 0 : index
      %swap3A_119 = vector.load %arg8[%swap3A_117, %swap3A_118] : memref<12x256xf32, #tpu.memory_space<vmem>>, vector<1x256xf32>
      tpu.vector_store %arg8[%swap3A_117, %swap3A_118], %concatenate3A_116 {strides = array<i32>} : memref<12x256xf32, #tpu.memory_space<vmem>>, vector<1x256xf32>,
      %get3A_120 = arith.index_cast %min3A_106 : i32 to index
      %get3A_121 = arith.constant 0 : index
      %get3A_122 = arith.constant 0 : index
      %get3A_123 = vector.load %arg4[%get3A_120, %get3A_121, %get3A_122] : memref<7x6x8xf32, #tpu.memory_space<vmem>>, vector<1x6x8xf32>
      %eq3A_124 = arith.constant 7 : i32
      %eq3A_125 = arith.cmpi eq, %min3A_104, %eq3A_124 : i32
      %broadcast_in_dim3A_126 = arith.constant 0.000000e+00 : f32
      %broadcast_in_dim3A_127 = vector.broadcast %broadcast_in_dim3A_126 : f32 to vector<1x8xf32>
      %slice3A_128 = vector.extract_strided_slice %get3A_123 {offsets = [0, 0, 0], sizes = [1, 1, 8], strides = [1, 1, 1]} : vector<1x6x8xf32> to vector<1x1x8xf32>
      %squeeze3A_129 = vector.shape_cast %slice3A_128 : vector<1x1x8xf32> to vector<1x8xf32>
      %select_n3A_130 = arith.select %eq3A_125, %broadcast_in_dim3A_127, %squeeze3A_129 : vector<1x8xf32>
      %swap3A_131 = arith.constant 0 : index
      %swap3A_132 = arith.constant 8 : index
      %swap3A_133 = vector.load %arg9[%swap3A_131, %swap3A_132] : memref<6x96xf32, #tpu.memory_space<vmem>>, vector<1x8xf32>
      tpu.vector_store %arg9[%swap3A_131, %swap3A_132], %select_n3A_130 {strides = array<i32>} : memref<6x96xf32, #tpu.memory_space<vmem>>, vector<1x8xf32>,
      %broadcast_in_dim3A_134 = arith.constant 0.000000e+00 : f32
      %broadcast_in_dim3A_135 = vector.broadcast %broadcast_in_dim3A_134 : f32 to vector<1x8xf32>
      %slice3A_136 = vector.extract_strided_slice %get3A_123 {offsets = [0, 1, 0], sizes = [1, 1, 8], strides = [1, 1, 1]} : vector<1x6x8xf32> to vector<1x1x8xf32>
      %squeeze3A_137 = vector.shape_cast %slice3A_136 : vector<1x1x8xf32> to vector<1x8xf32>
      %select_n3A_138 = arith.select %eq3A_125, %broadcast_in_dim3A_135, %squeeze3A_137 : vector<1x8xf32>
      %swap3A_139 = arith.constant 1 : index
      %swap3A_140 = arith.constant 8 : index
      %swap3A_141 = vector.load %arg9[%swap3A_139, %swap3A_140] : memref<6x96xf32, #tpu.memory_space<vmem>>, vector<1x8xf32>
      tpu.vector_store %arg9[%swap3A_139, %swap3A_140], %select_n3A_138 {strides = array<i32>} : memref<6x96xf32, #tpu.memory_space<vmem>>, vector<1x8xf32>,
      %broadcast_in_dim3A_142 = arith.constant 0.000000e+00 : f32
      %broadcast_in_dim3A_143 = vector.broadcast %broadcast_in_dim3A_142 : f32 to vector<1x8xf32>
      %slice3A_144 = vector.extract_strided_slice %get3A_123 {offsets = [0, 2, 0], sizes = [1, 1, 8], strides = [1, 1, 1]} : vector<1x6x8xf32> to vector<1x1x8xf32>
      %squeeze3A_145 = vector.shape_cast %slice3A_144 : vector<1x1x8xf32> to vector<1x8xf32>
      %select_n3A_146 = arith.select %eq3A_125, %broadcast_in_dim3A_143, %squeeze3A_145 : vector<1x8xf32>
      %swap3A_147 = arith.constant 2 : index
      %swap3A_148 = arith.constant 8 : index
      %swap3A_149 = vector.load %arg9[%swap3A_147, %swap3A_148] : memref<6x96xf32, #tpu.memory_space<vmem>>, vector<1x8xf32>
      tpu.vector_store %arg9[%swap3A_147, %swap3A_148], %select_n3A_146 {strides = array<i32>} : memref<6x96xf32, #tpu.memory_space<vmem>>, vector<1x8xf32>,
      %broadcast_in_dim3A_150 = arith.constant 0.000000e+00 : f32
      %broadcast_in_dim3A_151 = vector.broadcast %broadcast_in_dim3A_150 : f32 to vector<1x8xf32>
      %slice3A_152 = vector.extract_strided_slice %get3A_123 {offsets = [0, 3, 0], sizes = [1, 1, 8], strides = [1, 1, 1]} : vector<1x6x8xf32> to vector<1x1x8xf32>
      %squeeze3A_153 = vector.shape_cast %slice3A_152 : vector<1x1x8xf32> to vector<1x8xf32>
      %select_n3A_154 = arith.select %eq3A_125, %broadcast_in_dim3A_151, %squeeze3A_153 : vector<1x8xf32>
      %swap3A_155 = arith.constant 3 : index
      %swap3A_156 = arith.constant 8 : index
      %swap3A_157 = vector.load %arg9[%swap3A_155, %swap3A_156] : memref<6x96xf32, #tpu.memory_space<vmem>>, vector<1x8xf32>
      tpu.vector_store %arg9[%swap3A_155, %swap3A_156], %select_n3A_154 {strides = array<i32>} : memref<6x96xf32, #tpu.memory_space<vmem>>, vector<1x8xf32>,
      %broadcast_in_dim3A_158 = arith.constant 0.000000e+00 : f32
      %broadcast_in_dim3A_159 = vector.broadcast %broadcast_in_dim3A_158 : f32 to vector<1x8xf32>
      %slice3A_160 = vector.extract_strided_slice %get3A_123 {offsets = [0, 4, 0], sizes = [1, 1, 8], strides = [1, 1, 1]} : vector<1x6x8xf32> to vector<1x1x8xf32>
      %squeeze3A_161 = vector.shape_cast %slice3A_160 : vector<1x1x8xf32> to vector<1x8xf32>
      %select_n3A_162 = arith.select %eq3A_125, %broadcast_in_dim3A_159, %squeeze3A_161 : vector<1x8xf32>
      %swap3A_163 = arith.constant 4 : index
      %swap3A_164 = arith.constant 8 : index
      %swap3A_165 = vector.load %arg9[%swap3A_163, %swap3A_164] : memref<6x96xf32, #tpu.memory_space<vmem>>, vector<1x8xf32>
      tpu.vector_store %arg9[%swap3A_163, %swap3A_164], %select_n3A_162 {strides = array<i32>} : memref<6x96xf32, #tpu.memory_space<vmem>>, vector<1x8xf32>,
      %broadcast_in_dim3A_166 = arith.constant 0.000000e+00 : f32
      %broadcast_in_dim3A_167 = vector.broadcast %broadcast_in_dim3A_166 : f32 to vector<1x8xf32>
      %slice3A_168 = vector.extract_strided_slice %get3A_123 {offsets = [0, 5, 0], sizes = [1, 1, 8], strides = [1, 1, 1]} : vector<1x6x8xf32> to vector<1x1x8xf32>
      %squeeze3A_169 = vector.shape_cast %slice3A_168 : vector<1x1x8xf32> to vector<1x8xf32>
      %select_n3A_170 = arith.select %eq3A_125, %broadcast_in_dim3A_167, %squeeze3A_169 : vector<1x8xf32>
      %swap3A_171 = arith.constant 5 : index
      %swap3A_172 = arith.constant 8 : index
      %swap3A_173 = vector.load %arg9[%swap3A_171, %swap3A_172] : memref<6x96xf32, #tpu.memory_space<vmem>>, vector<1x8xf32>
      tpu.vector_store %arg9[%swap3A_171, %swap3A_172], %select_n3A_170 {strides = array<i32>} : memref<6x96xf32, #tpu.memory_space<vmem>>, vector<1x8xf32>,
      %get3A_174 = arith.index_cast %min3A_106 : i32 to index
      %get3A_175 = memref.load %arg2[%get3A_174] : memref<7xi32, #tpu.memory_space<smem>>
      %sub3A_176 = arith.constant 1 : i32
      %sub3A_177 = arith.subi %get3A_175, %sub3A_176 : i32
      %jit3A_178 = arith.constant -1 : i32
      %select_n3A_179 = arith.select %eq3A_125, %jit3A_178, %sub3A_177 : i32
      %reshape3A_180 = vector.broadcast %select_n3A_179 : i32 to vector<1x1xi32>
      %convert_element_type3A_181 = arith.sitofp %reshape3A_180 : vector<1x1xi32> to vector<1x1xf32>
      %broadcast_in_dim3A_182 = vector.shape_cast %convert_element_type3A_181 : vector<1x1xf32> to vector<1x1xf32>
      %broadcast_in_dim3A_183 = vector.broadcast %broadcast_in_dim3A_182 : vector<1x1xf32> to vector<1x8xf32>
      %swap3A_184 = arith.constant 0 : index
      %swap3A_185 = arith.constant 8 : index
      %swap3A_186 = vector.load %arg10[%swap3A_184, %swap3A_185] : memref<2x96xf32, #tpu.memory_space<vmem>>, vector<1x8xf32>
      tpu.vector_store %arg10[%swap3A_184, %swap3A_185], %broadcast_in_dim3A_183 {strides = array<i32>} : memref<2x96xf32, #tpu.memory_space<vmem>>, vector<1x8xf32>,
      %get3A_187 = arith.constant 0 : index
      %get3A_188 = arith.constant 0 : index
      %get3A_189 = vector.load %arg5[%get3A_187, %get3A_188] : memref<1x8xf32, #tpu.memory_space<vmem>>, vector<1x8xf32>
      %swap3A_190 = arith.constant 1 : index
      %swap3A_191 = arith.constant 8 : index
      %swap3A_192 = vector.load %arg10[%swap3A_190, %swap3A_191] : memref<2x96xf32, #tpu.memory_space<vmem>>, vector<1x8xf32>
      tpu.vector_store %arg10[%swap3A_190, %swap3A_191], %get3A_189 {strides = array<i32>} : memref<2x96xf32, #tpu.memory_space<vmem>>, vector<1x8xf32>,
      %get3A_193 = arith.constant 2 : index
      %get3A_194 = memref.load %arg1[%get3A_193] : memref<12xi32, #tpu.memory_space<smem>>
      %min3A_195 = arith.constant 7 : i32
      %min3A_196 = arith.minsi %get3A_194, %min3A_195 : i32
      %min3A_197 = arith.constant 6 : i32
      %min3A_198 = arith.minsi %min3A_196, %min3A_197 : i32
      %jit3A_199 = arith.constant 0 : i32
      %jit3A_200 = arith.constant 17 : i32
      %max3A_201 = arith.maxsi %jit3A_199, %get3A_194 : i32
      %min3A_202 = arith.minsi %jit3A_200, %max3A_201 : i32
      %get3A_203 = arith.index_cast %min3A_202 : i32 to index
      %get3A_204 = arith.constant 0 : index
      %get3A_205 = vector.load %arg6[%get3A_203, %get3A_204] : memref<18x248xf32, #tpu.memory_space<vmem>>, vector<1x248xf32>
      %broadcast_in_dim3A_206 = arith.constant 0.000000e+00 : f32
      %broadcast_in_dim3A_207 = vector.broadcast %broadcast_in_dim3A_206 : f32 to vector<1x8xf32>
      %concatenate3A_208 = tpu.concatenate %broadcast_in_dim3A_207, %get3A_205 in 1 : vector<1x8xf32>, vector<1x248xf32> -> vector<1x256xf32>
      %swap3A_209 = arith.constant 2 : index
      %swap3A_210 = arith.constant 0 : index
      %swap3A_211 = vector.load %arg8[%swap3A_209, %swap3A_210] : memref<12x256xf32, #tpu.memory_space<vmem>>, vector<1x256xf32>
      tpu.vector_store %arg8[%swap3A_209, %swap3A_210], %concatenate3A_208 {strides = array<i32>} : memref<12x256xf32, #tpu.memory_space<vmem>>, vector<1x256xf32>,
      %get3A_212 = arith.index_cast %min3A_198 : i32 to index
      %get3A_213 = arith.constant 0 : index
      %get3A_214 = arith.constant 0 : index
      %get3A_215 = vector.load %arg4[%get3A_212, %get3A_213, %get3A_214] : memref<7x6x8xf32, #tpu.memory_space<vmem>>, vector<1x6x8xf32>
      %eq3A_216 = arith.constant 7 : i32
      %eq3A_217 = arith.cmpi eq, %min3A_196, %eq3A_216 : i32
      %broadcast_in_dim3A_218 = arith.constant 0.000000e+00 : f32
      %broadcast_in_dim3A_219 = vector.broadcast %broadcast_in_dim3A_218 : f32 to vector<1x8xf32>
      %slice3A_220 = vector.extract_strided_slice %get3A_215 {offsets = [0, 0, 0], sizes = [1, 1, 8], strides = [1, 1, 1]} : vector<1x6x8xf32> to vector<1x1x8xf32>
      %squeeze3A_221 = vector.shape_cast %slice3A_220 : vector<1x1x8xf32> to vector<1x8xf32>
      %select_n3A_222 = arith.select %eq3A_217, %broadcast_in_dim3A_219, %squeeze3A_221 : vector<1x8xf32>
      %swap3A_223 = arith.constant 0 : index
      %swap3A_224 = arith.constant 16 : index
      %swap3A_225 = vector.load %arg9[%swap3A_223, %swap3A_224] : memref<6x96xf32, #tpu.memory_space<vmem>>, vector<1x8xf32>
      tpu.vector_store %arg9[%swap3A_223, %swap3A_224], %select_n3A_222 {strides = array<i32>} : memref<6x96xf32, #tpu.memory_space<vmem>>, vector<1x8xf32>,
      %broadcast_in_dim3A_226 = arith.constant 0.000000e+00 : f32
      %broadcast_in_dim3A_227 = vector.broadcast %broadcast_in_dim3A_226 : f32 to vector<1x8xf32>
      %slice3A_228 = vector.extract_strided_slice %get3A_215 {offsets = [0, 1, 0], sizes = [1, 1, 8], strides = [1, 1, 1]} : vector<1x6x8xf32> to vector<1x1x8xf32>
      %squeeze3A_229 = vector.shape_cast %slice3A_228 : vector<1x1x8xf32> to vector<1x8xf32>
      %select_n3A_230 = arith.select %eq3A_217, %broadcast_in_dim3A_227, %squeeze3A_229 : vector<1x8xf32>
      %swap3A_231 = arith.constant 1 : index
      %swap3A_232 = arith.constant 16 : index
      %swap3A_233 = vector.load %arg9[%swap3A_231, %swap3A_232] : memref<6x96xf32, #tpu.memory_space<vmem>>, vector<1x8xf32>
      tpu.vector_store %arg9[%swap3A_231, %swap3A_232], %select_n3A_230 {strides = array<i32>} : memref<6x96xf32, #tpu.memory_space<vmem>>, vector<1x8xf32>,
      %broadcast_in_dim3A_234 = arith.constant 0.000000e+00 : f32
      %broadcast_in_dim3A_235 = vector.broadcast %broadcast_in_dim3A_234 : f32 to vector<1x8xf32>
      %slice3A_236 = vector.extract_strided_slice %get3A_215 {offsets = [0, 2, 0], sizes = [1, 1, 8], strides = [1, 1, 1]} : vector<1x6x8xf32> to vector<1x1x8xf32>
      %squeeze3A_237 = vector.shape_cast %slice3A_236 : vector<1x1x8xf32> to vector<1x8xf32>
      %select_n3A_238 = arith.select %eq3A_217, %broadcast_in_dim3A_235, %squeeze3A_237 : vector<1x8xf32>
      %swap3A_239 = arith.constant 2 : index
      %swap3A_240 = arith.constant 16 : index
      %swap3A_241 = vector.load %arg9[%swap3A_239, %swap3A_240] : memref<6x96xf32, #tpu.memory_space<vmem>>, vector<1x8xf32>
      tpu.vector_store %arg9[%swap3A_239, %swap3A_240], %select_n3A_238 {strides = array<i32>} : memref<6x96xf32, #tpu.memory_space<vmem>>, vector<1x8xf32>,
      %broadcast_in_dim3A_242 = arith.constant 0.000000e+00 : f32
      %broadcast_in_dim3A_243 = vector.broadcast %broadcast_in_dim3A_242 : f32 to vector<1x8xf32>
      %slice3A_244 = vector.extract_strided_slice %get3A_215 {offsets = [0, 3, 0], sizes = [1, 1, 8], strides = [1, 1, 1]} : vector<1x6x8xf32> to vector<1x1x8xf32>
      %squeeze3A_245 = vector.shape_cast %slice3A_244 : vector<1x1x8xf32> to vector<1x8xf32>
      %select_n3A_246 = arith.select %eq3A_217, %broadcast_in_dim3A_243, %squeeze3A_245 : vector<1x8xf32>
      %swap3A_247 = arith.constant 3 : index
      %swap3A_248 = arith.constant 16 : index
      %swap3A_249 = vector.load %arg9[%swap3A_247, %swap3A_248] : memref<6x96xf32, #tpu.memory_space<vmem>>, vector<1x8xf32>
      tpu.vector_store %arg9[%swap3A_247, %swap3A_248], %select_n3A_246 {strides = array<i32>} : memref<6x96xf32, #tpu.memory_space<vmem>>, vector<1x8xf32>,
      %broadcast_in_dim3A_250 = arith.constant 0.000000e+00 : f32
      %broadcast_in_dim3A_251 = vector.broadcast %broadcast_in_dim3A_250 : f32 to vector<1x8xf32>
      %slice3A_252 = vector.extract_strided_slice %get3A_215 {offsets = [0, 4, 0], sizes = [1, 1, 8], strides = [1, 1, 1]} : vector<1x6x8xf32> to vector<1x1x8xf32>
      %squeeze3A_253 = vector.shape_cast %slice3A_252 : vector<1x1x8xf32> to vector<1x8xf32>
      %select_n3A_254 = arith.select %eq3A_217, %broadcast_in_dim3A_251, %squeeze3A_253 : vector<1x8xf32>
      %swap3A_255 = arith.constant 4 : index
      %swap3A_256 = arith.constant 16 : index
      %swap3A_257 = vector.load %arg9[%swap3A_255, %swap3A_256] : memref<6x96xf32, #tpu.memory_space<vmem>>, vector<1x8xf32>
      tpu.vector_store %arg9[%swap3A_255, %swap3A_256], %select_n3A_254 {strides = array<i32>} : memref<6x96xf32, #tpu.memory_space<vmem>>, vector<1x8xf32>,
      %broadcast_in_dim3A_258 = arith.constant 0.000000e+00 : f32
      %broadcast_in_dim3A_259 = vector.broadcast %broadcast_in_dim3A_258 : f32 to vector<1x8xf32>
      %slice3A_260 = vector.extract_strided_slice %get3A_215 {offsets = [0, 5, 0], sizes = [1, 1, 8], strides = [1, 1, 1]} : vector<1x6x8xf32> to vector<1x1x8xf32>
      %squeeze3A_261 = vector.shape_cast %slice3A_260 : vector<1x1x8xf32> to vector<1x8xf32>
      %select_n3A_262 = arith.select %eq3A_217, %broadcast_in_dim3A_259, %squeeze3A_261 : vector<1x8xf32>
      %swap3A_263 = arith.constant 5 : index
      %swap3A_264 = arith.constant 16 : index
      %swap3A_265 = vector.load %arg9[%swap3A_263, %swap3A_264] : memref<6x96xf32, #tpu.memory_space<vmem>>, vector<1x8xf32>
      tpu.vector_store %arg9[%swap3A_263, %swap3A_264], %select_n3A_262 {strides = array<i32>} : memref<6x96xf32, #tpu.memory_space<vmem>>, vector<1x8xf32>,
      %get3A_266 = arith.index_cast %min3A_198 : i32 to index
      %get3A_267 = memref.load %arg2[%get3A_266] : memref<7xi32, #tpu.memory_space<smem>>
      %sub3A_268 = arith.constant 1 : i32
      %sub3A_269 = arith.subi %get3A_267, %sub3A_268 : i32
      %jit3A_270 = arith.constant -1 : i32
      %select_n3A_271 = arith.select %eq3A_217, %jit3A_270, %sub3A_269 : i32
      %reshape3A_272 = vector.broadcast %select_n3A_271 : i32 to vector<1x1xi32>
      %convert_element_type3A_273 = arith.sitofp %reshape3A_272 : vector<1x1xi32> to vector<1x1xf32>
      %broadcast_in_dim3A_274 = vector.shape_cast %convert_element_type3A_273 : vector<1x1xf32> to vector<1x1xf32>
      %broadcast_in_dim3A_275 = vector.broadcast %broadcast_in_dim3A_274 : vector<1x1xf32> to vector<1x8xf32>
      %swap3A_276 = arith.constant 0 : index
      %swap3A_277 = arith.constant 16 : index
      %swap3A_278 = vector.load %arg10[%swap3A_276, %swap3A_277] : memref<2x96xf32, #tpu.memory_space<vmem>>, vector<1x8xf32>
      tpu.vector_store %arg10[%swap3A_276, %swap3A_277], %broadcast_in_dim3A_275 {strides = array<i32>} : memref<2x96xf32, #tpu.memory_space<vmem>>, vector<1x8xf32>,
      %get3A_279 = arith.constant 0 : index
      %get3A_280 = arith.constant 0 : index
      %get3A_281 = vector.load %arg5[%get3A_279, %get3A_280] : memref<1x8xf32, #tpu.memory_space<vmem>>, vector<1x8xf32>
      %swap3A_282 = arith.constant 1 : index
      %swap3A_283 = arith.constant 16 : index
      %swap3A_284 = vector.load %arg10[%swap3A_282, %swap3A_283] : memref<2x96xf32, #tpu.memory_space<vmem>>, vector<1x8xf32>
      tpu.vector_store %arg10[%swap3A_282, %swap3A_283], %get3A_281 {strides = array<i32>} : memref<2x96xf32, #tpu.memory_space<vmem>>, vector<1x8xf32>,
      %get3A_285 = arith.constant 3 : index
      %get3A_286 = memref.load %arg1[%get3A_285] : memref<12xi32, #tpu.memory_space<smem>>
      %min3A_287 = arith.constant 7 : i32
      %min3A_288 = arith.minsi %get3A_286, %min3A_287 : i32
      %min3A_289 = arith.constant 6 : i32
      %min3A_290 = arith.minsi %min3A_288, %min3A_289 : i32
      %jit3A_291 = arith.constant 0 : i32
      %jit3A_292 = arith.constant 17 : i32
      %max3A_293 = arith.maxsi %jit3A_291, %get3A_286 : i32
      %min3A_294 = arith.minsi %jit3A_292, %max3A_293 : i32
      %get3A_295 = arith.index_cast %min3A_294 : i32 to index
      %get3A_296 = arith.constant 0 : index
      %get3A_297 = vector.load %arg6[%get3A_295, %get3A_296] : memref<18x248xf32, #tpu.memory_space<vmem>>, vector<1x248xf32>
      %broadcast_in_dim3A_298 = arith.constant 0.000000e+00 : f32
      %broadcast_in_dim3A_299 = vector.broadcast %broadcast_in_dim3A_298 : f32 to vector<1x8xf32>
      %concatenate3A_300 = tpu.concatenate %broadcast_in_dim3A_299, %get3A_297 in 1 : vector<1x8xf32>, vector<1x248xf32> -> vector<1x256xf32>
      %swap3A_301 = arith.constant 3 : index
      %swap3A_302 = arith.constant 0 : index
      %swap3A_303 = vector.load %arg8[%swap3A_301, %swap3A_302] : memref<12x256xf32, #tpu.memory_space<vmem>>, vector<1x256xf32>
      tpu.vector_store %arg8[%swap3A_301, %swap3A_302], %concatenate3A_300 {strides = array<i32>} : memref<12x256xf32, #tpu.memory_space<vmem>>, vector<1x256xf32>,
      %get3A_304 = arith.index_cast %min3A_290 : i32 to index
      %get3A_305 = arith.constant 0 : index
      %get3A_306 = arith.constant 0 : index
      %get3A_307 = vector.load %arg4[%get3A_304, %get3A_305, %get3A_306] : memref<7x6x8xf32, #tpu.memory_space<vmem>>, vector<1x6x8xf32>
      %eq3A_308 = arith.constant 7 : i32
      %eq3A_309 = arith.cmpi eq, %min3A_288, %eq3A_308 : i32
      %broadcast_in_dim3A_310 = arith.constant 0.000000e+00 : f32
      %broadcast_in_dim3A_311 = vector.broadcast %broadcast_in_dim3A_310 : f32 to vector<1x8xf32>
      %slice3A_312 = vector.extract_strided_slice %get3A_307 {offsets = [0, 0, 0], sizes = [1, 1, 8], strides = [1, 1, 1]} : vector<1x6x8xf32> to vector<1x1x8xf32>
      %squeeze3A_313 = vector.shape_cast %slice3A_312 : vector<1x1x8xf32> to vector<1x8xf32>
      %select_n3A_314 = arith.select %eq3A_309, %broadcast_in_dim3A_311, %squeeze3A_313 : vector<1x8xf32>
      %swap3A_315 = arith.constant 0 : index
      %swap3A_316 = arith.constant 24 : index
      %swap3A_317 = vector.load %arg9[%swap3A_315, %swap3A_316] : memref<6x96xf32, #tpu.memory_space<vmem>>, vector<1x8xf32>
      tpu.vector_store %arg9[%swap3A_315, %swap3A_316], %select_n3A_314 {strides = array<i32>} : memref<6x96xf32, #tpu.memory_space<vmem>>, vector<1x8xf32>,
      %broadcast_in_dim3A_318 = arith.constant 0.000000e+00 : f32
      %broadcast_in_dim3A_319 = vector.broadcast %broadcast_in_dim3A_318 : f32 to vector<1x8xf32>
      %slice3A_320 = vector.extract_strided_slice %get3A_307 {offsets = [0, 1, 0], sizes = [1, 1, 8], strides = [1, 1, 1]} : vector<1x6x8xf32> to vector<1x1x8xf32>
      %squeeze3A_321 = vector.shape_cast %slice3A_320 : vector<1x1x8xf32> to vector<1x8xf32>
      %select_n3A_322 = arith.select %eq3A_309, %broadcast_in_dim3A_319, %squeeze3A_321 : vector<1x8xf32>
      %swap3A_323 = arith.constant 1 : index
      %swap3A_324 = arith.constant 24 : index
      %swap3A_325 = vector.load %arg9[%swap3A_323, %swap3A_324] : memref<6x96xf32, #tpu.memory_space<vmem>>, vector<1x8xf32>
      tpu.vector_store %arg9[%swap3A_323, %swap3A_324], %select_n3A_322 {strides = array<i32>} : memref<6x96xf32, #tpu.memory_space<vmem>>, vector<1x8xf32>,
      %broadcast_in_dim3A_326 = arith.constant 0.000000e+00 : f32
      %broadcast_in_dim3A_327 = vector.broadcast %broadcast_in_dim3A_326 : f32 to vector<1x8xf32>
      %slice3A_328 = vector.extract_strided_slice %get3A_307 {offsets = [0, 2, 0], sizes = [1, 1, 8], strides = [1, 1, 1]} : vector<1x6x8xf32> to vector<1x1x8xf32>
      %squeeze3A_329 = vector.shape_cast %slice3A_328 : vector<1x1x8xf32> to vector<1x8xf32>
      %select_n3A_330 = arith.select %eq3A_309, %broadcast_in_dim3A_327, %squeeze3A_329 : vector<1x8xf32>
      %swap3A_331 = arith.constant 2 : index
      %swap3A_332 = arith.constant 24 : index
      %swap3A_333 = vector.load %arg9[%swap3A_331, %swap3A_332] : memref<6x96xf32, #tpu.memory_space<vmem>>, vector<1x8xf32>
      tpu.vector_store %arg9[%swap3A_331, %swap3A_332], %select_n3A_330 {strides = array<i32>} : memref<6x96xf32, #tpu.memory_space<vmem>>, vector<1x8xf32>,
      %broadcast_in_dim3A_334 = arith.constant 0.000000e+00 : f32
      %broadcast_in_dim3A_335 = vector.broadcast %broadcast_in_dim3A_334 : f32 to vector<1x8xf32>
      %slice3A_336 = vector.extract_strided_slice %get3A_307 {offsets = [0, 3, 0], sizes = [1, 1, 8], strides = [1, 1, 1]} : vector<1x6x8xf32> to vector<1x1x8xf32>
      %squeeze3A_337 = vector.shape_cast %slice3A_336 : vector<1x1x8xf32> to vector<1x8xf32>
      %select_n3A_338 = arith.select %eq3A_309, %broadcast_in_dim3A_335, %squeeze3A_337 : vector<1x8xf32>
      %swap3A_339 = arith.constant 3 : index
      %swap3A_340 = arith.constant 24 : index
      %swap3A_341 = vector.load %arg9[%swap3A_339, %swap3A_340] : memref<6x96xf32, #tpu.memory_space<vmem>>, vector<1x8xf32>
      tpu.vector_store %arg9[%swap3A_339, %swap3A_340], %select_n3A_338 {strides = array<i32>} : memref<6x96xf32, #tpu.memory_space<vmem>>, vector<1x8xf32>,
      %broadcast_in_dim3A_342 = arith.constant 0.000000e+00 : f32
      %broadcast_in_dim3A_343 = vector.broadcast %broadcast_in_dim3A_342 : f32 to vector<1x8xf32>
      %slice3A_344 = vector.extract_strided_slice %get3A_307 {offsets = [0, 4, 0], sizes = [1, 1, 8], strides = [1, 1, 1]} : vector<1x6x8xf32> to vector<1x1x8xf32>
      %squeeze3A_345 = vector.shape_cast %slice3A_344 : vector<1x1x8xf32> to vector<1x8xf32>
      %select_n3A_346 = arith.select %eq3A_309, %broadcast_in_dim3A_343, %squeeze3A_345 : vector<1x8xf32>
      %swap3A_347 = arith.constant 4 : index
      %swap3A_348 = arith.constant 24 : index
      %swap3A_349 = vector.load %arg9[%swap3A_347, %swap3A_348] : memref<6x96xf32, #tpu.memory_space<vmem>>, vector<1x8xf32>
      tpu.vector_store %arg9[%swap3A_347, %swap3A_348], %select_n3A_346 {strides = array<i32>} : memref<6x96xf32, #tpu.memory_space<vmem>>, vector<1x8xf32>,
      %broadcast_in_dim3A_350 = arith.constant 0.000000e+00 : f32
      %broadcast_in_dim3A_351 = vector.broadcast %broadcast_in_dim3A_350 : f32 to vector<1x8xf32>
      %slice3A_352 = vector.extract_strided_slice %get3A_307 {offsets = [0, 5, 0], sizes = [1, 1, 8], strides = [1, 1, 1]} : vector<1x6x8xf32> to vector<1x1x8xf32>
      %squeeze3A_353 = vector.shape_cast %slice3A_352 : vector<1x1x8xf32> to vector<1x8xf32>
      %select_n3A_354 = arith.select %eq3A_309, %broadcast_in_dim3A_351, %squeeze3A_353 : vector<1x8xf32>
      %swap3A_355 = arith.constant 5 : index
      %swap3A_356 = arith.constant 24 : index
      %swap3A_357 = vector.load %arg9[%swap3A_355, %swap3A_356] : memref<6x96xf32, #tpu.memory_space<vmem>>, vector<1x8xf32>
      tpu.vector_store %arg9[%swap3A_355, %swap3A_356], %select_n3A_354 {strides = array<i32>} : memref<6x96xf32, #tpu.memory_space<vmem>>, vector<1x8xf32>,
      %get3A_358 = arith.index_cast %min3A_290 : i32 to index
      %get3A_359 = memref.load %arg2[%get3A_358] : memref<7xi32, #tpu.memory_space<smem>>
      %sub3A_360 = arith.constant 1 : i32
      %sub3A_361 = arith.subi %get3A_359, %sub3A_360 : i32
      %jit3A_362 = arith.constant -1 : i32
      %select_n3A_363 = arith.select %eq3A_309, %jit3A_362, %sub3A_361 : i32
      %reshape3A_364 = vector.broadcast %select_n3A_363 : i32 to vector<1x1xi32>
      %convert_element_type3A_365 = arith.sitofp %reshape3A_364 : vector<1x1xi32> to vector<1x1xf32>
      %broadcast_in_dim3A_366 = vector.shape_cast %convert_element_type3A_365 : vector<1x1xf32> to vector<1x1xf32>
      %broadcast_in_dim3A_367 = vector.broadcast %broadcast_in_dim3A_366 : vector<1x1xf32> to vector<1x8xf32>
      %swap3A_368 = arith.constant 0 : index
      %swap3A_369 = arith.constant 24 : index
      %swap3A_370 = vector.load %arg10[%swap3A_368, %swap3A_369] : memref<2x96xf32, #tpu.memory_space<vmem>>, vector<1x8xf32>
      tpu.vector_store %arg10[%swap3A_368, %swap3A_369], %broadcast_in_dim3A_367 {strides = array<i32>} : memref<2x96xf32, #tpu.memory_space<vmem>>, vector<1x8xf32>,
      %get3A_371 = arith.constant 0 : index
      %get3A_372 = arith.constant 0 : index
      %get3A_373 = vector.load %arg5[%get3A_371, %get3A_372] : memref<1x8xf32, #tpu.memory_space<vmem>>, vector<1x8xf32>
      %swap3A_374 = arith.constant 1 : index
      %swap3A_375 = arith.constant 24 : index
      %swap3A_376 = vector.load %arg10[%swap3A_374, %swap3A_375] : memref<2x96xf32, #tpu.memory_space<vmem>>, vector<1x8xf32>
      tpu.vector_store %arg10[%swap3A_374, %swap3A_375], %get3A_373 {strides = array<i32>} : memref<2x96xf32, #tpu.memory_space<vmem>>, vector<1x8xf32>,
      %get3A_377 = arith.constant 4 : index
      %get3A_378 = memref.load %arg1[%get3A_377] : memref<12xi32, #tpu.memory_space<smem>>
      %min3A_379 = arith.constant 7 : i32
      %min3A_380 = arith.minsi %get3A_378, %min3A_379 : i32
      %min3A_381 = arith.constant 6 : i32
      %min3A_382 = arith.minsi %min3A_380, %min3A_381 : i32
      %jit3A_383 = arith.constant 0 : i32
      %jit3A_384 = arith.constant 17 : i32
      %max3A_385 = arith.maxsi %jit3A_383, %get3A_378 : i32
      %min3A_386 = arith.minsi %jit3A_384, %max3A_385 : i32
      %get3A_387 = arith.index_cast %min3A_386 : i32 to index
      %get3A_388 = arith.constant 0 : index
      %get3A_389 = vector.load %arg6[%get3A_387, %get3A_388] : memref<18x248xf32, #tpu.memory_space<vmem>>, vector<1x248xf32>
      %broadcast_in_dim3A_390 = arith.constant 0.000000e+00 : f32
      %broadcast_in_dim3A_391 = vector.broadcast %broadcast_in_dim3A_390 : f32 to vector<1x8xf32>
      %concatenate3A_392 = tpu.concatenate %broadcast_in_dim3A_391, %get3A_389 in 1 : vector<1x8xf32>, vector<1x248xf32> -> vector<1x256xf32>
      %swap3A_393 = arith.constant 4 : index
      %swap3A_394 = arith.constant 0 : index
      %swap3A_395 = vector.load %arg8[%swap3A_393, %swap3A_394] : memref<12x256xf32, #tpu.memory_space<vmem>>, vector<1x256xf32>
      tpu.vector_store %arg8[%swap3A_393, %swap3A_394], %concatenate3A_392 {strides = array<i32>} : memref<12x256xf32, #tpu.memory_space<vmem>>, vector<1x256xf32>,
      %get3A_396 = arith.index_cast %min3A_382 : i32 to index
      %get3A_397 = arith.constant 0 : index
      %get3A_398 = arith.constant 0 : index
      %get3A_399 = vector.load %arg4[%get3A_396, %get3A_397, %get3A_398] : memref<7x6x8xf32, #tpu.memory_space<vmem>>, vector<1x6x8xf32>
      %eq3A_400 = arith.constant 7 : i32
      %eq3A_401 = arith.cmpi eq, %min3A_380, %eq3A_400 : i32
      %broadcast_in_dim3A_402 = arith.constant 0.000000e+00 : f32
      %broadcast_in_dim3A_403 = vector.broadcast %broadcast_in_dim3A_402 : f32 to vector<1x8xf32>
      %slice3A_404 = vector.extract_strided_slice %get3A_399 {offsets = [0, 0, 0], sizes = [1, 1, 8], strides = [1, 1, 1]} : vector<1x6x8xf32> to vector<1x1x8xf32>
      %squeeze3A_405 = vector.shape_cast %slice3A_404 : vector<1x1x8xf32> to vector<1x8xf32>
      %select_n3A_406 = arith.select %eq3A_401, %broadcast_in_dim3A_403, %squeeze3A_405 : vector<1x8xf32>
      %swap3A_407 = arith.constant 0 : index
      %swap3A_408 = arith.constant 32 : index
      %swap3A_409 = vector.load %arg9[%swap3A_407, %swap3A_408] : memref<6x96xf32, #tpu.memory_space<vmem>>, vector<1x8xf32>
      tpu.vector_store %arg9[%swap3A_407, %swap3A_408], %select_n3A_406 {strides = array<i32>} : memref<6x96xf32, #tpu.memory_space<vmem>>, vector<1x8xf32>,
      %broadcast_in_dim3A_410 = arith.constant 0.000000e+00 : f32
      %broadcast_in_dim3A_411 = vector.broadcast %broadcast_in_dim3A_410 : f32 to vector<1x8xf32>
      %slice3A_412 = vector.extract_strided_slice %get3A_399 {offsets = [0, 1, 0], sizes = [1, 1, 8], strides = [1, 1, 1]} : vector<1x6x8xf32> to vector<1x1x8xf32>
      %squeeze3A_413 = vector.shape_cast %slice3A_412 : vector<1x1x8xf32> to vector<1x8xf32>
      %select_n3A_414 = arith.select %eq3A_401, %broadcast_in_dim3A_411, %squeeze3A_413 : vector<1x8xf32>
      %swap3A_415 = arith.constant 1 : index
      %swap3A_416 = arith.constant 32 : index
      %swap3A_417 = vector.load %arg9[%swap3A_415, %swap3A_416] : memref<6x96xf32, #tpu.memory_space<vmem>>, vector<1x8xf32>
      tpu.vector_store %arg9[%swap3A_415, %swap3A_416], %select_n3A_414 {strides = array<i32>} : memref<6x96xf32, #tpu.memory_space<vmem>>, vector<1x8xf32>,
      %broadcast_in_dim3A_418 = arith.constant 0.000000e+00 : f32
      %broadcast_in_dim3A_419 = vector.broadcast %broadcast_in_dim3A_418 : f32 to vector<1x8xf32>
      %slice3A_420 = vector.extract_strided_slice %get3A_399 {offsets = [0, 2, 0], sizes = [1, 1, 8], strides = [1, 1, 1]} : vector<1x6x8xf32> to vector<1x1x8xf32>
      %squeeze3A_421 = vector.shape_cast %slice3A_420 : vector<1x1x8xf32> to vector<1x8xf32>
      %select_n3A_422 = arith.select %eq3A_401, %broadcast_in_dim3A_419, %squeeze3A_421 : vector<1x8xf32>
      %swap3A_423 = arith.constant 2 : index
      %swap3A_424 = arith.constant 32 : index
      %swap3A_425 = vector.load %arg9[%swap3A_423, %swap3A_424] : memref<6x96xf32, #tpu.memory_space<vmem>>, vector<1x8xf32>
      tpu.vector_store %arg9[%swap3A_423, %swap3A_424], %select_n3A_422 {strides = array<i32>} : memref<6x96xf32, #tpu.memory_space<vmem>>, vector<1x8xf32>,
      %broadcast_in_dim3A_426 = arith.constant 0.000000e+00 : f32
      %broadcast_in_dim3A_427 = vector.broadcast %broadcast_in_dim3A_426 : f32 to vector<1x8xf32>
      %slice3A_428 = vector.extract_strided_slice %get3A_399 {offsets = [0, 3, 0], sizes = [1, 1, 8], strides = [1, 1, 1]} : vector<1x6x8xf32> to vector<1x1x8xf32>
      %squeeze3A_429 = vector.shape_cast %slice3A_428 : vector<1x1x8xf32> to vector<1x8xf32>
      %select_n3A_430 = arith.select %eq3A_401, %broadcast_in_dim3A_427, %squeeze3A_429 : vector<1x8xf32>
      %swap3A_431 = arith.constant 3 : index
      %swap3A_432 = arith.constant 32 : index
      %swap3A_433 = vector.load %arg9[%swap3A_431, %swap3A_432] : memref<6x96xf32, #tpu.memory_space<vmem>>, vector<1x8xf32>
      tpu.vector_store %arg9[%swap3A_431, %swap3A_432], %select_n3A_430 {strides = array<i32>} : memref<6x96xf32, #tpu.memory_space<vmem>>, vector<1x8xf32>,
      %broadcast_in_dim3A_434 = arith.constant 0.000000e+00 : f32
      %broadcast_in_dim3A_435 = vector.broadcast %broadcast_in_dim3A_434 : f32 to vector<1x8xf32>
      %slice3A_436 = vector.extract_strided_slice %get3A_399 {offsets = [0, 4, 0], sizes = [1, 1, 8], strides = [1, 1, 1]} : vector<1x6x8xf32> to vector<1x1x8xf32>
      %squeeze3A_437 = vector.shape_cast %slice3A_436 : vector<1x1x8xf32> to vector<1x8xf32>
      %select_n3A_438 = arith.select %eq3A_401, %broadcast_in_dim3A_435, %squeeze3A_437 : vector<1x8xf32>
      %swap3A_439 = arith.constant 4 : index
      %swap3A_440 = arith.constant 32 : index
      %swap3A_441 = vector.load %arg9[%swap3A_439, %swap3A_440] : memref<6x96xf32, #tpu.memory_space<vmem>>, vector<1x8xf32>
      tpu.vector_store %arg9[%swap3A_439, %swap3A_440], %select_n3A_438 {strides = array<i32>} : memref<6x96xf32, #tpu.memory_space<vmem>>, vector<1x8xf32>,
      %broadcast_in_dim3A_442 = arith.constant 0.000000e+00 : f32
      %broadcast_in_dim3A_443 = vector.broadcast %broadcast_in_dim3A_442 : f32 to vector<1x8xf32>
      %slice3A_444 = vector.extract_strided_slice %get3A_399 {offsets = [0, 5, 0], sizes = [1, 1, 8], strides = [1, 1, 1]} : vector<1x6x8xf32> to vector<1x1x8xf32>
      %squeeze3A_445 = vector.shape_cast %slice3A_444 : vector<1x1x8xf32> to vector<1x8xf32>
      %select_n3A_446 = arith.select %eq3A_401, %broadcast_in_dim3A_443, %squeeze3A_445 : vector<1x8xf32>
      %swap3A_447 = arith.constant 5 : index
      %swap3A_448 = arith.constant 32 : index
      %swap3A_449 = vector.load %arg9[%swap3A_447, %swap3A_448] : memref<6x96xf32, #tpu.memory_space<vmem>>, vector<1x8xf32>
      tpu.vector_store %arg9[%swap3A_447, %swap3A_448], %select_n3A_446 {strides = array<i32>} : memref<6x96xf32, #tpu.memory_space<vmem>>, vector<1x8xf32>,
      %get3A_450 = arith.index_cast %min3A_382 : i32 to index
      %get3A_451 = memref.load %arg2[%get3A_450] : memref<7xi32, #tpu.memory_space<smem>>
      %sub3A_452 = arith.constant 1 : i32
      %sub3A_453 = arith.subi %get3A_451, %sub3A_452 : i32
      %jit3A_454 = arith.constant -1 : i32
      %select_n3A_455 = arith.select %eq3A_401, %jit3A_454, %sub3A_453 : i32
      %reshape3A_456 = vector.broadcast %select_n3A_455 : i32 to vector<1x1xi32>
      %convert_element_type3A_457 = arith.sitofp %reshape3A_456 : vector<1x1xi32> to vector<1x1xf32>
      %broadcast_in_dim3A_458 = vector.shape_cast %convert_element_type3A_457 : vector<1x1xf32> to vector<1x1xf32>
      %broadcast_in_dim3A_459 = vector.broadcast %broadcast_in_dim3A_458 : vector<1x1xf32> to vector<1x8xf32>
      %swap3A_460 = arith.constant 0 : index
      %swap3A_461 = arith.constant 32 : index
      %swap3A_462 = vector.load %arg10[%swap3A_460, %swap3A_461] : memref<2x96xf32, #tpu.memory_space<vmem>>, vector<1x8xf32>
      tpu.vector_store %arg10[%swap3A_460, %swap3A_461], %broadcast_in_dim3A_459 {strides = array<i32>} : memref<2x96xf32, #tpu.memory_space<vmem>>, vector<1x8xf32>,
      %get3A_463 = arith.constant 0 : index
      %get3A_464 = arith.constant 0 : index
      %get3A_465 = vector.load %arg5[%get3A_463, %get3A_464] : memref<1x8xf32, #tpu.memory_space<vmem>>, vector<1x8xf32>
      %swap3A_466 = arith.constant 1 : index
      %swap3A_467 = arith.constant 32 : index
      %swap3A_468 = vector.load %arg10[%swap3A_466, %swap3A_467] : memref<2x96xf32, #tpu.memory_space<vmem>>, vector<1x8xf32>
      tpu.vector_store %arg10[%swap3A_466, %swap3A_467], %get3A_465 {strides = array<i32>} : memref<2x96xf32, #tpu.memory_space<vmem>>, vector<1x8xf32>,
      %get3A_469 = arith.constant 5 : index
      %get3A_470 = memref.load %arg1[%get3A_469] : memref<12xi32, #tpu.memory_space<smem>>
      %min3A_471 = arith.constant 7 : i32
      %min3A_472 = arith.minsi %get3A_470, %min3A_471 : i32
      %min3A_473 = arith.constant 6 : i32
      %min3A_474 = arith.minsi %min3A_472, %min3A_473 : i32
      %jit3A_475 = arith.constant 0 : i32
      %jit3A_476 = arith.constant 17 : i32
      %max3A_477 = arith.maxsi %jit3A_475, %get3A_470 : i32
      %min3A_478 = arith.minsi %jit3A_476, %max3A_477 : i32
      %get3A_479 = arith.index_cast %min3A_478 : i32 to index
      %get3A_480 = arith.constant 0 : index
      %get3A_481 = vector.load %arg6[%get3A_479, %get3A_480] : memref<18x248xf32, #tpu.memory_space<vmem>>, vector<1x248xf32>
      %broadcast_in_dim3A_482 = arith.constant 0.000000e+00 : f32
      %broadcast_in_dim3A_483 = vector.broadcast %broadcast_in_dim3A_482 : f32 to vector<1x8xf32>
      %concatenate3A_484 = tpu.concatenate %broadcast_in_dim3A_483, %get3A_481 in 1 : vector<1x8xf32>, vector<1x248xf32> -> vector<1x256xf32>
      %swap3A_485 = arith.constant 5 : index
      %swap3A_486 = arith.constant 0 : index
      %swap3A_487 = vector.load %arg8[%swap3A_485, %swap3A_486] : memref<12x256xf32, #tpu.memory_space<vmem>>, vector<1x256xf32>
      tpu.vector_store %arg8[%swap3A_485, %swap3A_486], %concatenate3A_484 {strides = array<i32>} : memref<12x256xf32, #tpu.memory_space<vmem>>, vector<1x256xf32>,
      %get3A_488 = arith.index_cast %min3A_474 : i32 to index
      %get3A_489 = arith.constant 0 : index
      %get3A_490 = arith.constant 0 : index
      %get3A_491 = vector.load %arg4[%get3A_488, %get3A_489, %get3A_490] : memref<7x6x8xf32, #tpu.memory_space<vmem>>, vector<1x6x8xf32>
      %eq3A_492 = arith.constant 7 : i32
      %eq3A_493 = arith.cmpi eq, %min3A_472, %eq3A_492 : i32
      %broadcast_in_dim3A_494 = arith.constant 0.000000e+00 : f32
      %broadcast_in_dim3A_495 = vector.broadcast %broadcast_in_dim3A_494 : f32 to vector<1x8xf32>
      %slice3A_496 = vector.extract_strided_slice %get3A_491 {offsets = [0, 0, 0], sizes = [1, 1, 8], strides = [1, 1, 1]} : vector<1x6x8xf32> to vector<1x1x8xf32>
      %squeeze3A_497 = vector.shape_cast %slice3A_496 : vector<1x1x8xf32> to vector<1x8xf32>
      %select_n3A_498 = arith.select %eq3A_493, %broadcast_in_dim3A_495, %squeeze3A_497 : vector<1x8xf32>
      %swap3A_499 = arith.constant 0 : index
      %swap3A_500 = arith.constant 40 : index
      %swap3A_501 = vector.load %arg9[%swap3A_499, %swap3A_500] : memref<6x96xf32, #tpu.memory_space<vmem>>, vector<1x8xf32>
      tpu.vector_store %arg9[%swap3A_499, %swap3A_500], %select_n3A_498 {strides = array<i32>} : memref<6x96xf32, #tpu.memory_space<vmem>>, vector<1x8xf32>,
      %broadcast_in_dim3A_502 = arith.constant 0.000000e+00 : f32
      %broadcast_in_dim3A_503 = vector.broadcast %broadcast_in_dim3A_502 : f32 to vector<1x8xf32>
      %slice3A_504 = vector.extract_strided_slice %get3A_491 {offsets = [0, 1, 0], sizes = [1, 1, 8], strides = [1, 1, 1]} : vector<1x6x8xf32> to vector<1x1x8xf32>
      %squeeze3A_505 = vector.shape_cast %slice3A_504 : vector<1x1x8xf32> to vector<1x8xf32>
      %select_n3A_506 = arith.select %eq3A_493, %broadcast_in_dim3A_503, %squeeze3A_505 : vector<1x8xf32>
      %swap3A_507 = arith.constant 1 : index
      %swap3A_508 = arith.constant 40 : index
      %swap3A_509 = vector.load %arg9[%swap3A_507, %swap3A_508] : memref<6x96xf32, #tpu.memory_space<vmem>>, vector<1x8xf32>
      tpu.vector_store %arg9[%swap3A_507, %swap3A_508], %select_n3A_506 {strides = array<i32>} : memref<6x96xf32, #tpu.memory_space<vmem>>, vector<1x8xf32>,
      %broadcast_in_dim3A_510 = arith.constant 0.000000e+00 : f32
      %broadcast_in_dim3A_511 = vector.broadcast %broadcast_in_dim3A_510 : f32 to vector<1x8xf32>
      %slice3A_512 = vector.extract_strided_slice %get3A_491 {offsets = [0, 2, 0], sizes = [1, 1, 8], strides = [1, 1, 1]} : vector<1x6x8xf32> to vector<1x1x8xf32>
      %squeeze3A_513 = vector.shape_cast %slice3A_512 : vector<1x1x8xf32> to vector<1x8xf32>
      %select_n3A_514 = arith.select %eq3A_493, %broadcast_in_dim3A_511, %squeeze3A_513 : vector<1x8xf32>
      %swap3A_515 = arith.constant 2 : index
      %swap3A_516 = arith.constant 40 : index
      %swap3A_517 = vector.load %arg9[%swap3A_515, %swap3A_516] : memref<6x96xf32, #tpu.memory_space<vmem>>, vector<1x8xf32>
      tpu.vector_store %arg9[%swap3A_515, %swap3A_516], %select_n3A_514 {strides = array<i32>} : memref<6x96xf32, #tpu.memory_space<vmem>>, vector<1x8xf32>,
      %broadcast_in_dim3A_518 = arith.constant 0.000000e+00 : f32
      %broadcast_in_dim3A_519 = vector.broadcast %broadcast_in_dim3A_518 : f32 to vector<1x8xf32>
      %slice3A_520 = vector.extract_strided_slice %get3A_491 {offsets = [0, 3, 0], sizes = [1, 1, 8], strides = [1, 1, 1]} : vector<1x6x8xf32> to vector<1x1x8xf32>
      %squeeze3A_521 = vector.shape_cast %slice3A_520 : vector<1x1x8xf32> to vector<1x8xf32>
      %select_n3A_522 = arith.select %eq3A_493, %broadcast_in_dim3A_519, %squeeze3A_521 : vector<1x8xf32>
      %swap3A_523 = arith.constant 3 : index
      %swap3A_524 = arith.constant 40 : index
      %swap3A_525 = vector.load %arg9[%swap3A_523, %swap3A_524] : memref<6x96xf32, #tpu.memory_space<vmem>>, vector<1x8xf32>
      tpu.vector_store %arg9[%swap3A_523, %swap3A_524], %select_n3A_522 {strides = array<i32>} : memref<6x96xf32, #tpu.memory_space<vmem>>, vector<1x8xf32>,
      %broadcast_in_dim3A_526 = arith.constant 0.000000e+00 : f32
      %broadcast_in_dim3A_527 = vector.broadcast %broadcast_in_dim3A_526 : f32 to vector<1x8xf32>
      %slice3A_528 = vector.extract_strided_slice %get3A_491 {offsets = [0, 4, 0], sizes = [1, 1, 8], strides = [1, 1, 1]} : vector<1x6x8xf32> to vector<1x1x8xf32>
      %squeeze3A_529 = vector.shape_cast %slice3A_528 : vector<1x1x8xf32> to vector<1x8xf32>
      %select_n3A_530 = arith.select %eq3A_493, %broadcast_in_dim3A_527, %squeeze3A_529 : vector<1x8xf32>
      %swap3A_531 = arith.constant 4 : index
      %swap3A_532 = arith.constant 40 : index
      %swap3A_533 = vector.load %arg9[%swap3A_531, %swap3A_532] : memref<6x96xf32, #tpu.memory_space<vmem>>, vector<1x8xf32>
      tpu.vector_store %arg9[%swap3A_531, %swap3A_532], %select_n3A_530 {strides = array<i32>} : memref<6x96xf32, #tpu.memory_space<vmem>>, vector<1x8xf32>,
      %broadcast_in_dim3A_534 = arith.constant 0.000000e+00 : f32
      %broadcast_in_dim3A_535 = vector.broadcast %broadcast_in_dim3A_534 : f32 to vector<1x8xf32>
      %slice3A_536 = vector.extract_strided_slice %get3A_491 {offsets = [0, 5, 0], sizes = [1, 1, 8], strides = [1, 1, 1]} : vector<1x6x8xf32> to vector<1x1x8xf32>
      %squeeze3A_537 = vector.shape_cast %slice3A_536 : vector<1x1x8xf32> to vector<1x8xf32>
      %select_n3A_538 = arith.select %eq3A_493, %broadcast_in_dim3A_535, %squeeze3A_537 : vector<1x8xf32>
      %swap3A_539 = arith.constant 5 : index
      %swap3A_540 = arith.constant 40 : index
      %swap3A_541 = vector.load %arg9[%swap3A_539, %swap3A_540] : memref<6x96xf32, #tpu.memory_space<vmem>>, vector<1x8xf32>
      tpu.vector_store %arg9[%swap3A_539, %swap3A_540], %select_n3A_538 {strides = array<i32>} : memref<6x96xf32, #tpu.memory_space<vmem>>, vector<1x8xf32>,
      %get3A_542 = arith.index_cast %min3A_474 : i32 to index
      %get3A_543 = memref.load %arg2[%get3A_542] : memref<7xi32, #tpu.memory_space<smem>>
      %sub3A_544 = arith.constant 1 : i32
      %sub3A_545 = arith.subi %get3A_543, %sub3A_544 : i32
      %jit3A_546 = arith.constant -1 : i32
      %select_n3A_547 = arith.select %eq3A_493, %jit3A_546, %sub3A_545 : i32
      %reshape3A_548 = vector.broadcast %select_n3A_547 : i32 to vector<1x1xi32>
      %convert_element_type3A_549 = arith.sitofp %reshape3A_548 : vector<1x1xi32> to vector<1x1xf32>
      %broadcast_in_dim3A_550 = vector.shape_cast %convert_element_type3A_549 : vector<1x1xf32> to vector<1x1xf32>
      %broadcast_in_dim3A_551 = vector.broadcast %broadcast_in_dim3A_550 : vector<1x1xf32> to vector<1x8xf32>
      %swap3A_552 = arith.constant 0 : index
      %swap3A_553 = arith.constant 40 : index
      %swap3A_554 = vector.load %arg10[%swap3A_552, %swap3A_553] : memref<2x96xf32, #tpu.memory_space<vmem>>, vector<1x8xf32>
      tpu.vector_store %arg10[%swap3A_552, %swap3A_553], %broadcast_in_dim3A_551 {strides = array<i32>} : memref<2x96xf32, #tpu.memory_space<vmem>>, vector<1x8xf32>,
      %get3A_555 = arith.constant 0 : index
      %get3A_556 = arith.constant 0 : index
      %get3A_557 = vector.load %arg5[%get3A_555, %get3A_556] : memref<1x8xf32, #tpu.memory_space<vmem>>, vector<1x8xf32>
      %swap3A_558 = arith.constant 1 : index
      %swap3A_559 = arith.constant 40 : index
      %swap3A_560 = vector.load %arg10[%swap3A_558, %swap3A_559] : memref<2x96xf32, #tpu.memory_space<vmem>>, vector<1x8xf32>
      tpu.vector_store %arg10[%swap3A_558, %swap3A_559], %get3A_557 {strides = array<i32>} : memref<2x96xf32, #tpu.memory_space<vmem>>, vector<1x8xf32>,
      %get3A_561 = arith.constant 6 : index
      %get3A_562 = memref.load %arg1[%get3A_561] : memref<12xi32, #tpu.memory_space<smem>>
      %min3A_563 = arith.constant 7 : i32
      %min3A_564 = arith.minsi %get3A_562, %min3A_563 : i32
      %min3A_565 = arith.constant 6 : i32
      %min3A_566 = arith.minsi %min3A_564, %min3A_565 : i32
      %jit3A_567 = arith.constant 0 : i32
      %jit3A_568 = arith.constant 17 : i32
      %max3A_569 = arith.maxsi %jit3A_567, %get3A_562 : i32
      %min3A_570 = arith.minsi %jit3A_568, %max3A_569 : i32
      %get3A_571 = arith.index_cast %min3A_570 : i32 to index
      %get3A_572 = arith.constant 0 : index
      %get3A_573 = vector.load %arg6[%get3A_571, %get3A_572] : memref<18x248xf32, #tpu.memory_space<vmem>>, vector<1x248xf32>
      %broadcast_in_dim3A_574 = arith.constant 0.000000e+00 : f32
      %broadcast_in_dim3A_575 = vector.broadcast %broadcast_in_dim3A_574 : f32 to vector<1x8xf32>
      %concatenate3A_576 = tpu.concatenate %broadcast_in_dim3A_575, %get3A_573 in 1 : vector<1x8xf32>, vector<1x248xf32> -> vector<1x256xf32>
      %swap3A_577 = arith.constant 6 : index
      %swap3A_578 = arith.constant 0 : index
      %swap3A_579 = vector.load %arg8[%swap3A_577, %swap3A_578] : memref<12x256xf32, #tpu.memory_space<vmem>>, vector<1x256xf32>
      tpu.vector_store %arg8[%swap3A_577, %swap3A_578], %concatenate3A_576 {strides = array<i32>} : memref<12x256xf32, #tpu.memory_space<vmem>>, vector<1x256xf32>,
      %get3A_580 = arith.index_cast %min3A_566 : i32 to index
      %get3A_581 = arith.constant 0 : index
      %get3A_582 = arith.constant 0 : index
      %get3A_583 = vector.load %arg4[%get3A_580, %get3A_581, %get3A_582] : memref<7x6x8xf32, #tpu.memory_space<vmem>>, vector<1x6x8xf32>
      %eq3A_584 = arith.constant 7 : i32
      %eq3A_585 = arith.cmpi eq, %min3A_564, %eq3A_584 : i32
      %broadcast_in_dim3A_586 = arith.constant 0.000000e+00 : f32
      %broadcast_in_dim3A_587 = vector.broadcast %broadcast_in_dim3A_586 : f32 to vector<1x8xf32>
      %slice3A_588 = vector.extract_strided_slice %get3A_583 {offsets = [0, 0, 0], sizes = [1, 1, 8], strides = [1, 1, 1]} : vector<1x6x8xf32> to vector<1x1x8xf32>
      %squeeze3A_589 = vector.shape_cast %slice3A_588 : vector<1x1x8xf32> to vector<1x8xf32>
      %select_n3A_590 = arith.select %eq3A_585, %broadcast_in_dim3A_587, %squeeze3A_589 : vector<1x8xf32>
      %swap3A_591 = arith.constant 0 : index
      %swap3A_592 = arith.constant 48 : index
      %swap3A_593 = vector.load %arg9[%swap3A_591, %swap3A_592] : memref<6x96xf32, #tpu.memory_space<vmem>>, vector<1x8xf32>
      tpu.vector_store %arg9[%swap3A_591, %swap3A_592], %select_n3A_590 {strides = array<i32>} : memref<6x96xf32, #tpu.memory_space<vmem>>, vector<1x8xf32>,
      %broadcast_in_dim3A_594 = arith.constant 0.000000e+00 : f32
      %broadcast_in_dim3A_595 = vector.broadcast %broadcast_in_dim3A_594 : f32 to vector<1x8xf32>
      %slice3A_596 = vector.extract_strided_slice %get3A_583 {offsets = [0, 1, 0], sizes = [1, 1, 8], strides = [1, 1, 1]} : vector<1x6x8xf32> to vector<1x1x8xf32>
      %squeeze3A_597 = vector.shape_cast %slice3A_596 : vector<1x1x8xf32> to vector<1x8xf32>
      %select_n3A_598 = arith.select %eq3A_585, %broadcast_in_dim3A_595, %squeeze3A_597 : vector<1x8xf32>
      %swap3A_599 = arith.constant 1 : index
      %swap3A_600 = arith.constant 48 : index
      %swap3A_601 = vector.load %arg9[%swap3A_599, %swap3A_600] : memref<6x96xf32, #tpu.memory_space<vmem>>, vector<1x8xf32>
      tpu.vector_store %arg9[%swap3A_599, %swap3A_600], %select_n3A_598 {strides = array<i32>} : memref<6x96xf32, #tpu.memory_space<vmem>>, vector<1x8xf32>,
      %broadcast_in_dim3A_602 = arith.constant 0.000000e+00 : f32
      %broadcast_in_dim3A_603 = vector.broadcast %broadcast_in_dim3A_602 : f32 to vector<1x8xf32>
      %slice3A_604 = vector.extract_strided_slice %get3A_583 {offsets = [0, 2, 0], sizes = [1, 1, 8], strides = [1, 1, 1]} : vector<1x6x8xf32> to vector<1x1x8xf32>
      %squeeze3A_605 = vector.shape_cast %slice3A_604 : vector<1x1x8xf32> to vector<1x8xf32>
      %select_n3A_606 = arith.select %eq3A_585, %broadcast_in_dim3A_603, %squeeze3A_605 : vector<1x8xf32>
      %swap3A_607 = arith.constant 2 : index
      %swap3A_608 = arith.constant 48 : index
      %swap3A_609 = vector.load %arg9[%swap3A_607, %swap3A_608] : memref<6x96xf32, #tpu.memory_space<vmem>>, vector<1x8xf32>
      tpu.vector_store %arg9[%swap3A_607, %swap3A_608], %select_n3A_606 {strides = array<i32>} : memref<6x96xf32, #tpu.memory_space<vmem>>, vector<1x8xf32>,
      %broadcast_in_dim3A_610 = arith.constant 0.000000e+00 : f32
      %broadcast_in_dim3A_611 = vector.broadcast %broadcast_in_dim3A_610 : f32 to vector<1x8xf32>
      %slice3A_612 = vector.extract_strided_slice %get3A_583 {offsets = [0, 3, 0], sizes = [1, 1, 8], strides = [1, 1, 1]} : vector<1x6x8xf32> to vector<1x1x8xf32>
      %squeeze3A_613 = vector.shape_cast %slice3A_612 : vector<1x1x8xf32> to vector<1x8xf32>
      %select_n3A_614 = arith.select %eq3A_585, %broadcast_in_dim3A_611, %squeeze3A_613 : vector<1x8xf32>
      %swap3A_615 = arith.constant 3 : index
      %swap3A_616 = arith.constant 48 : index
      %swap3A_617 = vector.load %arg9[%swap3A_615, %swap3A_616] : memref<6x96xf32, #tpu.memory_space<vmem>>, vector<1x8xf32>
      tpu.vector_store %arg9[%swap3A_615, %swap3A_616], %select_n3A_614 {strides = array<i32>} : memref<6x96xf32, #tpu.memory_space<vmem>>, vector<1x8xf32>,
      %broadcast_in_dim3A_618 = arith.constant 0.000000e+00 : f32
      %broadcast_in_dim3A_619 = vector.broadcast %broadcast_in_dim3A_618 : f32 to vector<1x8xf32>
      %slice3A_620 = vector.extract_strided_slice %get3A_583 {offsets = [0, 4, 0], sizes = [1, 1, 8], strides = [1, 1, 1]} : vector<1x6x8xf32> to vector<1x1x8xf32>
      %squeeze3A_621 = vector.shape_cast %slice3A_620 : vector<1x1x8xf32> to vector<1x8xf32>
      %select_n3A_622 = arith.select %eq3A_585, %broadcast_in_dim3A_619, %squeeze3A_621 : vector<1x8xf32>
      %swap3A_623 = arith.constant 4 : index
      %swap3A_624 = arith.constant 48 : index
      %swap3A_625 = vector.load %arg9[%swap3A_623, %swap3A_624] : memref<6x96xf32, #tpu.memory_space<vmem>>, vector<1x8xf32>
      tpu.vector_store %arg9[%swap3A_623, %swap3A_624], %select_n3A_622 {strides = array<i32>} : memref<6x96xf32, #tpu.memory_space<vmem>>, vector<1x8xf32>,
      %broadcast_in_dim3A_626 = arith.constant 0.000000e+00 : f32
      %broadcast_in_dim3A_627 = vector.broadcast %broadcast_in_dim3A_626 : f32 to vector<1x8xf32>
      %slice3A_628 = vector.extract_strided_slice %get3A_583 {offsets = [0, 5, 0], sizes = [1, 1, 8], strides = [1, 1, 1]} : vector<1x6x8xf32> to vector<1x1x8xf32>
      %squeeze3A_629 = vector.shape_cast %slice3A_628 : vector<1x1x8xf32> to vector<1x8xf32>
      %select_n3A_630 = arith.select %eq3A_585, %broadcast_in_dim3A_627, %squeeze3A_629 : vector<1x8xf32>
      %swap3A_631 = arith.constant 5 : index
      %swap3A_632 = arith.constant 48 : index
      %swap3A_633 = vector.load %arg9[%swap3A_631, %swap3A_632] : memref<6x96xf32, #tpu.memory_space<vmem>>, vector<1x8xf32>
      tpu.vector_store %arg9[%swap3A_631, %swap3A_632], %select_n3A_630 {strides = array<i32>} : memref<6x96xf32, #tpu.memory_space<vmem>>, vector<1x8xf32>,
      %get3A_634 = arith.index_cast %min3A_566 : i32 to index
      %get3A_635 = memref.load %arg2[%get3A_634] : memref<7xi32, #tpu.memory_space<smem>>
      %sub3A_636 = arith.constant 1 : i32
      %sub3A_637 = arith.subi %get3A_635, %sub3A_636 : i32
      %jit3A_638 = arith.constant -1 : i32
      %select_n3A_639 = arith.select %eq3A_585, %jit3A_638, %sub3A_637 : i32
      %reshape3A_640 = vector.broadcast %select_n3A_639 : i32 to vector<1x1xi32>
      %convert_element_type3A_641 = arith.sitofp %reshape3A_640 : vector<1x1xi32> to vector<1x1xf32>
      %broadcast_in_dim3A_642 = vector.shape_cast %convert_element_type3A_641 : vector<1x1xf32> to vector<1x1xf32>
      %broadcast_in_dim3A_643 = vector.broadcast %broadcast_in_dim3A_642 : vector<1x1xf32> to vector<1x8xf32>
      %swap3A_644 = arith.constant 0 : index
      %swap3A_645 = arith.constant 48 : index
      %swap3A_646 = vector.load %arg10[%swap3A_644, %swap3A_645] : memref<2x96xf32, #tpu.memory_space<vmem>>, vector<1x8xf32>
      tpu.vector_store %arg10[%swap3A_644, %swap3A_645], %broadcast_in_dim3A_643 {strides = array<i32>} : memref<2x96xf32, #tpu.memory_space<vmem>>, vector<1x8xf32>,
      %get3A_647 = arith.constant 0 : index
      %get3A_648 = arith.constant 0 : index
      %get3A_649 = vector.load %arg5[%get3A_647, %get3A_648] : memref<1x8xf32, #tpu.memory_space<vmem>>, vector<1x8xf32>
      %swap3A_650 = arith.constant 1 : index
      %swap3A_651 = arith.constant 48 : index
      %swap3A_652 = vector.load %arg10[%swap3A_650, %swap3A_651] : memref<2x96xf32, #tpu.memory_space<vmem>>, vector<1x8xf32>
      tpu.vector_store %arg10[%swap3A_650, %swap3A_651], %get3A_649 {strides = array<i32>} : memref<2x96xf32, #tpu.memory_space<vmem>>, vector<1x8xf32>,
      %get3A_653 = arith.constant 7 : index
      %get3A_654 = memref.load %arg1[%get3A_653] : memref<12xi32, #tpu.memory_space<smem>>
      %min3A_655 = arith.constant 7 : i32
      %min3A_656 = arith.minsi %get3A_654, %min3A_655 : i32
      %min3A_657 = arith.constant 6 : i32
      %min3A_658 = arith.minsi %min3A_656, %min3A_657 : i32
      %jit3A_659 = arith.constant 0 : i32
      %jit3A_660 = arith.constant 17 : i32
      %max3A_661 = arith.maxsi %jit3A_659, %get3A_654 : i32
      %min3A_662 = arith.minsi %jit3A_660, %max3A_661 : i32
      %get3A_663 = arith.index_cast %min3A_662 : i32 to index
      %get3A_664 = arith.constant 0 : index
      %get3A_665 = vector.load %arg6[%get3A_663, %get3A_664] : memref<18x248xf32, #tpu.memory_space<vmem>>, vector<1x248xf32>
      %broadcast_in_dim3A_666 = arith.constant 0.000000e+00 : f32
      %broadcast_in_dim3A_667 = vector.broadcast %broadcast_in_dim3A_666 : f32 to vector<1x8xf32>
      %concatenate3A_668 = tpu.concatenate %broadcast_in_dim3A_667, %get3A_665 in 1 : vector<1x8xf32>, vector<1x248xf32> -> vector<1x256xf32>
      %swap3A_669 = arith.constant 7 : index
      %swap3A_670 = arith.constant 0 : index
      %swap3A_671 = vector.load %arg8[%swap3A_669, %swap3A_670] : memref<12x256xf32, #tpu.memory_space<vmem>>, vector<1x256xf32>
      tpu.vector_store %arg8[%swap3A_669, %swap3A_670], %concatenate3A_668 {strides = array<i32>} : memref<12x256xf32, #tpu.memory_space<vmem>>, vector<1x256xf32>,
      %get3A_672 = arith.index_cast %min3A_658 : i32 to index
      %get3A_673 = arith.constant 0 : index
      %get3A_674 = arith.constant 0 : index
      %get3A_675 = vector.load %arg4[%get3A_672, %get3A_673, %get3A_674] : memref<7x6x8xf32, #tpu.memory_space<vmem>>, vector<1x6x8xf32>
      %eq3A_676 = arith.constant 7 : i32
      %eq3A_677 = arith.cmpi eq, %min3A_656, %eq3A_676 : i32
      %broadcast_in_dim3A_678 = arith.constant 0.000000e+00 : f32
      %broadcast_in_dim3A_679 = vector.broadcast %broadcast_in_dim3A_678 : f32 to vector<1x8xf32>
      %slice3A_680 = vector.extract_strided_slice %get3A_675 {offsets = [0, 0, 0], sizes = [1, 1, 8], strides = [1, 1, 1]} : vector<1x6x8xf32> to vector<1x1x8xf32>
      %squeeze3A_681 = vector.shape_cast %slice3A_680 : vector<1x1x8xf32> to vector<1x8xf32>
      %select_n3A_682 = arith.select %eq3A_677, %broadcast_in_dim3A_679, %squeeze3A_681 : vector<1x8xf32>
      %swap3A_683 = arith.constant 0 : index
      %swap3A_684 = arith.constant 56 : index
      %swap3A_685 = vector.load %arg9[%swap3A_683, %swap3A_684] : memref<6x96xf32, #tpu.memory_space<vmem>>, vector<1x8xf32>
      tpu.vector_store %arg9[%swap3A_683, %swap3A_684], %select_n3A_682 {strides = array<i32>} : memref<6x96xf32, #tpu.memory_space<vmem>>, vector<1x8xf32>,
      %broadcast_in_dim3A_686 = arith.constant 0.000000e+00 : f32
      %broadcast_in_dim3A_687 = vector.broadcast %broadcast_in_dim3A_686 : f32 to vector<1x8xf32>
      %slice3A_688 = vector.extract_strided_slice %get3A_675 {offsets = [0, 1, 0], sizes = [1, 1, 8], strides = [1, 1, 1]} : vector<1x6x8xf32> to vector<1x1x8xf32>
      %squeeze3A_689 = vector.shape_cast %slice3A_688 : vector<1x1x8xf32> to vector<1x8xf32>
      %select_n3A_690 = arith.select %eq3A_677, %broadcast_in_dim3A_687, %squeeze3A_689 : vector<1x8xf32>
      %swap3A_691 = arith.constant 1 : index
      %swap3A_692 = arith.constant 56 : index
      %swap3A_693 = vector.load %arg9[%swap3A_691, %swap3A_692] : memref<6x96xf32, #tpu.memory_space<vmem>>, vector<1x8xf32>
      tpu.vector_store %arg9[%swap3A_691, %swap3A_692], %select_n3A_690 {strides = array<i32>} : memref<6x96xf32, #tpu.memory_space<vmem>>, vector<1x8xf32>,
      %broadcast_in_dim3A_694 = arith.constant 0.000000e+00 : f32
      %broadcast_in_dim3A_695 = vector.broadcast %broadcast_in_dim3A_694 : f32 to vector<1x8xf32>
      %slice3A_696 = vector.extract_strided_slice %get3A_675 {offsets = [0, 2, 0], sizes = [1, 1, 8], strides = [1, 1, 1]} : vector<1x6x8xf32> to vector<1x1x8xf32>
      %squeeze3A_697 = vector.shape_cast %slice3A_696 : vector<1x1x8xf32> to vector<1x8xf32>
      %select_n3A_698 = arith.select %eq3A_677, %broadcast_in_dim3A_695, %squeeze3A_697 : vector<1x8xf32>
      %swap3A_699 = arith.constant 2 : index
      %swap3A_700 = arith.constant 56 : index
      %swap3A_701 = vector.load %arg9[%swap3A_699, %swap3A_700] : memref<6x96xf32, #tpu.memory_space<vmem>>, vector<1x8xf32>
      tpu.vector_store %arg9[%swap3A_699, %swap3A_700], %select_n3A_698 {strides = array<i32>} : memref<6x96xf32, #tpu.memory_space<vmem>>, vector<1x8xf32>,
      %broadcast_in_dim3A_702 = arith.constant 0.000000e+00 : f32
      %broadcast_in_dim3A_703 = vector.broadcast %broadcast_in_dim3A_702 : f32 to vector<1x8xf32>
      %slice3A_704 = vector.extract_strided_slice %get3A_675 {offsets = [0, 3, 0], sizes = [1, 1, 8], strides = [1, 1, 1]} : vector<1x6x8xf32> to vector<1x1x8xf32>
      %squeeze3A_705 = vector.shape_cast %slice3A_704 : vector<1x1x8xf32> to vector<1x8xf32>
      %select_n3A_706 = arith.select %eq3A_677, %broadcast_in_dim3A_703, %squeeze3A_705 : vector<1x8xf32>
      %swap3A_707 = arith.constant 3 : index
      %swap3A_708 = arith.constant 56 : index
      %swap3A_709 = vector.load %arg9[%swap3A_707, %swap3A_708] : memref<6x96xf32, #tpu.memory_space<vmem>>, vector<1x8xf32>
      tpu.vector_store %arg9[%swap3A_707, %swap3A_708], %select_n3A_706 {strides = array<i32>} : memref<6x96xf32, #tpu.memory_space<vmem>>, vector<1x8xf32>,
      %broadcast_in_dim3A_710 = arith.constant 0.000000e+00 : f32
      %broadcast_in_dim3A_711 = vector.broadcast %broadcast_in_dim3A_710 : f32 to vector<1x8xf32>
      %slice3A_712 = vector.extract_strided_slice %get3A_675 {offsets = [0, 4, 0], sizes = [1, 1, 8], strides = [1, 1, 1]} : vector<1x6x8xf32> to vector<1x1x8xf32>
      %squeeze3A_713 = vector.shape_cast %slice3A_712 : vector<1x1x8xf32> to vector<1x8xf32>
      %select_n3A_714 = arith.select %eq3A_677, %broadcast_in_dim3A_711, %squeeze3A_713 : vector<1x8xf32>
      %swap3A_715 = arith.constant 4 : index
      %swap3A_716 = arith.constant 56 : index
      %swap3A_717 = vector.load %arg9[%swap3A_715, %swap3A_716] : memref<6x96xf32, #tpu.memory_space<vmem>>, vector<1x8xf32>
      tpu.vector_store %arg9[%swap3A_715, %swap3A_716], %select_n3A_714 {strides = array<i32>} : memref<6x96xf32, #tpu.memory_space<vmem>>, vector<1x8xf32>,
      %broadcast_in_dim3A_718 = arith.constant 0.000000e+00 : f32
      %broadcast_in_dim3A_719 = vector.broadcast %broadcast_in_dim3A_718 : f32 to vector<1x8xf32>
      %slice3A_720 = vector.extract_strided_slice %get3A_675 {offsets = [0, 5, 0], sizes = [1, 1, 8], strides = [1, 1, 1]} : vector<1x6x8xf32> to vector<1x1x8xf32>
      %squeeze3A_721 = vector.shape_cast %slice3A_720 : vector<1x1x8xf32> to vector<1x8xf32>
      %select_n3A_722 = arith.select %eq3A_677, %broadcast_in_dim3A_719, %squeeze3A_721 : vector<1x8xf32>
      %swap3A_723 = arith.constant 5 : index
      %swap3A_724 = arith.constant 56 : index
      %swap3A_725 = vector.load %arg9[%swap3A_723, %swap3A_724] : memref<6x96xf32, #tpu.memory_space<vmem>>, vector<1x8xf32>
      tpu.vector_store %arg9[%swap3A_723, %swap3A_724], %select_n3A_722 {strides = array<i32>} : memref<6x96xf32, #tpu.memory_space<vmem>>, vector<1x8xf32>,
      %get3A_726 = arith.index_cast %min3A_658 : i32 to index
      %get3A_727 = memref.load %arg2[%get3A_726] : memref<7xi32, #tpu.memory_space<smem>>
      %sub3A_728 = arith.constant 1 : i32
      %sub3A_729 = arith.subi %get3A_727, %sub3A_728 : i32
      %jit3A_730 = arith.constant -1 : i32
      %select_n3A_731 = arith.select %eq3A_677, %jit3A_730, %sub3A_729 : i32
      %reshape3A_732 = vector.broadcast %select_n3A_731 : i32 to vector<1x1xi32>
      %convert_element_type3A_733 = arith.sitofp %reshape3A_732 : vector<1x1xi32> to vector<1x1xf32>
      %broadcast_in_dim3A_734 = vector.shape_cast %convert_element_type3A_733 : vector<1x1xf32> to vector<1x1xf32>
      %broadcast_in_dim3A_735 = vector.broadcast %broadcast_in_dim3A_734 : vector<1x1xf32> to vector<1x8xf32>
      %swap3A_736 = arith.constant 0 : index
      %swap3A_737 = arith.constant 56 : index
      %swap3A_738 = vector.load %arg10[%swap3A_736, %swap3A_737] : memref<2x96xf32, #tpu.memory_space<vmem>>, vector<1x8xf32>
      tpu.vector_store %arg10[%swap3A_736, %swap3A_737], %broadcast_in_dim3A_735 {strides = array<i32>} : memref<2x96xf32, #tpu.memory_space<vmem>>, vector<1x8xf32>,
      %get3A_739 = arith.constant 0 : index
      %get3A_740 = arith.constant 0 : index
      %get3A_741 = vector.load %arg5[%get3A_739, %get3A_740] : memref<1x8xf32, #tpu.memory_space<vmem>>, vector<1x8xf32>
      %swap3A_742 = arith.constant 1 : index
      %swap3A_743 = arith.constant 56 : index
      %swap3A_744 = vector.load %arg10[%swap3A_742, %swap3A_743] : memref<2x96xf32, #tpu.memory_space<vmem>>, vector<1x8xf32>
      tpu.vector_store %arg10[%swap3A_742, %swap3A_743], %get3A_741 {strides = array<i32>} : memref<2x96xf32, #tpu.memory_space<vmem>>, vector<1x8xf32>,
      %get3A_745 = arith.constant 8 : index
      %get3A_746 = memref.load %arg1[%get3A_745] : memref<12xi32, #tpu.memory_space<smem>>
      %min3A_747 = arith.constant 7 : i32
      %min3A_748 = arith.minsi %get3A_746, %min3A_747 : i32
      %min3A_749 = arith.constant 6 : i32
      %min3A_750 = arith.minsi %min3A_748, %min3A_749 : i32
      %jit3A_751 = arith.constant 0 : i32
      %jit3A_752 = arith.constant 17 : i32
      %max3A_753 = arith.maxsi %jit3A_751, %get3A_746 : i32
      %min3A_754 = arith.minsi %jit3A_752, %max3A_753 : i32
      %get3A_755 = arith.index_cast %min3A_754 : i32 to index
      %get3A_756 = arith.constant 0 : index
      %get3A_757 = vector.load %arg6[%get3A_755, %get3A_756] : memref<18x248xf32, #tpu.memory_space<vmem>>, vector<1x248xf32>
      %broadcast_in_dim3A_758 = arith.constant 0.000000e+00 : f32
      %broadcast_in_dim3A_759 = vector.broadcast %broadcast_in_dim3A_758 : f32 to vector<1x8xf32>
      %concatenate3A_760 = tpu.concatenate %broadcast_in_dim3A_759, %get3A_757 in 1 : vector<1x8xf32>, vector<1x248xf32> -> vector<1x256xf32>
      %swap3A_761 = arith.constant 8 : index
      %swap3A_762 = arith.constant 0 : index
      %swap3A_763 = vector.load %arg8[%swap3A_761, %swap3A_762] : memref<12x256xf32, #tpu.memory_space<vmem>>, vector<1x256xf32>
      tpu.vector_store %arg8[%swap3A_761, %swap3A_762], %concatenate3A_760 {strides = array<i32>} : memref<12x256xf32, #tpu.memory_space<vmem>>, vector<1x256xf32>,
      %get3A_764 = arith.index_cast %min3A_750 : i32 to index
      %get3A_765 = arith.constant 0 : index
      %get3A_766 = arith.constant 0 : index
      %get3A_767 = vector.load %arg4[%get3A_764, %get3A_765, %get3A_766] : memref<7x6x8xf32, #tpu.memory_space<vmem>>, vector<1x6x8xf32>
      %eq3A_768 = arith.constant 7 : i32
      %eq3A_769 = arith.cmpi eq, %min3A_748, %eq3A_768 : i32
      %broadcast_in_dim3A_770 = arith.constant 0.000000e+00 : f32
      %broadcast_in_dim3A_771 = vector.broadcast %broadcast_in_dim3A_770 : f32 to vector<1x8xf32>
      %slice3A_772 = vector.extract_strided_slice %get3A_767 {offsets = [0, 0, 0], sizes = [1, 1, 8], strides = [1, 1, 1]} : vector<1x6x8xf32> to vector<1x1x8xf32>
      %squeeze3A_773 = vector.shape_cast %slice3A_772 : vector<1x1x8xf32> to vector<1x8xf32>
      %select_n3A_774 = arith.select %eq3A_769, %broadcast_in_dim3A_771, %squeeze3A_773 : vector<1x8xf32>
      %swap3A_775 = arith.constant 0 : index
      %swap3A_776 = arith.constant 64 : index
      %swap3A_777 = vector.load %arg9[%swap3A_775, %swap3A_776] : memref<6x96xf32, #tpu.memory_space<vmem>>, vector<1x8xf32>
      tpu.vector_store %arg9[%swap3A_775, %swap3A_776], %select_n3A_774 {strides = array<i32>} : memref<6x96xf32, #tpu.memory_space<vmem>>, vector<1x8xf32>,
      %broadcast_in_dim3A_778 = arith.constant 0.000000e+00 : f32
      %broadcast_in_dim3A_779 = vector.broadcast %broadcast_in_dim3A_778 : f32 to vector<1x8xf32>
      %slice3A_780 = vector.extract_strided_slice %get3A_767 {offsets = [0, 1, 0], sizes = [1, 1, 8], strides = [1, 1, 1]} : vector<1x6x8xf32> to vector<1x1x8xf32>
      %squeeze3A_781 = vector.shape_cast %slice3A_780 : vector<1x1x8xf32> to vector<1x8xf32>
      %select_n3A_782 = arith.select %eq3A_769, %broadcast_in_dim3A_779, %squeeze3A_781 : vector<1x8xf32>
      %swap3A_783 = arith.constant 1 : index
      %swap3A_784 = arith.constant 64 : index
      %swap3A_785 = vector.load %arg9[%swap3A_783, %swap3A_784] : memref<6x96xf32, #tpu.memory_space<vmem>>, vector<1x8xf32>
      tpu.vector_store %arg9[%swap3A_783, %swap3A_784], %select_n3A_782 {strides = array<i32>} : memref<6x96xf32, #tpu.memory_space<vmem>>, vector<1x8xf32>,
      %broadcast_in_dim3A_786 = arith.constant 0.000000e+00 : f32
      %broadcast_in_dim3A_787 = vector.broadcast %broadcast_in_dim3A_786 : f32 to vector<1x8xf32>
      %slice3A_788 = vector.extract_strided_slice %get3A_767 {offsets = [0, 2, 0], sizes = [1, 1, 8], strides = [1, 1, 1]} : vector<1x6x8xf32> to vector<1x1x8xf32>
      %squeeze3A_789 = vector.shape_cast %slice3A_788 : vector<1x1x8xf32> to vector<1x8xf32>
      %select_n3A_790 = arith.select %eq3A_769, %broadcast_in_dim3A_787, %squeeze3A_789 : vector<1x8xf32>
      %swap3A_791 = arith.constant 2 : index
      %swap3A_792 = arith.constant 64 : index
      %swap3A_793 = vector.load %arg9[%swap3A_791, %swap3A_792] : memref<6x96xf32, #tpu.memory_space<vmem>>, vector<1x8xf32>
      tpu.vector_store %arg9[%swap3A_791, %swap3A_792], %select_n3A_790 {strides = array<i32>} : memref<6x96xf32, #tpu.memory_space<vmem>>, vector<1x8xf32>,
      %broadcast_in_dim3A_794 = arith.constant 0.000000e+00 : f32
      %broadcast_in_dim3A_795 = vector.broadcast %broadcast_in_dim3A_794 : f32 to vector<1x8xf32>
      %slice3A_796 = vector.extract_strided_slice %get3A_767 {offsets = [0, 3, 0], sizes = [1, 1, 8], strides = [1, 1, 1]} : vector<1x6x8xf32> to vector<1x1x8xf32>
      %squeeze3A_797 = vector.shape_cast %slice3A_796 : vector<1x1x8xf32> to vector<1x8xf32>
      %select_n3A_798 = arith.select %eq3A_769, %broadcast_in_dim3A_795, %squeeze3A_797 : vector<1x8xf32>
      %swap3A_799 = arith.constant 3 : index
      %swap3A_800 = arith.constant 64 : index
      %swap3A_801 = vector.load %arg9[%swap3A_799, %swap3A_800] : memref<6x96xf32, #tpu.memory_space<vmem>>, vector<1x8xf32>
      tpu.vector_store %arg9[%swap3A_799, %swap3A_800], %select_n3A_798 {strides = array<i32>} : memref<6x96xf32, #tpu.memory_space<vmem>>, vector<1x8xf32>,
      %broadcast_in_dim3A_802 = arith.constant 0.000000e+00 : f32
      %broadcast_in_dim3A_803 = vector.broadcast %broadcast_in_dim3A_802 : f32 to vector<1x8xf32>
      %slice3A_804 = vector.extract_strided_slice %get3A_767 {offsets = [0, 4, 0], sizes = [1, 1, 8], strides = [1, 1, 1]} : vector<1x6x8xf32> to vector<1x1x8xf32>
      %squeeze3A_805 = vector.shape_cast %slice3A_804 : vector<1x1x8xf32> to vector<1x8xf32>
      %select_n3A_806 = arith.select %eq3A_769, %broadcast_in_dim3A_803, %squeeze3A_805 : vector<1x8xf32>
      %swap3A_807 = arith.constant 4 : index
      %swap3A_808 = arith.constant 64 : index
      %swap3A_809 = vector.load %arg9[%swap3A_807, %swap3A_808] : memref<6x96xf32, #tpu.memory_space<vmem>>, vector<1x8xf32>
      tpu.vector_store %arg9[%swap3A_807, %swap3A_808], %select_n3A_806 {strides = array<i32>} : memref<6x96xf32, #tpu.memory_space<vmem>>, vector<1x8xf32>,
      %broadcast_in_dim3A_810 = arith.constant 0.000000e+00 : f32
      %broadcast_in_dim3A_811 = vector.broadcast %broadcast_in_dim3A_810 : f32 to vector<1x8xf32>
      %slice3A_812 = vector.extract_strided_slice %get3A_767 {offsets = [0, 5, 0], sizes = [1, 1, 8], strides = [1, 1, 1]} : vector<1x6x8xf32> to vector<1x1x8xf32>
      %squeeze3A_813 = vector.shape_cast %slice3A_812 : vector<1x1x8xf32> to vector<1x8xf32>
      %select_n3A_814 = arith.select %eq3A_769, %broadcast_in_dim3A_811, %squeeze3A_813 : vector<1x8xf32>
      %swap3A_815 = arith.constant 5 : index
      %swap3A_816 = arith.constant 64 : index
      %swap3A_817 = vector.load %arg9[%swap3A_815, %swap3A_816] : memref<6x96xf32, #tpu.memory_space<vmem>>, vector<1x8xf32>
      tpu.vector_store %arg9[%swap3A_815, %swap3A_816], %select_n3A_814 {strides = array<i32>} : memref<6x96xf32, #tpu.memory_space<vmem>>, vector<1x8xf32>,
      %get3A_818 = arith.index_cast %min3A_750 : i32 to index
      %get3A_819 = memref.load %arg2[%get3A_818] : memref<7xi32, #tpu.memory_space<smem>>
      %sub3A_820 = arith.constant 1 : i32
      %sub3A_821 = arith.subi %get3A_819, %sub3A_820 : i32
      %jit3A_822 = arith.constant -1 : i32
      %select_n3A_823 = arith.select %eq3A_769, %jit3A_822, %sub3A_821 : i32
      %reshape3A_824 = vector.broadcast %select_n3A_823 : i32 to vector<1x1xi32>
      %convert_element_type3A_825 = arith.sitofp %reshape3A_824 : vector<1x1xi32> to vector<1x1xf32>
      %broadcast_in_dim3A_826 = vector.shape_cast %convert_element_type3A_825 : vector<1x1xf32> to vector<1x1xf32>
      %broadcast_in_dim3A_827 = vector.broadcast %broadcast_in_dim3A_826 : vector<1x1xf32> to vector<1x8xf32>
      %swap3A_828 = arith.constant 0 : index
      %swap3A_829 = arith.constant 64 : index
      %swap3A_830 = vector.load %arg10[%swap3A_828, %swap3A_829] : memref<2x96xf32, #tpu.memory_space<vmem>>, vector<1x8xf32>
      tpu.vector_store %arg10[%swap3A_828, %swap3A_829], %broadcast_in_dim3A_827 {strides = array<i32>} : memref<2x96xf32, #tpu.memory_space<vmem>>, vector<1x8xf32>,
      %get3A_831 = arith.constant 0 : index
      %get3A_832 = arith.constant 0 : index
      %get3A_833 = vector.load %arg5[%get3A_831, %get3A_832] : memref<1x8xf32, #tpu.memory_space<vmem>>, vector<1x8xf32>
      %swap3A_834 = arith.constant 1 : index
      %swap3A_835 = arith.constant 64 : index
      %swap3A_836 = vector.load %arg10[%swap3A_834, %swap3A_835] : memref<2x96xf32, #tpu.memory_space<vmem>>, vector<1x8xf32>
      tpu.vector_store %arg10[%swap3A_834, %swap3A_835], %get3A_833 {strides = array<i32>} : memref<2x96xf32, #tpu.memory_space<vmem>>, vector<1x8xf32>,
      %get3A_837 = arith.constant 9 : index
      %get3A_838 = memref.load %arg1[%get3A_837] : memref<12xi32, #tpu.memory_space<smem>>
      %min3A_839 = arith.constant 7 : i32
      %min3A_840 = arith.minsi %get3A_838, %min3A_839 : i32
      %min3A_841 = arith.constant 6 : i32
      %min3A_842 = arith.minsi %min3A_840, %min3A_841 : i32
      %jit3A_843 = arith.constant 0 : i32
      %jit3A_844 = arith.constant 17 : i32
      %max3A_845 = arith.maxsi %jit3A_843, %get3A_838 : i32
      %min3A_846 = arith.minsi %jit3A_844, %max3A_845 : i32
      %get3A_847 = arith.index_cast %min3A_846 : i32 to index
      %get3A_848 = arith.constant 0 : index
      %get3A_849 = vector.load %arg6[%get3A_847, %get3A_848] : memref<18x248xf32, #tpu.memory_space<vmem>>, vector<1x248xf32>
      %broadcast_in_dim3A_850 = arith.constant 0.000000e+00 : f32
      %broadcast_in_dim3A_851 = vector.broadcast %broadcast_in_dim3A_850 : f32 to vector<1x8xf32>
      %concatenate3A_852 = tpu.concatenate %broadcast_in_dim3A_851, %get3A_849 in 1 : vector<1x8xf32>, vector<1x248xf32> -> vector<1x256xf32>
      %swap3A_853 = arith.constant 9 : index
      %swap3A_854 = arith.constant 0 : index
      %swap3A_855 = vector.load %arg8[%swap3A_853, %swap3A_854] : memref<12x256xf32, #tpu.memory_space<vmem>>, vector<1x256xf32>
      tpu.vector_store %arg8[%swap3A_853, %swap3A_854], %concatenate3A_852 {strides = array<i32>} : memref<12x256xf32, #tpu.memory_space<vmem>>, vector<1x256xf32>,
      %get3A_856 = arith.index_cast %min3A_842 : i32 to index
      %get3A_857 = arith.constant 0 : index
      %get3A_858 = arith.constant 0 : index
      %get3A_859 = vector.load %arg4[%get3A_856, %get3A_857, %get3A_858] : memref<7x6x8xf32, #tpu.memory_space<vmem>>, vector<1x6x8xf32>
      %eq3A_860 = arith.constant 7 : i32
      %eq3A_861 = arith.cmpi eq, %min3A_840, %eq3A_860 : i32
      %broadcast_in_dim3A_862 = arith.constant 0.000000e+00 : f32
      %broadcast_in_dim3A_863 = vector.broadcast %broadcast_in_dim3A_862 : f32 to vector<1x8xf32>
      %slice3A_864 = vector.extract_strided_slice %get3A_859 {offsets = [0, 0, 0], sizes = [1, 1, 8], strides = [1, 1, 1]} : vector<1x6x8xf32> to vector<1x1x8xf32>
      %squeeze3A_865 = vector.shape_cast %slice3A_864 : vector<1x1x8xf32> to vector<1x8xf32>
      %select_n3A_866 = arith.select %eq3A_861, %broadcast_in_dim3A_863, %squeeze3A_865 : vector<1x8xf32>
      %swap3A_867 = arith.constant 0 : index
      %swap3A_868 = arith.constant 72 : index
      %swap3A_869 = vector.load %arg9[%swap3A_867, %swap3A_868] : memref<6x96xf32, #tpu.memory_space<vmem>>, vector<1x8xf32>
      tpu.vector_store %arg9[%swap3A_867, %swap3A_868], %select_n3A_866 {strides = array<i32>} : memref<6x96xf32, #tpu.memory_space<vmem>>, vector<1x8xf32>,
      %broadcast_in_dim3A_870 = arith.constant 0.000000e+00 : f32
      %broadcast_in_dim3A_871 = vector.broadcast %broadcast_in_dim3A_870 : f32 to vector<1x8xf32>
      %slice3A_872 = vector.extract_strided_slice %get3A_859 {offsets = [0, 1, 0], sizes = [1, 1, 8], strides = [1, 1, 1]} : vector<1x6x8xf32> to vector<1x1x8xf32>
      %squeeze3A_873 = vector.shape_cast %slice3A_872 : vector<1x1x8xf32> to vector<1x8xf32>
      %select_n3A_874 = arith.select %eq3A_861, %broadcast_in_dim3A_871, %squeeze3A_873 : vector<1x8xf32>
      %swap3A_875 = arith.constant 1 : index
      %swap3A_876 = arith.constant 72 : index
      %swap3A_877 = vector.load %arg9[%swap3A_875, %swap3A_876] : memref<6x96xf32, #tpu.memory_space<vmem>>, vector<1x8xf32>
      tpu.vector_store %arg9[%swap3A_875, %swap3A_876], %select_n3A_874 {strides = array<i32>} : memref<6x96xf32, #tpu.memory_space<vmem>>, vector<1x8xf32>,
      %broadcast_in_dim3A_878 = arith.constant 0.000000e+00 : f32
      %broadcast_in_dim3A_879 = vector.broadcast %broadcast_in_dim3A_878 : f32 to vector<1x8xf32>
      %slice3A_880 = vector.extract_strided_slice %get3A_859 {offsets = [0, 2, 0], sizes = [1, 1, 8], strides = [1, 1, 1]} : vector<1x6x8xf32> to vector<1x1x8xf32>
      %squeeze3A_881 = vector.shape_cast %slice3A_880 : vector<1x1x8xf32> to vector<1x8xf32>
      %select_n3A_882 = arith.select %eq3A_861, %broadcast_in_dim3A_879, %squeeze3A_881 : vector<1x8xf32>
      %swap3A_883 = arith.constant 2 : index
      %swap3A_884 = arith.constant 72 : index
      %swap3A_885 = vector.load %arg9[%swap3A_883, %swap3A_884] : memref<6x96xf32, #tpu.memory_space<vmem>>, vector<1x8xf32>
      tpu.vector_store %arg9[%swap3A_883, %swap3A_884], %select_n3A_882 {strides = array<i32>} : memref<6x96xf32, #tpu.memory_space<vmem>>, vector<1x8xf32>,
      %broadcast_in_dim3A_886 = arith.constant 0.000000e+00 : f32
      %broadcast_in_dim3A_887 = vector.broadcast %broadcast_in_dim3A_886 : f32 to vector<1x8xf32>
      %slice3A_888 = vector.extract_strided_slice %get3A_859 {offsets = [0, 3, 0], sizes = [1, 1, 8], strides = [1, 1, 1]} : vector<1x6x8xf32> to vector<1x1x8xf32>
      %squeeze3A_889 = vector.shape_cast %slice3A_888 : vector<1x1x8xf32> to vector<1x8xf32>
      %select_n3A_890 = arith.select %eq3A_861, %broadcast_in_dim3A_887, %squeeze3A_889 : vector<1x8xf32>
      %swap3A_891 = arith.constant 3 : index
      %swap3A_892 = arith.constant 72 : index
      %swap3A_893 = vector.load %arg9[%swap3A_891, %swap3A_892] : memref<6x96xf32, #tpu.memory_space<vmem>>, vector<1x8xf32>
      tpu.vector_store %arg9[%swap3A_891, %swap3A_892], %select_n3A_890 {strides = array<i32>} : memref<6x96xf32, #tpu.memory_space<vmem>>, vector<1x8xf32>,
      %broadcast_in_dim3A_894 = arith.constant 0.000000e+00 : f32
      %broadcast_in_dim3A_895 = vector.broadcast %broadcast_in_dim3A_894 : f32 to vector<1x8xf32>
      %slice3A_896 = vector.extract_strided_slice %get3A_859 {offsets = [0, 4, 0], sizes = [1, 1, 8], strides = [1, 1, 1]} : vector<1x6x8xf32> to vector<1x1x8xf32>
      %squeeze3A_897 = vector.shape_cast %slice3A_896 : vector<1x1x8xf32> to vector<1x8xf32>
      %select_n3A_898 = arith.select %eq3A_861, %broadcast_in_dim3A_895, %squeeze3A_897 : vector<1x8xf32>
      %swap3A_899 = arith.constant 4 : index
      %swap3A_900 = arith.constant 72 : index
      %swap3A_901 = vector.load %arg9[%swap3A_899, %swap3A_900] : memref<6x96xf32, #tpu.memory_space<vmem>>, vector<1x8xf32>
      tpu.vector_store %arg9[%swap3A_899, %swap3A_900], %select_n3A_898 {strides = array<i32>} : memref<6x96xf32, #tpu.memory_space<vmem>>, vector<1x8xf32>,
      %broadcast_in_dim3A_902 = arith.constant 0.000000e+00 : f32
      %broadcast_in_dim3A_903 = vector.broadcast %broadcast_in_dim3A_902 : f32 to vector<1x8xf32>
      %slice3A_904 = vector.extract_strided_slice %get3A_859 {offsets = [0, 5, 0], sizes = [1, 1, 8], strides = [1, 1, 1]} : vector<1x6x8xf32> to vector<1x1x8xf32>
      %squeeze3A_905 = vector.shape_cast %slice3A_904 : vector<1x1x8xf32> to vector<1x8xf32>
      %select_n3A_906 = arith.select %eq3A_861, %broadcast_in_dim3A_903, %squeeze3A_905 : vector<1x8xf32>
      %swap3A_907 = arith.constant 5 : index
      %swap3A_908 = arith.constant 72 : index
      %swap3A_909 = vector.load %arg9[%swap3A_907, %swap3A_908] : memref<6x96xf32, #tpu.memory_space<vmem>>, vector<1x8xf32>
      tpu.vector_store %arg9[%swap3A_907, %swap3A_908], %select_n3A_906 {strides = array<i32>} : memref<6x96xf32, #tpu.memory_space<vmem>>, vector<1x8xf32>,
      %get3A_910 = arith.index_cast %min3A_842 : i32 to index
      %get3A_911 = memref.load %arg2[%get3A_910] : memref<7xi32, #tpu.memory_space<smem>>
      %sub3A_912 = arith.constant 1 : i32
      %sub3A_913 = arith.subi %get3A_911, %sub3A_912 : i32
      %jit3A_914 = arith.constant -1 : i32
      %select_n3A_915 = arith.select %eq3A_861, %jit3A_914, %sub3A_913 : i32
      %reshape3A_916 = vector.broadcast %select_n3A_915 : i32 to vector<1x1xi32>
      %convert_element_type3A_917 = arith.sitofp %reshape3A_916 : vector<1x1xi32> to vector<1x1xf32>
      %broadcast_in_dim3A_918 = vector.shape_cast %convert_element_type3A_917 : vector<1x1xf32> to vector<1x1xf32>
      %broadcast_in_dim3A_919 = vector.broadcast %broadcast_in_dim3A_918 : vector<1x1xf32> to vector<1x8xf32>
      %swap3A_920 = arith.constant 0 : index
      %swap3A_921 = arith.constant 72 : index
      %swap3A_922 = vector.load %arg10[%swap3A_920, %swap3A_921] : memref<2x96xf32, #tpu.memory_space<vmem>>, vector<1x8xf32>
      tpu.vector_store %arg10[%swap3A_920, %swap3A_921], %broadcast_in_dim3A_919 {strides = array<i32>} : memref<2x96xf32, #tpu.memory_space<vmem>>, vector<1x8xf32>,
      %get3A_923 = arith.constant 0 : index
      %get3A_924 = arith.constant 0 : index
      %get3A_925 = vector.load %arg5[%get3A_923, %get3A_924] : memref<1x8xf32, #tpu.memory_space<vmem>>, vector<1x8xf32>
      %swap3A_926 = arith.constant 1 : index
      %swap3A_927 = arith.constant 72 : index
      %swap3A_928 = vector.load %arg10[%swap3A_926, %swap3A_927] : memref<2x96xf32, #tpu.memory_space<vmem>>, vector<1x8xf32>
      tpu.vector_store %arg10[%swap3A_926, %swap3A_927], %get3A_925 {strides = array<i32>} : memref<2x96xf32, #tpu.memory_space<vmem>>, vector<1x8xf32>,
      %get3A_929 = arith.constant 10 : index
      %get3A_930 = memref.load %arg1[%get3A_929] : memref<12xi32, #tpu.memory_space<smem>>
      %min3A_931 = arith.constant 7 : i32
      %min3A_932 = arith.minsi %get3A_930, %min3A_931 : i32
      %min3A_933 = arith.constant 6 : i32
      %min3A_934 = arith.minsi %min3A_932, %min3A_933 : i32
      %jit3A_935 = arith.constant 0 : i32
      %jit3A_936 = arith.constant 17 : i32
      %max3A_937 = arith.maxsi %jit3A_935, %get3A_930 : i32
      %min3A_938 = arith.minsi %jit3A_936, %max3A_937 : i32
      %get3A_939 = arith.index_cast %min3A_938 : i32 to index
      %get3A_940 = arith.constant 0 : index
      %get3A_941 = vector.load %arg6[%get3A_939, %get3A_940] : memref<18x248xf32, #tpu.memory_space<vmem>>, vector<1x248xf32>
      %broadcast_in_dim3A_942 = arith.constant 0.000000e+00 : f32
      %broadcast_in_dim3A_943 = vector.broadcast %broadcast_in_dim3A_942 : f32 to vector<1x8xf32>
      %concatenate3A_944 = tpu.concatenate %broadcast_in_dim3A_943, %get3A_941 in 1 : vector<1x8xf32>, vector<1x248xf32> -> vector<1x256xf32>
      %swap3A_945 = arith.constant 10 : index
      %swap3A_946 = arith.constant 0 : index
      %swap3A_947 = vector.load %arg8[%swap3A_945, %swap3A_946] : memref<12x256xf32, #tpu.memory_space<vmem>>, vector<1x256xf32>
      tpu.vector_store %arg8[%swap3A_945, %swap3A_946], %concatenate3A_944 {strides = array<i32>} : memref<12x256xf32, #tpu.memory_space<vmem>>, vector<1x256xf32>,
      %get3A_948 = arith.index_cast %min3A_934 : i32 to index
      %get3A_949 = arith.constant 0 : index
      %get3A_950 = arith.constant 0 : index
      %get3A_951 = vector.load %arg4[%get3A_948, %get3A_949, %get3A_950] : memref<7x6x8xf32, #tpu.memory_space<vmem>>, vector<1x6x8xf32>
      %eq3A_952 = arith.constant 7 : i32
      %eq3A_953 = arith.cmpi eq, %min3A_932, %eq3A_952 : i32
      %broadcast_in_dim3A_954 = arith.constant 0.000000e+00 : f32
      %broadcast_in_dim3A_955 = vector.broadcast %broadcast_in_dim3A_954 : f32 to vector<1x8xf32>
      %slice3A_956 = vector.extract_strided_slice %get3A_951 {offsets = [0, 0, 0], sizes = [1, 1, 8], strides = [1, 1, 1]} : vector<1x6x8xf32> to vector<1x1x8xf32>
      %squeeze3A_957 = vector.shape_cast %slice3A_956 : vector<1x1x8xf32> to vector<1x8xf32>
      %select_n3A_958 = arith.select %eq3A_953, %broadcast_in_dim3A_955, %squeeze3A_957 : vector<1x8xf32>
      %swap3A_959 = arith.constant 0 : index
      %swap3A_960 = arith.constant 80 : index
      %swap3A_961 = vector.load %arg9[%swap3A_959, %swap3A_960] : memref<6x96xf32, #tpu.memory_space<vmem>>, vector<1x8xf32>
      tpu.vector_store %arg9[%swap3A_959, %swap3A_960], %select_n3A_958 {strides = array<i32>} : memref<6x96xf32, #tpu.memory_space<vmem>>, vector<1x8xf32>,
      %broadcast_in_dim3A_962 = arith.constant 0.000000e+00 : f32
      %broadcast_in_dim3A_963 = vector.broadcast %broadcast_in_dim3A_962 : f32 to vector<1x8xf32>
      %slice3A_964 = vector.extract_strided_slice %get3A_951 {offsets = [0, 1, 0], sizes = [1, 1, 8], strides = [1, 1, 1]} : vector<1x6x8xf32> to vector<1x1x8xf32>
      %squeeze3A_965 = vector.shape_cast %slice3A_964 : vector<1x1x8xf32> to vector<1x8xf32>
      %select_n3A_966 = arith.select %eq3A_953, %broadcast_in_dim3A_963, %squeeze3A_965 : vector<1x8xf32>
      %swap3A_967 = arith.constant 1 : index
      %swap3A_968 = arith.constant 80 : index
      %swap3A_969 = vector.load %arg9[%swap3A_967, %swap3A_968] : memref<6x96xf32, #tpu.memory_space<vmem>>, vector<1x8xf32>
      tpu.vector_store %arg9[%swap3A_967, %swap3A_968], %select_n3A_966 {strides = array<i32>} : memref<6x96xf32, #tpu.memory_space<vmem>>, vector<1x8xf32>,
      %broadcast_in_dim3A_970 = arith.constant 0.000000e+00 : f32
      %broadcast_in_dim3A_971 = vector.broadcast %broadcast_in_dim3A_970 : f32 to vector<1x8xf32>
      %slice3A_972 = vector.extract_strided_slice %get3A_951 {offsets = [0, 2, 0], sizes = [1, 1, 8], strides = [1, 1, 1]} : vector<1x6x8xf32> to vector<1x1x8xf32>
      %squeeze3A_973 = vector.shape_cast %slice3A_972 : vector<1x1x8xf32> to vector<1x8xf32>
      %select_n3A_974 = arith.select %eq3A_953, %broadcast_in_dim3A_971, %squeeze3A_973 : vector<1x8xf32>
      %swap3A_975 = arith.constant 2 : index
      %swap3A_976 = arith.constant 80 : index
      %swap3A_977 = vector.load %arg9[%swap3A_975, %swap3A_976] : memref<6x96xf32, #tpu.memory_space<vmem>>, vector<1x8xf32>
      tpu.vector_store %arg9[%swap3A_975, %swap3A_976], %select_n3A_974 {strides = array<i32>} : memref<6x96xf32, #tpu.memory_space<vmem>>, vector<1x8xf32>,
      %broadcast_in_dim3A_978 = arith.constant 0.000000e+00 : f32
      %broadcast_in_dim3A_979 = vector.broadcast %broadcast_in_dim3A_978 : f32 to vector<1x8xf32>
      %slice3A_980 = vector.extract_strided_slice %get3A_951 {offsets = [0, 3, 0], sizes = [1, 1, 8], strides = [1, 1, 1]} : vector<1x6x8xf32> to vector<1x1x8xf32>
      %squeeze3A_981 = vector.shape_cast %slice3A_980 : vector<1x1x8xf32> to vector<1x8xf32>
      %select_n3A_982 = arith.select %eq3A_953, %broadcast_in_dim3A_979, %squeeze3A_981 : vector<1x8xf32>
      %swap3A_983 = arith.constant 3 : index
      %swap3A_984 = arith.constant 80 : index
      %swap3A_985 = vector.load %arg9[%swap3A_983, %swap3A_984] : memref<6x96xf32, #tpu.memory_space<vmem>>, vector<1x8xf32>
      tpu.vector_store %arg9[%swap3A_983, %swap3A_984], %select_n3A_982 {strides = array<i32>} : memref<6x96xf32, #tpu.memory_space<vmem>>, vector<1x8xf32>,
      %broadcast_in_dim3A_986 = arith.constant 0.000000e+00 : f32
      %broadcast_in_dim3A_987 = vector.broadcast %broadcast_in_dim3A_986 : f32 to vector<1x8xf32>
      %slice3A_988 = vector.extract_strided_slice %get3A_951 {offsets = [0, 4, 0], sizes = [1, 1, 8], strides = [1, 1, 1]} : vector<1x6x8xf32> to vector<1x1x8xf32>
      %squeeze3A_989 = vector.shape_cast %slice3A_988 : vector<1x1x8xf32> to vector<1x8xf32>
      %select_n3A_990 = arith.select %eq3A_953, %broadcast_in_dim3A_987, %squeeze3A_989 : vector<1x8xf32>
      %swap3A_991 = arith.constant 4 : index
      %swap3A_992 = arith.constant 80 : index
      %swap3A_993 = vector.load %arg9[%swap3A_991, %swap3A_992] : memref<6x96xf32, #tpu.memory_space<vmem>>, vector<1x8xf32>
      tpu.vector_store %arg9[%swap3A_991, %swap3A_992], %select_n3A_990 {strides = array<i32>} : memref<6x96xf32, #tpu.memory_space<vmem>>, vector<1x8xf32>,
      %broadcast_in_dim3A_994 = arith.constant 0.000000e+00 : f32
      %broadcast_in_dim3A_995 = vector.broadcast %broadcast_in_dim3A_994 : f32 to vector<1x8xf32>
      %slice3A_996 = vector.extract_strided_slice %get3A_951 {offsets = [0, 5, 0], sizes = [1, 1, 8], strides = [1, 1, 1]} : vector<1x6x8xf32> to vector<1x1x8xf32>
      %squeeze3A_997 = vector.shape_cast %slice3A_996 : vector<1x1x8xf32> to vector<1x8xf32>
      %select_n3A_998 = arith.select %eq3A_953, %broadcast_in_dim3A_995, %squeeze3A_997 : vector<1x8xf32>
      %swap3A_999 = arith.constant 5 : index
      %swap3A_1000 = arith.constant 80 : index
      %swap3A_1001 = vector.load %arg9[%swap3A_999, %swap3A_1000] : memref<6x96xf32, #tpu.memory_space<vmem>>, vector<1x8xf32>
      tpu.vector_store %arg9[%swap3A_999, %swap3A_1000], %select_n3A_998 {strides = array<i32>} : memref<6x96xf32, #tpu.memory_space<vmem>>, vector<1x8xf32>,
      %get3A_1002 = arith.index_cast %min3A_934 : i32 to index
      %get3A_1003 = memref.load %arg2[%get3A_1002] : memref<7xi32, #tpu.memory_space<smem>>
      %sub3A_1004 = arith.constant 1 : i32
      %sub3A_1005 = arith.subi %get3A_1003, %sub3A_1004 : i32
      %jit3A_1006 = arith.constant -1 : i32
      %select_n3A_1007 = arith.select %eq3A_953, %jit3A_1006, %sub3A_1005 : i32
      %reshape3A_1008 = vector.broadcast %select_n3A_1007 : i32 to vector<1x1xi32>
      %convert_element_type3A_1009 = arith.sitofp %reshape3A_1008 : vector<1x1xi32> to vector<1x1xf32>
      %broadcast_in_dim3A_1010 = vector.shape_cast %convert_element_type3A_1009 : vector<1x1xf32> to vector<1x1xf32>
      %broadcast_in_dim3A_1011 = vector.broadcast %broadcast_in_dim3A_1010 : vector<1x1xf32> to vector<1x8xf32>
      %swap3A_1012 = arith.constant 0 : index
      %swap3A_1013 = arith.constant 80 : index
      %swap3A_1014 = vector.load %arg10[%swap3A_1012, %swap3A_1013] : memref<2x96xf32, #tpu.memory_space<vmem>>, vector<1x8xf32>
      tpu.vector_store %arg10[%swap3A_1012, %swap3A_1013], %broadcast_in_dim3A_1011 {strides = array<i32>} : memref<2x96xf32, #tpu.memory_space<vmem>>, vector<1x8xf32>,
      %get3A_1015 = arith.constant 0 : index
      %get3A_1016 = arith.constant 0 : index
      %get3A_1017 = vector.load %arg5[%get3A_1015, %get3A_1016] : memref<1x8xf32, #tpu.memory_space<vmem>>, vector<1x8xf32>
      %swap3A_1018 = arith.constant 1 : index
      %swap3A_1019 = arith.constant 80 : index
      %swap3A_1020 = vector.load %arg10[%swap3A_1018, %swap3A_1019] : memref<2x96xf32, #tpu.memory_space<vmem>>, vector<1x8xf32>
      tpu.vector_store %arg10[%swap3A_1018, %swap3A_1019], %get3A_1017 {strides = array<i32>} : memref<2x96xf32, #tpu.memory_space<vmem>>, vector<1x8xf32>,
      %get3A_1021 = arith.constant 11 : index
      %get3A_1022 = memref.load %arg1[%get3A_1021] : memref<12xi32, #tpu.memory_space<smem>>
      %min3A_1023 = arith.constant 7 : i32
      %min3A_1024 = arith.minsi %get3A_1022, %min3A_1023 : i32
      %min3A_1025 = arith.constant 6 : i32
      %min3A_1026 = arith.minsi %min3A_1024, %min3A_1025 : i32
      %jit3A_1027 = arith.constant 0 : i32
      %jit3A_1028 = arith.constant 17 : i32
      %max3A_1029 = arith.maxsi %jit3A_1027, %get3A_1022 : i32
      %min3A_1030 = arith.minsi %jit3A_1028, %max3A_1029 : i32
      %get3A_1031 = arith.index_cast %min3A_1030 : i32 to index
      %get3A_1032 = arith.constant 0 : index
      %get3A_1033 = vector.load %arg6[%get3A_1031, %get3A_1032] : memref<18x248xf32, #tpu.memory_space<vmem>>, vector<1x248xf32>
      %broadcast_in_dim3A_1034 = arith.constant 0.000000e+00 : f32
      %broadcast_in_dim3A_1035 = vector.broadcast %broadcast_in_dim3A_1034 : f32 to vector<1x8xf32>
      %concatenate3A_1036 = tpu.concatenate %broadcast_in_dim3A_1035, %get3A_1033 in 1 : vector<1x8xf32>, vector<1x248xf32> -> vector<1x256xf32>
      %swap3A_1037 = arith.constant 11 : index
      %swap3A_1038 = arith.constant 0 : index
      %swap3A_1039 = vector.load %arg8[%swap3A_1037, %swap3A_1038] : memref<12x256xf32, #tpu.memory_space<vmem>>, vector<1x256xf32>
      tpu.vector_store %arg8[%swap3A_1037, %swap3A_1038], %concatenate3A_1036 {strides = array<i32>} : memref<12x256xf32, #tpu.memory_space<vmem>>, vector<1x256xf32>,
      %get3A_1040 = arith.index_cast %min3A_1026 : i32 to index
      %get3A_1041 = arith.constant 0 : index
      %get3A_1042 = arith.constant 0 : index
      %get3A_1043 = vector.load %arg4[%get3A_1040, %get3A_1041, %get3A_1042] : memref<7x6x8xf32, #tpu.memory_space<vmem>>, vector<1x6x8xf32>
      %eq3A_1044 = arith.constant 7 : i32
      %eq3A_1045 = arith.cmpi eq, %min3A_1024, %eq3A_1044 : i32
      %broadcast_in_dim3A_1046 = arith.constant 0.000000e+00 : f32
      %broadcast_in_dim3A_1047 = vector.broadcast %broadcast_in_dim3A_1046 : f32 to vector<1x8xf32>
      %slice3A_1048 = vector.extract_strided_slice %get3A_1043 {offsets = [0, 0, 0], sizes = [1, 1, 8], strides = [1, 1, 1]} : vector<1x6x8xf32> to vector<1x1x8xf32>
      %squeeze3A_1049 = vector.shape_cast %slice3A_1048 : vector<1x1x8xf32> to vector<1x8xf32>
      %select_n3A_1050 = arith.select %eq3A_1045, %broadcast_in_dim3A_1047, %squeeze3A_1049 : vector<1x8xf32>
      %swap3A_1051 = arith.constant 0 : index
      %swap3A_1052 = arith.constant 88 : index
      %swap3A_1053 = vector.load %arg9[%swap3A_1051, %swap3A_1052] : memref<6x96xf32, #tpu.memory_space<vmem>>, vector<1x8xf32>
      tpu.vector_store %arg9[%swap3A_1051, %swap3A_1052], %select_n3A_1050 {strides = array<i32>} : memref<6x96xf32, #tpu.memory_space<vmem>>, vector<1x8xf32>,
      %broadcast_in_dim3A_1054 = arith.constant 0.000000e+00 : f32
      %broadcast_in_dim3A_1055 = vector.broadcast %broadcast_in_dim3A_1054 : f32 to vector<1x8xf32>
      %slice3A_1056 = vector.extract_strided_slice %get3A_1043 {offsets = [0, 1, 0], sizes = [1, 1, 8], strides = [1, 1, 1]} : vector<1x6x8xf32> to vector<1x1x8xf32>
      %squeeze3A_1057 = vector.shape_cast %slice3A_1056 : vector<1x1x8xf32> to vector<1x8xf32>
      %select_n3A_1058 = arith.select %eq3A_1045, %broadcast_in_dim3A_1055, %squeeze3A_1057 : vector<1x8xf32>
      %swap3A_1059 = arith.constant 1 : index
      %swap3A_1060 = arith.constant 88 : index
      %swap3A_1061 = vector.load %arg9[%swap3A_1059, %swap3A_1060] : memref<6x96xf32, #tpu.memory_space<vmem>>, vector<1x8xf32>
      tpu.vector_store %arg9[%swap3A_1059, %swap3A_1060], %select_n3A_1058 {strides = array<i32>} : memref<6x96xf32, #tpu.memory_space<vmem>>, vector<1x8xf32>,
      %broadcast_in_dim3A_1062 = arith.constant 0.000000e+00 : f32
      %broadcast_in_dim3A_1063 = vector.broadcast %broadcast_in_dim3A_1062 : f32 to vector<1x8xf32>
      %slice3A_1064 = vector.extract_strided_slice %get3A_1043 {offsets = [0, 2, 0], sizes = [1, 1, 8], strides = [1, 1, 1]} : vector<1x6x8xf32> to vector<1x1x8xf32>
      %squeeze3A_1065 = vector.shape_cast %slice3A_1064 : vector<1x1x8xf32> to vector<1x8xf32>
      %select_n3A_1066 = arith.select %eq3A_1045, %broadcast_in_dim3A_1063, %squeeze3A_1065 : vector<1x8xf32>
      %swap3A_1067 = arith.constant 2 : index
      %swap3A_1068 = arith.constant 88 : index
      %swap3A_1069 = vector.load %arg9[%swap3A_1067, %swap3A_1068] : memref<6x96xf32, #tpu.memory_space<vmem>>, vector<1x8xf32>
      tpu.vector_store %arg9[%swap3A_1067, %swap3A_1068], %select_n3A_1066 {strides = array<i32>} : memref<6x96xf32, #tpu.memory_space<vmem>>, vector<1x8xf32>,
      %broadcast_in_dim3A_1070 = arith.constant 0.000000e+00 : f32
      %broadcast_in_dim3A_1071 = vector.broadcast %broadcast_in_dim3A_1070 : f32 to vector<1x8xf32>
      %slice3A_1072 = vector.extract_strided_slice %get3A_1043 {offsets = [0, 3, 0], sizes = [1, 1, 8], strides = [1, 1, 1]} : vector<1x6x8xf32> to vector<1x1x8xf32>
      %squeeze3A_1073 = vector.shape_cast %slice3A_1072 : vector<1x1x8xf32> to vector<1x8xf32>
      %select_n3A_1074 = arith.select %eq3A_1045, %broadcast_in_dim3A_1071, %squeeze3A_1073 : vector<1x8xf32>
      %swap3A_1075 = arith.constant 3 : index
      %swap3A_1076 = arith.constant 88 : index
      %swap3A_1077 = vector.load %arg9[%swap3A_1075, %swap3A_1076] : memref<6x96xf32, #tpu.memory_space<vmem>>, vector<1x8xf32>
      tpu.vector_store %arg9[%swap3A_1075, %swap3A_1076], %select_n3A_1074 {strides = array<i32>} : memref<6x96xf32, #tpu.memory_space<vmem>>, vector<1x8xf32>,
      %broadcast_in_dim3A_1078 = arith.constant 0.000000e+00 : f32
      %broadcast_in_dim3A_1079 = vector.broadcast %broadcast_in_dim3A_1078 : f32 to vector<1x8xf32>
      %slice3A_1080 = vector.extract_strided_slice %get3A_1043 {offsets = [0, 4, 0], sizes = [1, 1, 8], strides = [1, 1, 1]} : vector<1x6x8xf32> to vector<1x1x8xf32>
      %squeeze3A_1081 = vector.shape_cast %slice3A_1080 : vector<1x1x8xf32> to vector<1x8xf32>
      %select_n3A_1082 = arith.select %eq3A_1045, %broadcast_in_dim3A_1079, %squeeze3A_1081 : vector<1x8xf32>
      %swap3A_1083 = arith.constant 4 : index
      %swap3A_1084 = arith.constant 88 : index
      %swap3A_1085 = vector.load %arg9[%swap3A_1083, %swap3A_1084] : memref<6x96xf32, #tpu.memory_space<vmem>>, vector<1x8xf32>
      tpu.vector_store %arg9[%swap3A_1083, %swap3A_1084], %select_n3A_1082 {strides = array<i32>} : memref<6x96xf32, #tpu.memory_space<vmem>>, vector<1x8xf32>,
      %broadcast_in_dim3A_1086 = arith.constant 0.000000e+00 : f32
      %broadcast_in_dim3A_1087 = vector.broadcast %broadcast_in_dim3A_1086 : f32 to vector<1x8xf32>
      %slice3A_1088 = vector.extract_strided_slice %get3A_1043 {offsets = [0, 5, 0], sizes = [1, 1, 8], strides = [1, 1, 1]} : vector<1x6x8xf32> to vector<1x1x8xf32>
      %squeeze3A_1089 = vector.shape_cast %slice3A_1088 : vector<1x1x8xf32> to vector<1x8xf32>
      %select_n3A_1090 = arith.select %eq3A_1045, %broadcast_in_dim3A_1087, %squeeze3A_1089 : vector<1x8xf32>
      %swap3A_1091 = arith.constant 5 : index
      %swap3A_1092 = arith.constant 88 : index
      %swap3A_1093 = vector.load %arg9[%swap3A_1091, %swap3A_1092] : memref<6x96xf32, #tpu.memory_space<vmem>>, vector<1x8xf32>
      tpu.vector_store %arg9[%swap3A_1091, %swap3A_1092], %select_n3A_1090 {strides = array<i32>} : memref<6x96xf32, #tpu.memory_space<vmem>>, vector<1x8xf32>,
      %get3A_1094 = arith.index_cast %min3A_1026 : i32 to index
      %get3A_1095 = memref.load %arg2[%get3A_1094] : memref<7xi32, #tpu.memory_space<smem>>
      %sub3A_1096 = arith.constant 1 : i32
      %sub3A_1097 = arith.subi %get3A_1095, %sub3A_1096 : i32
      %jit3A_1098 = arith.constant -1 : i32
      %select_n3A_1099 = arith.select %eq3A_1045, %jit3A_1098, %sub3A_1097 : i32
      %reshape3A_1100 = vector.broadcast %select_n3A_1099 : i32 to vector<1x1xi32>
      %convert_element_type3A_1101 = arith.sitofp %reshape3A_1100 : vector<1x1xi32> to vector<1x1xf32>
      %broadcast_in_dim3A_1102 = vector.shape_cast %convert_element_type3A_1101 : vector<1x1xf32> to vector<1x1xf32>
      %broadcast_in_dim3A_1103 = vector.broadcast %broadcast_in_dim3A_1102 : vector<1x1xf32> to vector<1x8xf32>
      %swap3A_1104 = arith.constant 0 : index
      %swap3A_1105 = arith.constant 88 : index
      %swap3A_1106 = vector.load %arg10[%swap3A_1104, %swap3A_1105] : memref<2x96xf32, #tpu.memory_space<vmem>>, vector<1x8xf32>
      tpu.vector_store %arg10[%swap3A_1104, %swap3A_1105], %broadcast_in_dim3A_1103 {strides = array<i32>} : memref<2x96xf32, #tpu.memory_space<vmem>>, vector<1x8xf32>,
      %get3A_1107 = arith.constant 0 : index
      %get3A_1108 = arith.constant 0 : index
      %get3A_1109 = vector.load %arg5[%get3A_1107, %get3A_1108] : memref<1x8xf32, #tpu.memory_space<vmem>>, vector<1x8xf32>
      %swap3A_1110 = arith.constant 1 : index
      %swap3A_1111 = arith.constant 88 : index
      %swap3A_1112 = vector.load %arg10[%swap3A_1110, %swap3A_1111] : memref<2x96xf32, #tpu.memory_space<vmem>>, vector<1x8xf32>
      tpu.vector_store %arg10[%swap3A_1110, %swap3A_1111], %get3A_1109 {strides = array<i32>} : memref<2x96xf32, #tpu.memory_space<vmem>>, vector<1x8xf32>,
      %get3A_1113 = arith.constant 0 : index
      %get3A_1114 = arith.constant 0 : index
      %get3A_1115 = vector.load %arg8[%get3A_1113, %get3A_1114] : memref<12x256xf32, #tpu.memory_space<vmem>>, vector<12x256xf32>
      %broadcast_in_dim3A_1116 = vector.shape_cast %get3A_1115 : vector<12x256xf32> to vector<1x12x256xf32>
      %broadcast_in_dim3A_1117 = vector.shape_cast %broadcast_in_dim3A_1116 : vector<1x12x256xf32> to vector<1x12x256xf32>
      %broadcast_in_dim3A_1118 = vector.broadcast %broadcast_in_dim3A_1117 : vector<1x12x256xf32> to vector<512x12x256xf32>
      %swap3A_1119 = arith.constant 0 : index
      %swap3A_1120 = arith.constant 0 : index
      %swap3A_1121 = arith.constant 0 : index
      %swap3A_1122 = arith.constant 0 : index
      %swap3A_1123 = vector.load %arg11[%swap3A_1119, %swap3A_1120, %swap3A_1121, %swap3A_1122] : memref<2x512x12x256xf32, #tpu.memory_space<vmem>>, vector<1x512x12x256xf32>
      %swap3A_1124 = vector.shape_cast %swap3A_1123 : vector<1x512x12x256xf32> to vector<512x12x256xf32>
      %swap3A_1125 = vector.shape_cast %broadcast_in_dim3A_1118 : vector<512x12x256xf32> to vector<1x512x12x256xf32>
      tpu.vector_store %arg11[%swap3A_1119, %swap3A_1120, %swap3A_1121, %swap3A_1122], %swap3A_1125 {strides = array<i32>} : memref<2x512x12x256xf32, #tpu.memory_space<vmem>>, vector<1x512x12x256xf32>,
      %get3A_1126 = arith.constant 0 : index
      %get3A_1127 = arith.constant 0 : index
      %get3A_1128 = vector.load %arg8[%get3A_1126, %get3A_1127] : memref<12x256xf32, #tpu.memory_space<vmem>>, vector<12x256xf32>
      %broadcast_in_dim3A_1129 = vector.shape_cast %get3A_1128 : vector<12x256xf32> to vector<1x12x256xf32>
      %broadcast_in_dim3A_1130 = vector.shape_cast %broadcast_in_dim3A_1129 : vector<1x12x256xf32> to vector<1x12x256xf32>
      %broadcast_in_dim3A_1131 = vector.broadcast %broadcast_in_dim3A_1130 : vector<1x12x256xf32> to vector<512x12x256xf32>
      %swap3A_1132 = arith.constant 1 : index
      %swap3A_1133 = arith.constant 0 : index
      %swap3A_1134 = arith.constant 0 : index
      %swap3A_1135 = arith.constant 0 : index
      %swap3A_1136 = vector.load %arg11[%swap3A_1132, %swap3A_1133, %swap3A_1134, %swap3A_1135] : memref<2x512x12x256xf32, #tpu.memory_space<vmem>>, vector<1x512x12x256xf32>
      %swap3A_1137 = vector.shape_cast %swap3A_1136 : vector<1x512x12x256xf32> to vector<512x12x256xf32>
      %swap3A_1138 = vector.shape_cast %broadcast_in_dim3A_1131 : vector<512x12x256xf32> to vector<1x512x12x256xf32>
      tpu.vector_store %arg11[%swap3A_1132, %swap3A_1133, %swap3A_1134, %swap3A_1135], %swap3A_1138 {strides = array<i32>} : memref<2x512x12x256xf32, #tpu.memory_space<vmem>>, vector<1x512x12x256xf32>,
    } else {
    }
    %mul3A = arith.constant 512 : i32
    %mul3A_2 = arith.muli %arg0, %mul3A : i32
    %rem3A = arith.constant 2 : i32
    %rem3A_3 = arith.remsi %arg0, %rem3A : i32
    %eq3A_4 = arith.constant 0 : i32
    %eq3A_5 = arith.cmpi eq, %rem3A_3, %eq3A_4 : i32
    %convert_element_type3A_6 = arith.extui %eq3A_5 : i1 to i32
    %cond3A_7 = arith.constant 0 : i32
    %cond3A_8 = arith.cmpi ne, %convert_element_type3A_6, %cond3A_7 : i32
    scf.if %cond3A_8 {
      %ge3A = arith.constant 2 : i32
      %ge3A_21 = arith.cmpi sge, %arg0, %ge3A : i32
      %convert_element_type3A_22 = arith.extui %ge3A_21 : i1 to i32
      %cond3A_23 = arith.constant 0 : i32
      %cond3A_24 = arith.constant 0 : i32
      %cond3A_25 = arith.constant 0 : i32
      %cond3A_26 = arith.cmpi ne, %convert_element_type3A_22, %cond3A_25 : i32
      scf.if %cond3A_26 {
        %dma_wait3A = tpu.memref_slice %arg12[%cond3A_24] : memref<2x!tpu.dma_semaphore, #tpu.memory_space<semaphore_mem>> -> memref<1x!tpu.dma_semaphore, #tpu.memory_space<semaphore_mem>>
        %dma_wait3A_192 = tpu.memref_squeeze %dma_wait3A : memref<1x!tpu.dma_semaphore, #tpu.memory_space<semaphore_mem>> -> memref<!tpu.dma_semaphore, #tpu.memory_space<semaphore_mem>>
        %dma_wait3A_193 = arith.constant 0 : i32
        %dma_wait3A_194 = arith.constant 0 : i32
        %dma_wait3A_195 = tpu.memref_slice %arg7[%mul3A_2, %dma_wait3A_193, %dma_wait3A_194] : memref<16384x12x256xf32, #tpu.memory_space<any>> -> memref<512x12x256xf32, #tpu.memory_space<any>>
        %dma_wait3A_196 = arith.constant 0 : i32
        %dma_wait3A_197 = arith.constant 0 : i32
        %dma_wait3A_198 = arith.constant 0 : i32
        %dma_wait3A_199 = tpu.memref_slice %arg11[%cond3A_23, %dma_wait3A_196, %dma_wait3A_197, %dma_wait3A_198] : memref<2x512x12x256xf32, #tpu.memory_space<vmem>> -> memref<1x512x12x256xf32, #tpu.memory_space<vmem>>
        %dma_wait3A_200 = tpu.memref_squeeze %dma_wait3A_199 : memref<1x512x12x256xf32, #tpu.memory_space<vmem>> -> memref<512x12x256xf32, #tpu.memory_space<vmem>>
        tpu.wait_dma2 semaphore(%dma_wait3A_192 : memref<!tpu.dma_semaphore, #tpu.memory_space<semaphore_mem>>) src(%dma_wait3A_200 : memref<512x12x256xf32, #tpu.memory_space<vmem>>) dst(%dma_wait3A_195 : memref<512x12x256xf32, #tpu.memory_space<any>>)
      } else {
      }
      %get3A = arith.constant 0 : index
      %get3A_27 = arith.constant 0 : index
      %get3A_28 = vector.load %arg3[%get3A, %get3A_27] : memref<512x12xf32, #tpu.memory_space<vmem>>, vector<512x1xf32>
      %broadcast_in_dim3A = vector.shape_cast %get3A_28 : vector<512x1xf32> to vector<512x1xf32>
      %broadcast_in_dim3A_29 = vector.broadcast %broadcast_in_dim3A : vector<512x1xf32> to vector<512x8xf32>
      %get3A_30 = arith.constant 0 : index
      %get3A_31 = arith.constant 1 : index
      %get3A_32 = vector.load %arg3[%get3A_30, %get3A_31] : memref<512x12xf32, #tpu.memory_space<vmem>>, vector<512x1xf32>
      %broadcast_in_dim3A_33 = vector.shape_cast %get3A_32 : vector<512x1xf32> to vector<512x1xf32>
      %broadcast_in_dim3A_34 = vector.broadcast %broadcast_in_dim3A_33 : vector<512x1xf32> to vector<512x8xf32>
      %get3A_35 = arith.constant 0 : index
      %get3A_36 = arith.constant 2 : index
      %get3A_37 = vector.load %arg3[%get3A_35, %get3A_36] : memref<512x12xf32, #tpu.memory_space<vmem>>, vector<512x1xf32>
      %broadcast_in_dim3A_38 = vector.shape_cast %get3A_37 : vector<512x1xf32> to vector<512x1xf32>
      %broadcast_in_dim3A_39 = vector.broadcast %broadcast_in_dim3A_38 : vector<512x1xf32> to vector<512x8xf32>
      %get3A_40 = arith.constant 0 : index
      %get3A_41 = arith.constant 3 : index
      %get3A_42 = vector.load %arg3[%get3A_40, %get3A_41] : memref<512x12xf32, #tpu.memory_space<vmem>>, vector<512x1xf32>
      %broadcast_in_dim3A_43 = vector.shape_cast %get3A_42 : vector<512x1xf32> to vector<512x1xf32>
      %broadcast_in_dim3A_44 = vector.broadcast %broadcast_in_dim3A_43 : vector<512x1xf32> to vector<512x8xf32>
      %get3A_45 = arith.constant 0 : index
      %get3A_46 = arith.constant 4 : index
      %get3A_47 = vector.load %arg3[%get3A_45, %get3A_46] : memref<512x12xf32, #tpu.memory_space<vmem>>, vector<512x1xf32>
      %broadcast_in_dim3A_48 = vector.shape_cast %get3A_47 : vector<512x1xf32> to vector<512x1xf32>
      %broadcast_in_dim3A_49 = vector.broadcast %broadcast_in_dim3A_48 : vector<512x1xf32> to vector<512x8xf32>
      %get3A_50 = arith.constant 0 : index
      %get3A_51 = arith.constant 5 : index
      %get3A_52 = vector.load %arg3[%get3A_50, %get3A_51] : memref<512x12xf32, #tpu.memory_space<vmem>>, vector<512x1xf32>
      %broadcast_in_dim3A_53 = vector.shape_cast %get3A_52 : vector<512x1xf32> to vector<512x1xf32>
      %broadcast_in_dim3A_54 = vector.broadcast %broadcast_in_dim3A_53 : vector<512x1xf32> to vector<512x8xf32>
      %get3A_55 = arith.constant 0 : index
      %get3A_56 = arith.constant 6 : index
      %get3A_57 = vector.load %arg3[%get3A_55, %get3A_56] : memref<512x12xf32, #tpu.memory_space<vmem>>, vector<512x1xf32>
      %broadcast_in_dim3A_58 = vector.shape_cast %get3A_57 : vector<512x1xf32> to vector<512x1xf32>
      %broadcast_in_dim3A_59 = vector.broadcast %broadcast_in_dim3A_58 : vector<512x1xf32> to vector<512x8xf32>
      %get3A_60 = arith.constant 0 : index
      %get3A_61 = arith.constant 7 : index
      %get3A_62 = vector.load %arg3[%get3A_60, %get3A_61] : memref<512x12xf32, #tpu.memory_space<vmem>>, vector<512x1xf32>
      %broadcast_in_dim3A_63 = vector.shape_cast %get3A_62 : vector<512x1xf32> to vector<512x1xf32>
      %broadcast_in_dim3A_64 = vector.broadcast %broadcast_in_dim3A_63 : vector<512x1xf32> to vector<512x8xf32>
      %get3A_65 = arith.constant 0 : index
      %get3A_66 = arith.constant 8 : index
      %get3A_67 = vector.load %arg3[%get3A_65, %get3A_66] : memref<512x12xf32, #tpu.memory_space<vmem>>, vector<512x1xf32>
      %broadcast_in_dim3A_68 = vector.shape_cast %get3A_67 : vector<512x1xf32> to vector<512x1xf32>
      %broadcast_in_dim3A_69 = vector.broadcast %broadcast_in_dim3A_68 : vector<512x1xf32> to vector<512x8xf32>
      %get3A_70 = arith.constant 0 : index
      %get3A_71 = arith.constant 9 : index
      %get3A_72 = vector.load %arg3[%get3A_70, %get3A_71] : memref<512x12xf32, #tpu.memory_space<vmem>>, vector<512x1xf32>
      %broadcast_in_dim3A_73 = vector.shape_cast %get3A_72 : vector<512x1xf32> to vector<512x1xf32>
      %broadcast_in_dim3A_74 = vector.broadcast %broadcast_in_dim3A_73 : vector<512x1xf32> to vector<512x8xf32>
      %get3A_75 = arith.constant 0 : index
      %get3A_76 = arith.constant 10 : index
      %get3A_77 = vector.load %arg3[%get3A_75, %get3A_76] : memref<512x12xf32, #tpu.memory_space<vmem>>, vector<512x1xf32>
      %broadcast_in_dim3A_78 = vector.shape_cast %get3A_77 : vector<512x1xf32> to vector<512x1xf32>
      %broadcast_in_dim3A_79 = vector.broadcast %broadcast_in_dim3A_78 : vector<512x1xf32> to vector<512x8xf32>
      %get3A_80 = arith.constant 0 : index
      %get3A_81 = arith.constant 11 : index
      %get3A_82 = vector.load %arg3[%get3A_80, %get3A_81] : memref<512x12xf32, #tpu.memory_space<vmem>>, vector<512x1xf32>
      %broadcast_in_dim3A_83 = vector.shape_cast %get3A_82 : vector<512x1xf32> to vector<512x1xf32>
      %broadcast_in_dim3A_84 = vector.broadcast %broadcast_in_dim3A_83 : vector<512x1xf32> to vector<512x8xf32>
      %concatenate3A = tpu.concatenate %broadcast_in_dim3A_29, %broadcast_in_dim3A_34, %broadcast_in_dim3A_39, %broadcast_in_dim3A_44, %broadcast_in_dim3A_49, %broadcast_in_dim3A_54, %broadcast_in_dim3A_59, %broadcast_in_dim3A_64, %broadcast_in_dim3A_69, %broadcast_in_dim3A_74, %broadcast_in_dim3A_79, %broadcast_in_dim3A_84 in 1 : vector<512x8xf32>, vector<512x8xf32>, vector<512x8xf32>, vector<512x8xf32>, vector<512x8xf32>, vector<512x8xf32>, vector<512x8xf32>, vector<512x8xf32>, vector<512x8xf32>, vector<512x8xf32>, vector<512x8xf32>, vector<512x8xf32> -> vector<512x96xf32>
      %get3A_85 = arith.constant 0 : index
      %get3A_86 = arith.constant 0 : index
      %get3A_87 = vector.load %arg10[%get3A_85, %get3A_86] : memref<2x96xf32, #tpu.memory_space<vmem>>, vector<1x96xf32>
      %jit3A = arith.constant 0.000000e+00 : f32
      %max3A = vector.broadcast %jit3A : f32 to vector<512x96xf32>
      %max3A_88 = arith.maximumf %max3A, %concatenate3A : vector<512x96xf32>
      %min3A = vector.broadcast %get3A_87 : vector<1x96xf32> to vector<512x96xf32>
      %min3A_89 = arith.minimumf %min3A, %max3A_88 : vector<512x96xf32>
      %convert_element_type3A_90 = arith.fptosi %min3A_89 : vector<512x96xf32> to vector<512x96xi32>
      %get3A_91 = arith.constant 1 : index
      %get3A_92 = arith.constant 0 : index
      %get3A_93 = vector.load %arg10[%get3A_91, %get3A_92] : memref<2x96xf32, #tpu.memory_space<vmem>>, vector<1x96xf32>
      %mul3A_94 = vector.broadcast %get3A_93 : vector<1x96xf32> to vector<512x96xf32>
      %mul3A_95 = arith.mulf %concatenate3A, %mul3A_94 : vector<512x96xf32>
      %eq3A_96 = arith.constant 0 : i32
      %eq3A_97 = vector.broadcast %eq3A_96 : i32 to vector<512x96xi32>
      %eq3A_98 = arith.cmpi eq, %convert_element_type3A_90, %eq3A_97 : vector<512x96xi32>
      %get3A_99 = arith.constant 0 : index
      %get3A_100 = arith.constant 0 : index
      %get3A_101 = vector.load %arg9[%get3A_99, %get3A_100] : memref<6x96xf32, #tpu.memory_space<vmem>>, vector<1x96xf32>
      %broadcast_in_dim3A_102 = vector.shape_cast %get3A_101 : vector<1x96xf32> to vector<1x96xf32>
      %broadcast_in_dim3A_103 = vector.broadcast %broadcast_in_dim3A_102 : vector<1x96xf32> to vector<512x96xf32>
      %select_n3A = arith.select %eq3A_98, %broadcast_in_dim3A_103, %mul3A_95 : vector<512x96xi1>, vector<512x96xf32>
      %eq3A_104 = arith.constant 1 : i32
      %eq3A_105 = vector.broadcast %eq3A_104 : i32 to vector<512x96xi32>
      %eq3A_106 = arith.cmpi eq, %convert_element_type3A_90, %eq3A_105 : vector<512x96xi32>
      %get3A_107 = arith.constant 1 : index
      %get3A_108 = arith.constant 0 : index
      %get3A_109 = vector.load %arg9[%get3A_107, %get3A_108] : memref<6x96xf32, #tpu.memory_space<vmem>>, vector<1x96xf32>
      %broadcast_in_dim3A_110 = vector.shape_cast %get3A_109 : vector<1x96xf32> to vector<1x96xf32>
      %broadcast_in_dim3A_111 = vector.broadcast %broadcast_in_dim3A_110 : vector<1x96xf32> to vector<512x96xf32>
      %select_n3A_112 = arith.select %eq3A_106, %broadcast_in_dim3A_111, %select_n3A : vector<512x96xi1>, vector<512x96xf32>
      %eq3A_113 = arith.constant 2 : i32
      %eq3A_114 = vector.broadcast %eq3A_113 : i32 to vector<512x96xi32>
      %eq3A_115 = arith.cmpi eq, %convert_element_type3A_90, %eq3A_114 : vector<512x96xi32>
      %get3A_116 = arith.constant 2 : index
      %get3A_117 = arith.constant 0 : index
      %get3A_118 = vector.load %arg9[%get3A_116, %get3A_117] : memref<6x96xf32, #tpu.memory_space<vmem>>, vector<1x96xf32>
      %broadcast_in_dim3A_119 = vector.shape_cast %get3A_118 : vector<1x96xf32> to vector<1x96xf32>
      %broadcast_in_dim3A_120 = vector.broadcast %broadcast_in_dim3A_119 : vector<1x96xf32> to vector<512x96xf32>
      %select_n3A_121 = arith.select %eq3A_115, %broadcast_in_dim3A_120, %select_n3A_112 : vector<512x96xi1>, vector<512x96xf32>
      %eq3A_122 = arith.constant 3 : i32
      %eq3A_123 = vector.broadcast %eq3A_122 : i32 to vector<512x96xi32>
      %eq3A_124 = arith.cmpi eq, %convert_element_type3A_90, %eq3A_123 : vector<512x96xi32>
      %get3A_125 = arith.constant 3 : index
      %get3A_126 = arith.constant 0 : index
      %get3A_127 = vector.load %arg9[%get3A_125, %get3A_126] : memref<6x96xf32, #tpu.memory_space<vmem>>, vector<1x96xf32>
      %broadcast_in_dim3A_128 = vector.shape_cast %get3A_127 : vector<1x96xf32> to vector<1x96xf32>
      %broadcast_in_dim3A_129 = vector.broadcast %broadcast_in_dim3A_128 : vector<1x96xf32> to vector<512x96xf32>
      %select_n3A_130 = arith.select %eq3A_124, %broadcast_in_dim3A_129, %select_n3A_121 : vector<512x96xi1>, vector<512x96xf32>
      %eq3A_131 = arith.constant 4 : i32
      %eq3A_132 = vector.broadcast %eq3A_131 : i32 to vector<512x96xi32>
      %eq3A_133 = arith.cmpi eq, %convert_element_type3A_90, %eq3A_132 : vector<512x96xi32>
      %get3A_134 = arith.constant 4 : index
      %get3A_135 = arith.constant 0 : index
      %get3A_136 = vector.load %arg9[%get3A_134, %get3A_135] : memref<6x96xf32, #tpu.memory_space<vmem>>, vector<1x96xf32>
      %broadcast_in_dim3A_137 = vector.shape_cast %get3A_136 : vector<1x96xf32> to vector<1x96xf32>
      %broadcast_in_dim3A_138 = vector.broadcast %broadcast_in_dim3A_137 : vector<1x96xf32> to vector<512x96xf32>
      %select_n3A_139 = arith.select %eq3A_133, %broadcast_in_dim3A_138, %select_n3A_130 : vector<512x96xi1>, vector<512x96xf32>
      %eq3A_140 = arith.constant 5 : i32
      %eq3A_141 = vector.broadcast %eq3A_140 : i32 to vector<512x96xi32>
      %eq3A_142 = arith.cmpi eq, %convert_element_type3A_90, %eq3A_141 : vector<512x96xi32>
      %get3A_143 = arith.constant 5 : index
      %get3A_144 = arith.constant 0 : index
      %get3A_145 = vector.load %arg9[%get3A_143, %get3A_144] : memref<6x96xf32, #tpu.memory_space<vmem>>, vector<1x96xf32>
      %broadcast_in_dim3A_146 = vector.shape_cast %get3A_145 : vector<1x96xf32> to vector<1x96xf32>
      %broadcast_in_dim3A_147 = vector.broadcast %broadcast_in_dim3A_146 : vector<1x96xf32> to vector<512x96xf32>
      %select_n3A_148 = arith.select %eq3A_142, %broadcast_in_dim3A_147, %select_n3A_139 : vector<512x96xi1>, vector<512x96xf32>
      %slice3A = vector.extract_strided_slice %select_n3A_148 {offsets = [0, 0], sizes = [512, 8], strides = [1, 1]} : vector<512x96xf32> to vector<512x8xf32>
      %slice3A_149 = vector.extract_strided_slice %select_n3A_148 {offsets = [0, 8], sizes = [512, 8], strides = [1, 1]} : vector<512x96xf32> to vector<512x8xf32>
      %slice3A_150 = vector.extract_strided_slice %select_n3A_148 {offsets = [0, 16], sizes = [512, 8], strides = [1, 1]} : vector<512x96xf32> to vector<512x8xf32>
      %slice3A_151 = vector.extract_strided_slice %select_n3A_148 {offsets = [0, 24], sizes = [512, 8], strides = [1, 1]} : vector<512x96xf32> to vector<512x8xf32>
      %slice3A_152 = vector.extract_strided_slice %select_n3A_148 {offsets = [0, 32], sizes = [512, 8], strides = [1, 1]} : vector<512x96xf32> to vector<512x8xf32>
      %slice3A_153 = vector.extract_strided_slice %select_n3A_148 {offsets = [0, 40], sizes = [512, 8], strides = [1, 1]} : vector<512x96xf32> to vector<512x8xf32>
      %slice3A_154 = vector.extract_strided_slice %select_n3A_148 {offsets = [0, 48], sizes = [512, 8], strides = [1, 1]} : vector<512x96xf32> to vector<512x8xf32>
      %slice3A_155 = vector.extract_strided_slice %select_n3A_148 {offsets = [0, 56], sizes = [512, 8], strides = [1, 1]} : vector<512x96xf32> to vector<512x8xf32>
      %slice3A_156 = vector.extract_strided_slice %select_n3A_148 {offsets = [0, 64], sizes = [512, 8], strides = [1, 1]} : vector<512x96xf32> to vector<512x8xf32>
      %slice3A_157 = vector.extract_strided_slice %select_n3A_148 {offsets = [0, 72], sizes = [512, 8], strides = [1, 1]} : vector<512x96xf32> to vector<512x8xf32>
      %slice3A_158 = vector.extract_strided_slice %select_n3A_148 {offsets = [0, 80], sizes = [512, 8], strides = [1, 1]} : vector<512x96xf32> to vector<512x8xf32>
      %slice3A_159 = vector.extract_strided_slice %select_n3A_148 {offsets = [0, 88], sizes = [512, 8], strides = [1, 1]} : vector<512x96xf32> to vector<512x8xf32>
      %stack3A = vector.shape_cast %slice3A : vector<512x8xf32> to vector<1x512x8xf32>
      %stack3A_160 = vector.shape_cast %slice3A_149 : vector<512x8xf32> to vector<1x512x8xf32>
      %stack3A_161 = vector.shape_cast %slice3A_150 : vector<512x8xf32> to vector<1x512x8xf32>
      %stack3A_162 = vector.shape_cast %slice3A_151 : vector<512x8xf32> to vector<1x512x8xf32>
      %stack3A_163 = vector.shape_cast %slice3A_152 : vector<512x8xf32> to vector<1x512x8xf32>
      %stack3A_164 = vector.shape_cast %slice3A_153 : vector<512x8xf32> to vector<1x512x8xf32>
      %stack3A_165 = vector.shape_cast %slice3A_154 : vector<512x8xf32> to vector<1x512x8xf32>
      %stack3A_166 = vector.shape_cast %slice3A_155 : vector<512x8xf32> to vector<1x512x8xf32>
      %stack3A_167 = vector.shape_cast %slice3A_156 : vector<512x8xf32> to vector<1x512x8xf32>
      %stack3A_168 = vector.shape_cast %slice3A_157 : vector<512x8xf32> to vector<1x512x8xf32>
      %stack3A_169 = vector.shape_cast %slice3A_158 : vector<512x8xf32> to vector<1x512x8xf32>
      %stack3A_170 = vector.shape_cast %slice3A_159 : vector<512x8xf32> to vector<1x512x8xf32>
      %stack3A_171 = tpu.concatenate %stack3A, %stack3A_160, %stack3A_161, %stack3A_162, %stack3A_163, %stack3A_164, %stack3A_165, %stack3A_166, %stack3A_167, %stack3A_168, %stack3A_169, %stack3A_170 in 0 : vector<1x512x8xf32>, vector<1x512x8xf32>, vector<1x512x8xf32>, vector<1x512x8xf32>, vector<1x512x8xf32>, vector<1x512x8xf32>, vector<1x512x8xf32>, vector<1x512x8xf32>, vector<1x512x8xf32>, vector<1x512x8xf32>, vector<1x512x8xf32>, vector<1x512x8xf32> -> vector<12x512x8xf32>
      %transpose3A = tpu.transpose %stack3A_171, [1, 0, 2] : vector<12x512x8xf32> -> vector<512x12x8xf32>
      %swap3A = arith.constant 0 : i32
      %swap3A_172 = arith.constant 0 : i32
      %swap3A_173 = arith.constant 0 : i32
      %swap3A_174 = arith.constant 0 : i32
      %swap3A_175 = tpu.memref_slice %arg11[%swap3A, %swap3A_172, %swap3A_173, %swap3A_174] : memref<2x512x12x256xf32, #tpu.memory_space<vmem>> -> memref<1x512x12x256xf32, #tpu.memory_space<vmem>>
      %swap3A_176 = tpu.memref_squeeze %swap3A_175 : memref<1x512x12x256xf32, #tpu.memory_space<vmem>> -> memref<512x12x256xf32, #tpu.memory_space<vmem>>
      %swap3A_177 = arith.constant 0 : index
      %swap3A_178 = arith.constant 0 : index
      %swap3A_179 = arith.constant 0 : index
      %swap3A_180 = vector.load %swap3A_176[%swap3A_177, %swap3A_178, %swap3A_179] : memref<512x12x256xf32, #tpu.memory_space<vmem>>, vector<512x12x8xf32>
      tpu.vector_store %swap3A_176[%swap3A_177, %swap3A_178, %swap3A_179], %transpose3A {strides = array<i32>} : memref<512x12x256xf32, #tpu.memory_space<vmem>>, vector<512x12x8xf32>,
      %dma_start3A = arith.constant 0 : i32
      %dma_start3A_181 = arith.constant 0 : i32
      %dma_start3A_182 = tpu.memref_slice %arg12[%dma_start3A_181] : memref<2x!tpu.dma_semaphore, #tpu.memory_space<semaphore_mem>> -> memref<1x!tpu.dma_semaphore, #tpu.memory_space<semaphore_mem>>
      %dma_start3A_183 = tpu.memref_squeeze %dma_start3A_182 : memref<1x!tpu.dma_semaphore, #tpu.memory_space<semaphore_mem>> -> memref<!tpu.dma_semaphore, #tpu.memory_space<semaphore_mem>>
      %dma_start3A_184 = arith.constant 0 : i32
      %dma_start3A_185 = arith.constant 0 : i32
      %dma_start3A_186 = tpu.memref_slice %arg7[%mul3A_2, %dma_start3A_184, %dma_start3A_185] : memref<16384x12x256xf32, #tpu.memory_space<any>> -> memref<512x12x256xf32, #tpu.memory_space<any>>
      %dma_start3A_187 = arith.constant 0 : i32
      %dma_start3A_188 = arith.constant 0 : i32
      %dma_start3A_189 = arith.constant 0 : i32
      %dma_start3A_190 = tpu.memref_slice %arg11[%dma_start3A, %dma_start3A_187, %dma_start3A_188, %dma_start3A_189] : memref<2x512x12x256xf32, #tpu.memory_space<vmem>> -> memref<1x512x12x256xf32, #tpu.memory_space<vmem>>
      %dma_start3A_191 = tpu.memref_squeeze %dma_start3A_190 : memref<1x512x12x256xf32, #tpu.memory_space<vmem>> -> memref<512x12x256xf32, #tpu.memory_space<vmem>>
      tpu.enqueue_dma source(%dma_start3A_191 : memref<512x12x256xf32, #tpu.memory_space<vmem>>) target(%dma_start3A_186 : memref<512x12x256xf32, #tpu.memory_space<any>>) target_semaphore(%dma_start3A_183 : memref<!tpu.dma_semaphore, #tpu.memory_space<semaphore_mem>>)
    } else {
    }
    %rem3A_9 = arith.constant 2 : i32
    %rem3A_10 = arith.remsi %arg0, %rem3A_9 : i32
    %eq3A_11 = arith.constant 1 : i32
    %eq3A_12 = arith.cmpi eq, %rem3A_10, %eq3A_11 : i32
    %convert_element_type3A_13 = arith.extui %eq3A_12 : i1 to i32
    %cond3A_14 = arith.constant 0 : i32
    %cond3A_15 = arith.cmpi ne, %convert_element_type3A_13, %cond3A_14 : i32
    scf.if %cond3A_15 {
      %ge3A = arith.constant 2 : i32
      %ge3A_21 = arith.cmpi sge, %arg0, %ge3A : i32
      %convert_element_type3A_22 = arith.extui %ge3A_21 : i1 to i32
      %cond3A_23 = arith.constant 1 : i32
      %cond3A_24 = arith.constant 1 : i32
      %cond3A_25 = arith.constant 0 : i32
      %cond3A_26 = arith.cmpi ne, %convert_element_type3A_22, %cond3A_25 : i32
      scf.if %cond3A_26 {
        %dma_wait3A = tpu.memref_slice %arg12[%cond3A_24] : memref<2x!tpu.dma_semaphore, #tpu.memory_space<semaphore_mem>> -> memref<1x!tpu.dma_semaphore, #tpu.memory_space<semaphore_mem>>
        %dma_wait3A_192 = tpu.memref_squeeze %dma_wait3A : memref<1x!tpu.dma_semaphore, #tpu.memory_space<semaphore_mem>> -> memref<!tpu.dma_semaphore, #tpu.memory_space<semaphore_mem>>
        %dma_wait3A_193 = arith.constant 0 : i32
        %dma_wait3A_194 = arith.constant 0 : i32
        %dma_wait3A_195 = tpu.memref_slice %arg7[%mul3A_2, %dma_wait3A_193, %dma_wait3A_194] : memref<16384x12x256xf32, #tpu.memory_space<any>> -> memref<512x12x256xf32, #tpu.memory_space<any>>
        %dma_wait3A_196 = arith.constant 0 : i32
        %dma_wait3A_197 = arith.constant 0 : i32
        %dma_wait3A_198 = arith.constant 0 : i32
        %dma_wait3A_199 = tpu.memref_slice %arg11[%cond3A_23, %dma_wait3A_196, %dma_wait3A_197, %dma_wait3A_198] : memref<2x512x12x256xf32, #tpu.memory_space<vmem>> -> memref<1x512x12x256xf32, #tpu.memory_space<vmem>>
        %dma_wait3A_200 = tpu.memref_squeeze %dma_wait3A_199 : memref<1x512x12x256xf32, #tpu.memory_space<vmem>> -> memref<512x12x256xf32, #tpu.memory_space<vmem>>
        tpu.wait_dma2 semaphore(%dma_wait3A_192 : memref<!tpu.dma_semaphore, #tpu.memory_space<semaphore_mem>>) src(%dma_wait3A_200 : memref<512x12x256xf32, #tpu.memory_space<vmem>>) dst(%dma_wait3A_195 : memref<512x12x256xf32, #tpu.memory_space<any>>)
      } else {
      }
      %get3A = arith.constant 0 : index
      %get3A_27 = arith.constant 0 : index
      %get3A_28 = vector.load %arg3[%get3A, %get3A_27] : memref<512x12xf32, #tpu.memory_space<vmem>>, vector<512x1xf32>
      %broadcast_in_dim3A = vector.shape_cast %get3A_28 : vector<512x1xf32> to vector<512x1xf32>
      %broadcast_in_dim3A_29 = vector.broadcast %broadcast_in_dim3A : vector<512x1xf32> to vector<512x8xf32>
      %get3A_30 = arith.constant 0 : index
      %get3A_31 = arith.constant 1 : index
      %get3A_32 = vector.load %arg3[%get3A_30, %get3A_31] : memref<512x12xf32, #tpu.memory_space<vmem>>, vector<512x1xf32>
      %broadcast_in_dim3A_33 = vector.shape_cast %get3A_32 : vector<512x1xf32> to vector<512x1xf32>
      %broadcast_in_dim3A_34 = vector.broadcast %broadcast_in_dim3A_33 : vector<512x1xf32> to vector<512x8xf32>
      %get3A_35 = arith.constant 0 : index
      %get3A_36 = arith.constant 2 : index
      %get3A_37 = vector.load %arg3[%get3A_35, %get3A_36] : memref<512x12xf32, #tpu.memory_space<vmem>>, vector<512x1xf32>
      %broadcast_in_dim3A_38 = vector.shape_cast %get3A_37 : vector<512x1xf32> to vector<512x1xf32>
      %broadcast_in_dim3A_39 = vector.broadcast %broadcast_in_dim3A_38 : vector<512x1xf32> to vector<512x8xf32>
      %get3A_40 = arith.constant 0 : index
      %get3A_41 = arith.constant 3 : index
      %get3A_42 = vector.load %arg3[%get3A_40, %get3A_41] : memref<512x12xf32, #tpu.memory_space<vmem>>, vector<512x1xf32>
      %broadcast_in_dim3A_43 = vector.shape_cast %get3A_42 : vector<512x1xf32> to vector<512x1xf32>
      %broadcast_in_dim3A_44 = vector.broadcast %broadcast_in_dim3A_43 : vector<512x1xf32> to vector<512x8xf32>
      %get3A_45 = arith.constant 0 : index
      %get3A_46 = arith.constant 4 : index
      %get3A_47 = vector.load %arg3[%get3A_45, %get3A_46] : memref<512x12xf32, #tpu.memory_space<vmem>>, vector<512x1xf32>
      %broadcast_in_dim3A_48 = vector.shape_cast %get3A_47 : vector<512x1xf32> to vector<512x1xf32>
      %broadcast_in_dim3A_49 = vector.broadcast %broadcast_in_dim3A_48 : vector<512x1xf32> to vector<512x8xf32>
      %get3A_50 = arith.constant 0 : index
      %get3A_51 = arith.constant 5 : index
      %get3A_52 = vector.load %arg3[%get3A_50, %get3A_51] : memref<512x12xf32, #tpu.memory_space<vmem>>, vector<512x1xf32>
      %broadcast_in_dim3A_53 = vector.shape_cast %get3A_52 : vector<512x1xf32> to vector<512x1xf32>
      %broadcast_in_dim3A_54 = vector.broadcast %broadcast_in_dim3A_53 : vector<512x1xf32> to vector<512x8xf32>
      %get3A_55 = arith.constant 0 : index
      %get3A_56 = arith.constant 6 : index
      %get3A_57 = vector.load %arg3[%get3A_55, %get3A_56] : memref<512x12xf32, #tpu.memory_space<vmem>>, vector<512x1xf32>
      %broadcast_in_dim3A_58 = vector.shape_cast %get3A_57 : vector<512x1xf32> to vector<512x1xf32>
      %broadcast_in_dim3A_59 = vector.broadcast %broadcast_in_dim3A_58 : vector<512x1xf32> to vector<512x8xf32>
      %get3A_60 = arith.constant 0 : index
      %get3A_61 = arith.constant 7 : index
      %get3A_62 = vector.load %arg3[%get3A_60, %get3A_61] : memref<512x12xf32, #tpu.memory_space<vmem>>, vector<512x1xf32>
      %broadcast_in_dim3A_63 = vector.shape_cast %get3A_62 : vector<512x1xf32> to vector<512x1xf32>
      %broadcast_in_dim3A_64 = vector.broadcast %broadcast_in_dim3A_63 : vector<512x1xf32> to vector<512x8xf32>
      %get3A_65 = arith.constant 0 : index
      %get3A_66 = arith.constant 8 : index
      %get3A_67 = vector.load %arg3[%get3A_65, %get3A_66] : memref<512x12xf32, #tpu.memory_space<vmem>>, vector<512x1xf32>
      %broadcast_in_dim3A_68 = vector.shape_cast %get3A_67 : vector<512x1xf32> to vector<512x1xf32>
      %broadcast_in_dim3A_69 = vector.broadcast %broadcast_in_dim3A_68 : vector<512x1xf32> to vector<512x8xf32>
      %get3A_70 = arith.constant 0 : index
      %get3A_71 = arith.constant 9 : index
      %get3A_72 = vector.load %arg3[%get3A_70, %get3A_71] : memref<512x12xf32, #tpu.memory_space<vmem>>, vector<512x1xf32>
      %broadcast_in_dim3A_73 = vector.shape_cast %get3A_72 : vector<512x1xf32> to vector<512x1xf32>
      %broadcast_in_dim3A_74 = vector.broadcast %broadcast_in_dim3A_73 : vector<512x1xf32> to vector<512x8xf32>
      %get3A_75 = arith.constant 0 : index
      %get3A_76 = arith.constant 10 : index
      %get3A_77 = vector.load %arg3[%get3A_75, %get3A_76] : memref<512x12xf32, #tpu.memory_space<vmem>>, vector<512x1xf32>
      %broadcast_in_dim3A_78 = vector.shape_cast %get3A_77 : vector<512x1xf32> to vector<512x1xf32>
      %broadcast_in_dim3A_79 = vector.broadcast %broadcast_in_dim3A_78 : vector<512x1xf32> to vector<512x8xf32>
      %get3A_80 = arith.constant 0 : index
      %get3A_81 = arith.constant 11 : index
      %get3A_82 = vector.load %arg3[%get3A_80, %get3A_81] : memref<512x12xf32, #tpu.memory_space<vmem>>, vector<512x1xf32>
      %broadcast_in_dim3A_83 = vector.shape_cast %get3A_82 : vector<512x1xf32> to vector<512x1xf32>
      %broadcast_in_dim3A_84 = vector.broadcast %broadcast_in_dim3A_83 : vector<512x1xf32> to vector<512x8xf32>
      %concatenate3A = tpu.concatenate %broadcast_in_dim3A_29, %broadcast_in_dim3A_34, %broadcast_in_dim3A_39, %broadcast_in_dim3A_44, %broadcast_in_dim3A_49, %broadcast_in_dim3A_54, %broadcast_in_dim3A_59, %broadcast_in_dim3A_64, %broadcast_in_dim3A_69, %broadcast_in_dim3A_74, %broadcast_in_dim3A_79, %broadcast_in_dim3A_84 in 1 : vector<512x8xf32>, vector<512x8xf32>, vector<512x8xf32>, vector<512x8xf32>, vector<512x8xf32>, vector<512x8xf32>, vector<512x8xf32>, vector<512x8xf32>, vector<512x8xf32>, vector<512x8xf32>, vector<512x8xf32>, vector<512x8xf32> -> vector<512x96xf32>
      %get3A_85 = arith.constant 0 : index
      %get3A_86 = arith.constant 0 : index
      %get3A_87 = vector.load %arg10[%get3A_85, %get3A_86] : memref<2x96xf32, #tpu.memory_space<vmem>>, vector<1x96xf32>
      %jit3A = arith.constant 0.000000e+00 : f32
      %max3A = vector.broadcast %jit3A : f32 to vector<512x96xf32>
      %max3A_88 = arith.maximumf %max3A, %concatenate3A : vector<512x96xf32>
      %min3A = vector.broadcast %get3A_87 : vector<1x96xf32> to vector<512x96xf32>
      %min3A_89 = arith.minimumf %min3A, %max3A_88 : vector<512x96xf32>
      %convert_element_type3A_90 = arith.fptosi %min3A_89 : vector<512x96xf32> to vector<512x96xi32>
      %get3A_91 = arith.constant 1 : index
      %get3A_92 = arith.constant 0 : index
      %get3A_93 = vector.load %arg10[%get3A_91, %get3A_92] : memref<2x96xf32, #tpu.memory_space<vmem>>, vector<1x96xf32>
      %mul3A_94 = vector.broadcast %get3A_93 : vector<1x96xf32> to vector<512x96xf32>
      %mul3A_95 = arith.mulf %concatenate3A, %mul3A_94 : vector<512x96xf32>
      %eq3A_96 = arith.constant 0 : i32
      %eq3A_97 = vector.broadcast %eq3A_96 : i32 to vector<512x96xi32>
      %eq3A_98 = arith.cmpi eq, %convert_element_type3A_90, %eq3A_97 : vector<512x96xi32>
      %get3A_99 = arith.constant 0 : index
      %get3A_100 = arith.constant 0 : index
      %get3A_101 = vector.load %arg9[%get3A_99, %get3A_100] : memref<6x96xf32, #tpu.memory_space<vmem>>, vector<1x96xf32>
      %broadcast_in_dim3A_102 = vector.shape_cast %get3A_101 : vector<1x96xf32> to vector<1x96xf32>
      %broadcast_in_dim3A_103 = vector.broadcast %broadcast_in_dim3A_102 : vector<1x96xf32> to vector<512x96xf32>
      %select_n3A = arith.select %eq3A_98, %broadcast_in_dim3A_103, %mul3A_95 : vector<512x96xi1>, vector<512x96xf32>
      %eq3A_104 = arith.constant 1 : i32
      %eq3A_105 = vector.broadcast %eq3A_104 : i32 to vector<512x96xi32>
      %eq3A_106 = arith.cmpi eq, %convert_element_type3A_90, %eq3A_105 : vector<512x96xi32>
      %get3A_107 = arith.constant 1 : index
      %get3A_108 = arith.constant 0 : index
      %get3A_109 = vector.load %arg9[%get3A_107, %get3A_108] : memref<6x96xf32, #tpu.memory_space<vmem>>, vector<1x96xf32>
      %broadcast_in_dim3A_110 = vector.shape_cast %get3A_109 : vector<1x96xf32> to vector<1x96xf32>
      %broadcast_in_dim3A_111 = vector.broadcast %broadcast_in_dim3A_110 : vector<1x96xf32> to vector<512x96xf32>
      %select_n3A_112 = arith.select %eq3A_106, %broadcast_in_dim3A_111, %select_n3A : vector<512x96xi1>, vector<512x96xf32>
      %eq3A_113 = arith.constant 2 : i32
      %eq3A_114 = vector.broadcast %eq3A_113 : i32 to vector<512x96xi32>
      %eq3A_115 = arith.cmpi eq, %convert_element_type3A_90, %eq3A_114 : vector<512x96xi32>
      %get3A_116 = arith.constant 2 : index
      %get3A_117 = arith.constant 0 : index
      %get3A_118 = vector.load %arg9[%get3A_116, %get3A_117] : memref<6x96xf32, #tpu.memory_space<vmem>>, vector<1x96xf32>
      %broadcast_in_dim3A_119 = vector.shape_cast %get3A_118 : vector<1x96xf32> to vector<1x96xf32>
      %broadcast_in_dim3A_120 = vector.broadcast %broadcast_in_dim3A_119 : vector<1x96xf32> to vector<512x96xf32>
      %select_n3A_121 = arith.select %eq3A_115, %broadcast_in_dim3A_120, %select_n3A_112 : vector<512x96xi1>, vector<512x96xf32>
      %eq3A_122 = arith.constant 3 : i32
      %eq3A_123 = vector.broadcast %eq3A_122 : i32 to vector<512x96xi32>
      %eq3A_124 = arith.cmpi eq, %convert_element_type3A_90, %eq3A_123 : vector<512x96xi32>
      %get3A_125 = arith.constant 3 : index
      %get3A_126 = arith.constant 0 : index
      %get3A_127 = vector.load %arg9[%get3A_125, %get3A_126] : memref<6x96xf32, #tpu.memory_space<vmem>>, vector<1x96xf32>
      %broadcast_in_dim3A_128 = vector.shape_cast %get3A_127 : vector<1x96xf32> to vector<1x96xf32>
      %broadcast_in_dim3A_129 = vector.broadcast %broadcast_in_dim3A_128 : vector<1x96xf32> to vector<512x96xf32>
      %select_n3A_130 = arith.select %eq3A_124, %broadcast_in_dim3A_129, %select_n3A_121 : vector<512x96xi1>, vector<512x96xf32>
      %eq3A_131 = arith.constant 4 : i32
      %eq3A_132 = vector.broadcast %eq3A_131 : i32 to vector<512x96xi32>
      %eq3A_133 = arith.cmpi eq, %convert_element_type3A_90, %eq3A_132 : vector<512x96xi32>
      %get3A_134 = arith.constant 4 : index
      %get3A_135 = arith.constant 0 : index
      %get3A_136 = vector.load %arg9[%get3A_134, %get3A_135] : memref<6x96xf32, #tpu.memory_space<vmem>>, vector<1x96xf32>
      %broadcast_in_dim3A_137 = vector.shape_cast %get3A_136 : vector<1x96xf32> to vector<1x96xf32>
      %broadcast_in_dim3A_138 = vector.broadcast %broadcast_in_dim3A_137 : vector<1x96xf32> to vector<512x96xf32>
      %select_n3A_139 = arith.select %eq3A_133, %broadcast_in_dim3A_138, %select_n3A_130 : vector<512x96xi1>, vector<512x96xf32>
      %eq3A_140 = arith.constant 5 : i32
      %eq3A_141 = vector.broadcast %eq3A_140 : i32 to vector<512x96xi32>
      %eq3A_142 = arith.cmpi eq, %convert_element_type3A_90, %eq3A_141 : vector<512x96xi32>
      %get3A_143 = arith.constant 5 : index
      %get3A_144 = arith.constant 0 : index
      %get3A_145 = vector.load %arg9[%get3A_143, %get3A_144] : memref<6x96xf32, #tpu.memory_space<vmem>>, vector<1x96xf32>
      %broadcast_in_dim3A_146 = vector.shape_cast %get3A_145 : vector<1x96xf32> to vector<1x96xf32>
      %broadcast_in_dim3A_147 = vector.broadcast %broadcast_in_dim3A_146 : vector<1x96xf32> to vector<512x96xf32>
      %select_n3A_148 = arith.select %eq3A_142, %broadcast_in_dim3A_147, %select_n3A_139 : vector<512x96xi1>, vector<512x96xf32>
      %slice3A = vector.extract_strided_slice %select_n3A_148 {offsets = [0, 0], sizes = [512, 8], strides = [1, 1]} : vector<512x96xf32> to vector<512x8xf32>
      %slice3A_149 = vector.extract_strided_slice %select_n3A_148 {offsets = [0, 8], sizes = [512, 8], strides = [1, 1]} : vector<512x96xf32> to vector<512x8xf32>
      %slice3A_150 = vector.extract_strided_slice %select_n3A_148 {offsets = [0, 16], sizes = [512, 8], strides = [1, 1]} : vector<512x96xf32> to vector<512x8xf32>
      %slice3A_151 = vector.extract_strided_slice %select_n3A_148 {offsets = [0, 24], sizes = [512, 8], strides = [1, 1]} : vector<512x96xf32> to vector<512x8xf32>
      %slice3A_152 = vector.extract_strided_slice %select_n3A_148 {offsets = [0, 32], sizes = [512, 8], strides = [1, 1]} : vector<512x96xf32> to vector<512x8xf32>
      %slice3A_153 = vector.extract_strided_slice %select_n3A_148 {offsets = [0, 40], sizes = [512, 8], strides = [1, 1]} : vector<512x96xf32> to vector<512x8xf32>
      %slice3A_154 = vector.extract_strided_slice %select_n3A_148 {offsets = [0, 48], sizes = [512, 8], strides = [1, 1]} : vector<512x96xf32> to vector<512x8xf32>
      %slice3A_155 = vector.extract_strided_slice %select_n3A_148 {offsets = [0, 56], sizes = [512, 8], strides = [1, 1]} : vector<512x96xf32> to vector<512x8xf32>
      %slice3A_156 = vector.extract_strided_slice %select_n3A_148 {offsets = [0, 64], sizes = [512, 8], strides = [1, 1]} : vector<512x96xf32> to vector<512x8xf32>
      %slice3A_157 = vector.extract_strided_slice %select_n3A_148 {offsets = [0, 72], sizes = [512, 8], strides = [1, 1]} : vector<512x96xf32> to vector<512x8xf32>
      %slice3A_158 = vector.extract_strided_slice %select_n3A_148 {offsets = [0, 80], sizes = [512, 8], strides = [1, 1]} : vector<512x96xf32> to vector<512x8xf32>
      %slice3A_159 = vector.extract_strided_slice %select_n3A_148 {offsets = [0, 88], sizes = [512, 8], strides = [1, 1]} : vector<512x96xf32> to vector<512x8xf32>
      %stack3A = vector.shape_cast %slice3A : vector<512x8xf32> to vector<1x512x8xf32>
      %stack3A_160 = vector.shape_cast %slice3A_149 : vector<512x8xf32> to vector<1x512x8xf32>
      %stack3A_161 = vector.shape_cast %slice3A_150 : vector<512x8xf32> to vector<1x512x8xf32>
      %stack3A_162 = vector.shape_cast %slice3A_151 : vector<512x8xf32> to vector<1x512x8xf32>
      %stack3A_163 = vector.shape_cast %slice3A_152 : vector<512x8xf32> to vector<1x512x8xf32>
      %stack3A_164 = vector.shape_cast %slice3A_153 : vector<512x8xf32> to vector<1x512x8xf32>
      %stack3A_165 = vector.shape_cast %slice3A_154 : vector<512x8xf32> to vector<1x512x8xf32>
      %stack3A_166 = vector.shape_cast %slice3A_155 : vector<512x8xf32> to vector<1x512x8xf32>
      %stack3A_167 = vector.shape_cast %slice3A_156 : vector<512x8xf32> to vector<1x512x8xf32>
      %stack3A_168 = vector.shape_cast %slice3A_157 : vector<512x8xf32> to vector<1x512x8xf32>
      %stack3A_169 = vector.shape_cast %slice3A_158 : vector<512x8xf32> to vector<1x512x8xf32>
      %stack3A_170 = vector.shape_cast %slice3A_159 : vector<512x8xf32> to vector<1x512x8xf32>
      %stack3A_171 = tpu.concatenate %stack3A, %stack3A_160, %stack3A_161, %stack3A_162, %stack3A_163, %stack3A_164, %stack3A_165, %stack3A_166, %stack3A_167, %stack3A_168, %stack3A_169, %stack3A_170 in 0 : vector<1x512x8xf32>, vector<1x512x8xf32>, vector<1x512x8xf32>, vector<1x512x8xf32>, vector<1x512x8xf32>, vector<1x512x8xf32>, vector<1x512x8xf32>, vector<1x512x8xf32>, vector<1x512x8xf32>, vector<1x512x8xf32>, vector<1x512x8xf32>, vector<1x512x8xf32> -> vector<12x512x8xf32>
      %transpose3A = tpu.transpose %stack3A_171, [1, 0, 2] : vector<12x512x8xf32> -> vector<512x12x8xf32>
      %swap3A = arith.constant 1 : i32
      %swap3A_172 = arith.constant 0 : i32
      %swap3A_173 = arith.constant 0 : i32
      %swap3A_174 = arith.constant 0 : i32
      %swap3A_175 = tpu.memref_slice %arg11[%swap3A, %swap3A_172, %swap3A_173, %swap3A_174] : memref<2x512x12x256xf32, #tpu.memory_space<vmem>> -> memref<1x512x12x256xf32, #tpu.memory_space<vmem>>
      %swap3A_176 = tpu.memref_squeeze %swap3A_175 : memref<1x512x12x256xf32, #tpu.memory_space<vmem>> -> memref<512x12x256xf32, #tpu.memory_space<vmem>>
      %swap3A_177 = arith.constant 0 : index
      %swap3A_178 = arith.constant 0 : index
      %swap3A_179 = arith.constant 0 : index
      %swap3A_180 = vector.load %swap3A_176[%swap3A_177, %swap3A_178, %swap3A_179] : memref<512x12x256xf32, #tpu.memory_space<vmem>>, vector<512x12x8xf32>
      tpu.vector_store %swap3A_176[%swap3A_177, %swap3A_178, %swap3A_179], %transpose3A {strides = array<i32>} : memref<512x12x256xf32, #tpu.memory_space<vmem>>, vector<512x12x8xf32>,
      %dma_start3A = arith.constant 1 : i32
      %dma_start3A_181 = arith.constant 1 : i32
      %dma_start3A_182 = tpu.memref_slice %arg12[%dma_start3A_181] : memref<2x!tpu.dma_semaphore, #tpu.memory_space<semaphore_mem>> -> memref<1x!tpu.dma_semaphore, #tpu.memory_space<semaphore_mem>>
      %dma_start3A_183 = tpu.memref_squeeze %dma_start3A_182 : memref<1x!tpu.dma_semaphore, #tpu.memory_space<semaphore_mem>> -> memref<!tpu.dma_semaphore, #tpu.memory_space<semaphore_mem>>
      %dma_start3A_184 = arith.constant 0 : i32
      %dma_start3A_185 = arith.constant 0 : i32
      %dma_start3A_186 = tpu.memref_slice %arg7[%mul3A_2, %dma_start3A_184, %dma_start3A_185] : memref<16384x12x256xf32, #tpu.memory_space<any>> -> memref<512x12x256xf32, #tpu.memory_space<any>>
      %dma_start3A_187 = arith.constant 0 : i32
      %dma_start3A_188 = arith.constant 0 : i32
      %dma_start3A_189 = arith.constant 0 : i32
      %dma_start3A_190 = tpu.memref_slice %arg11[%dma_start3A, %dma_start3A_187, %dma_start3A_188, %dma_start3A_189] : memref<2x512x12x256xf32, #tpu.memory_space<vmem>> -> memref<1x512x12x256xf32, #tpu.memory_space<vmem>>
      %dma_start3A_191 = tpu.memref_squeeze %dma_start3A_190 : memref<1x512x12x256xf32, #tpu.memory_space<vmem>> -> memref<512x12x256xf32, #tpu.memory_space<vmem>>
      tpu.enqueue_dma source(%dma_start3A_191 : memref<512x12x256xf32, #tpu.memory_space<vmem>>) target(%dma_start3A_186 : memref<512x12x256xf32, #tpu.memory_space<any>>) target_semaphore(%dma_start3A_183 : memref<!tpu.dma_semaphore, #tpu.memory_space<semaphore_mem>>)
    } else {
    }
    %eq3A_16 = arith.constant 31 : i32
    %eq3A_17 = arith.cmpi eq, %arg0, %eq3A_16 : i32
    %convert_element_type3A_18 = arith.extui %eq3A_17 : i1 to i32
    %cond3A_19 = arith.constant 0 : i32
    %cond3A_20 = arith.cmpi ne, %convert_element_type3A_18, %cond3A_19 : i32
    scf.if %cond3A_20 {
      %dma_wait3A = arith.constant 0 : i32
      %dma_wait3A_21 = arith.constant 0 : i32
      %dma_wait3A_22 = tpu.memref_slice %arg12[%dma_wait3A_21] : memref<2x!tpu.dma_semaphore, #tpu.memory_space<semaphore_mem>> -> memref<1x!tpu.dma_semaphore, #tpu.memory_space<semaphore_mem>>
      %dma_wait3A_23 = tpu.memref_squeeze %dma_wait3A_22 : memref<1x!tpu.dma_semaphore, #tpu.memory_space<semaphore_mem>> -> memref<!tpu.dma_semaphore, #tpu.memory_space<semaphore_mem>>
      %dma_wait3A_24 = arith.constant 0 : i32
      %dma_wait3A_25 = arith.constant 0 : i32
      %dma_wait3A_26 = tpu.memref_slice %arg7[%mul3A_2, %dma_wait3A_24, %dma_wait3A_25] : memref<16384x12x256xf32, #tpu.memory_space<any>> -> memref<512x12x256xf32, #tpu.memory_space<any>>
      %dma_wait3A_27 = arith.constant 0 : i32
      %dma_wait3A_28 = arith.constant 0 : i32
      %dma_wait3A_29 = arith.constant 0 : i32
      %dma_wait3A_30 = tpu.memref_slice %arg11[%dma_wait3A, %dma_wait3A_27, %dma_wait3A_28, %dma_wait3A_29] : memref<2x512x12x256xf32, #tpu.memory_space<vmem>> -> memref<1x512x12x256xf32, #tpu.memory_space<vmem>>
      %dma_wait3A_31 = tpu.memref_squeeze %dma_wait3A_30 : memref<1x512x12x256xf32, #tpu.memory_space<vmem>> -> memref<512x12x256xf32, #tpu.memory_space<vmem>>
      tpu.wait_dma2 semaphore(%dma_wait3A_23 : memref<!tpu.dma_semaphore, #tpu.memory_space<semaphore_mem>>) src(%dma_wait3A_31 : memref<512x12x256xf32, #tpu.memory_space<vmem>>) dst(%dma_wait3A_26 : memref<512x12x256xf32, #tpu.memory_space<any>>)
      %dma_wait3A_32 = arith.constant 1 : i32
      %dma_wait3A_33 = arith.constant 1 : i32
      %dma_wait3A_34 = tpu.memref_slice %arg12[%dma_wait3A_33] : memref<2x!tpu.dma_semaphore, #tpu.memory_space<semaphore_mem>> -> memref<1x!tpu.dma_semaphore, #tpu.memory_space<semaphore_mem>>
      %dma_wait3A_35 = tpu.memref_squeeze %dma_wait3A_34 : memref<1x!tpu.dma_semaphore, #tpu.memory_space<semaphore_mem>> -> memref<!tpu.dma_semaphore, #tpu.memory_space<semaphore_mem>>
      %dma_wait3A_36 = arith.constant 0 : i32
      %dma_wait3A_37 = arith.constant 0 : i32
      %dma_wait3A_38 = tpu.memref_slice %arg7[%mul3A_2, %dma_wait3A_36, %dma_wait3A_37] : memref<16384x12x256xf32, #tpu.memory_space<any>> -> memref<512x12x256xf32, #tpu.memory_space<any>>
      %dma_wait3A_39 = arith.constant 0 : i32
      %dma_wait3A_40 = arith.constant 0 : i32
      %dma_wait3A_41 = arith.constant 0 : i32
      %dma_wait3A_42 = tpu.memref_slice %arg11[%dma_wait3A_32, %dma_wait3A_39, %dma_wait3A_40, %dma_wait3A_41] : memref<2x512x12x256xf32, #tpu.memory_space<vmem>> -> memref<1x512x12x256xf32, #tpu.memory_space<vmem>>
      %dma_wait3A_43 = tpu.memref_squeeze %dma_wait3A_42 : memref<1x512x12x256xf32, #tpu.memory_space<vmem>> -> memref<512x12x256xf32, #tpu.memory_space<vmem>>
      tpu.wait_dma2 semaphore(%dma_wait3A_35 : memref<!tpu.dma_semaphore, #tpu.memory_space<semaphore_mem>>) src(%dma_wait3A_43 : memref<512x12x256xf32, #tpu.memory_space<vmem>>) dst(%dma_wait3A_38 : memref<512x12x256xf32, #tpu.memory_space<any>>)
    } else {
    }
    return
  }
  func.func @transform_0(%arg0: i32) -> i32 {
    %c0_i32 = arith.constant 0 : i32
    %c0_i32_0 = arith.constant 0 : i32
    return %c0_i32 : i32
  }
  func.func @transform_1(%arg0: i32) -> i32 {
    %c0_i32 = arith.constant 0 : i32
    %c0_i32_0 = arith.constant 0 : i32
    return %c0_i32 : i32
  }
  func.func @transform_2(%arg0: i32) -> (i32, i32) {
    %c0_i32 = arith.constant 0 : i32
    %c0_i32_0 = arith.constant 0 : i32
    return %arg0, %c0_i32 : i32, i32
  }
  func.func @transform_3(%arg0: i32) -> (i32, i32, i32) {
    %c0_i32 = arith.constant 0 : i32
    %c0_i32_0 = arith.constant 0 : i32
    %c0_i32_1 = arith.constant 0 : i32
    %c0_i32_2 = arith.constant 0 : i32
    return %c0_i32, %c0_i32_0, %c0_i32_1 : i32, i32, i32
  }
  func.func @transform_4(%arg0: i32) -> (i32, i32) {
    %c0_i32 = arith.constant 0 : i32
    %c0_i32_0 = arith.constant 0 : i32
    %c0_i32_1 = arith.constant 0 : i32
    return %c0_i32, %c0_i32_0 : i32, i32
  }
  func.func @transform_5(%arg0: i32) -> (i32, i32) {
    %c0_i32 = arith.constant 0 : i32
    %c0_i32_0 = arith.constant 0 : i32
    %c0_i32_1 = arith.constant 0 : i32
    return %c0_i32, %c0_i32_0 : i32, i32
  }
}

module attributes {stable_mosaic.version = 14 : i64} {
  func.func @_masked_slab_body(%arg0: memref<6xi32, #tpu.memory_space<smem>>, %arg1: memref<7xi32, #tpu.memory_space<smem>>, %arg2: memref<7x6x8xf32, #tpu.memory_space<vmem>>, %arg3: memref<18x248xf32, #tpu.memory_space<vmem>>, %arg4: memref<6x256xf32, #tpu.memory_space<vmem>>) attributes {dimension_semantics = [], scalar_prefetch = 0 : i64, scratch_operands = 0 : i64, tpu.core_type = #tpu.core_type<tc>} {
    %get3A = arith.constant 0 : index
    %get3A_0 = memref.load %arg0[%get3A] : memref<6xi32, #tpu.memory_space<smem>>
    %min3A = arith.constant 6 : i32
    %min3A_1 = arith.minsi %get3A_0, %min3A : i32
    %get3A_2 = arith.index_cast %min3A_1 : i32 to index
    %get3A_3 = arith.constant 0 : index
    %get3A_4 = arith.constant 0 : index
    %get3A_5 = vector.load %arg2[%get3A_2, %get3A_3, %get3A_4] : memref<7x6x8xf32, #tpu.memory_space<vmem>>, vector<1x6x8xf32>
    %get3A_6 = arith.index_cast %min3A_1 : i32 to index
    %get3A_7 = memref.load %arg1[%get3A_6] : memref<7xi32, #tpu.memory_space<smem>>
    %sub3A = arith.constant 1 : i32
    %sub3A_8 = arith.subi %get3A_7, %sub3A : i32
    %broadcast_in_dim3A = arith.constant 0.000000e+00 : f32
    %broadcast_in_dim3A_9 = vector.broadcast %broadcast_in_dim3A : f32 to vector<1x8xf32>
    %eq3A = arith.constant 0 : i32
    %eq3A_10 = arith.cmpi eq, %sub3A_8, %eq3A : i32
    %jit3A = arith.constant 1.000000e+00 : f32
    %jit3A_11 = arith.constant 0.000000e+00 : f32
    %select_n3A = arith.select %eq3A_10, %jit3A, %jit3A_11 : f32
    %slice3A = vector.extract_strided_slice %get3A_5 {offsets = [0, 0, 0], sizes = [1, 1, 8], strides = [1, 1, 1]} : vector<1x6x8xf32> to vector<1x1x8xf32>
    %squeeze3A = vector.shape_cast %slice3A : vector<1x1x8xf32> to vector<1x8xf32>
    %mul3A = vector.broadcast %select_n3A : f32 to vector<1x8xf32>
    %mul3A_12 = arith.mulf %mul3A, %squeeze3A : vector<1x8xf32>
    %add3A = arith.addf %broadcast_in_dim3A_9, %mul3A_12 : vector<1x8xf32>
    %eq3A_13 = arith.constant 1 : i32
    %eq3A_14 = arith.cmpi eq, %sub3A_8, %eq3A_13 : i32
    %jit3A_15 = arith.constant 1.000000e+00 : f32
    %jit3A_16 = arith.constant 0.000000e+00 : f32
    %select_n3A_17 = arith.select %eq3A_14, %jit3A_15, %jit3A_16 : f32
    %slice3A_18 = vector.extract_strided_slice %get3A_5 {offsets = [0, 1, 0], sizes = [1, 1, 8], strides = [1, 1, 1]} : vector<1x6x8xf32> to vector<1x1x8xf32>
    %squeeze3A_19 = vector.shape_cast %slice3A_18 : vector<1x1x8xf32> to vector<1x8xf32>
    %mul3A_20 = vector.broadcast %select_n3A_17 : f32 to vector<1x8xf32>
    %mul3A_21 = arith.mulf %mul3A_20, %squeeze3A_19 : vector<1x8xf32>
    %add3A_22 = arith.addf %add3A, %mul3A_21 : vector<1x8xf32>
    %eq3A_23 = arith.constant 2 : i32
    %eq3A_24 = arith.cmpi eq, %sub3A_8, %eq3A_23 : i32
    %jit3A_25 = arith.constant 1.000000e+00 : f32
    %jit3A_26 = arith.constant 0.000000e+00 : f32
    %select_n3A_27 = arith.select %eq3A_24, %jit3A_25, %jit3A_26 : f32
    %slice3A_28 = vector.extract_strided_slice %get3A_5 {offsets = [0, 2, 0], sizes = [1, 1, 8], strides = [1, 1, 1]} : vector<1x6x8xf32> to vector<1x1x8xf32>
    %squeeze3A_29 = vector.shape_cast %slice3A_28 : vector<1x1x8xf32> to vector<1x8xf32>
    %mul3A_30 = vector.broadcast %select_n3A_27 : f32 to vector<1x8xf32>
    %mul3A_31 = arith.mulf %mul3A_30, %squeeze3A_29 : vector<1x8xf32>
    %add3A_32 = arith.addf %add3A_22, %mul3A_31 : vector<1x8xf32>
    %eq3A_33 = arith.constant 3 : i32
    %eq3A_34 = arith.cmpi eq, %sub3A_8, %eq3A_33 : i32
    %jit3A_35 = arith.constant 1.000000e+00 : f32
    %jit3A_36 = arith.constant 0.000000e+00 : f32
    %select_n3A_37 = arith.select %eq3A_34, %jit3A_35, %jit3A_36 : f32
    %slice3A_38 = vector.extract_strided_slice %get3A_5 {offsets = [0, 3, 0], sizes = [1, 1, 8], strides = [1, 1, 1]} : vector<1x6x8xf32> to vector<1x1x8xf32>
    %squeeze3A_39 = vector.shape_cast %slice3A_38 : vector<1x1x8xf32> to vector<1x8xf32>
    %mul3A_40 = vector.broadcast %select_n3A_37 : f32 to vector<1x8xf32>
    %mul3A_41 = arith.mulf %mul3A_40, %squeeze3A_39 : vector<1x8xf32>
    %add3A_42 = arith.addf %add3A_32, %mul3A_41 : vector<1x8xf32>
    %eq3A_43 = arith.constant 4 : i32
    %eq3A_44 = arith.cmpi eq, %sub3A_8, %eq3A_43 : i32
    %jit3A_45 = arith.constant 1.000000e+00 : f32
    %jit3A_46 = arith.constant 0.000000e+00 : f32
    %select_n3A_47 = arith.select %eq3A_44, %jit3A_45, %jit3A_46 : f32
    %slice3A_48 = vector.extract_strided_slice %get3A_5 {offsets = [0, 4, 0], sizes = [1, 1, 8], strides = [1, 1, 1]} : vector<1x6x8xf32> to vector<1x1x8xf32>
    %squeeze3A_49 = vector.shape_cast %slice3A_48 : vector<1x1x8xf32> to vector<1x8xf32>
    %mul3A_50 = vector.broadcast %select_n3A_47 : f32 to vector<1x8xf32>
    %mul3A_51 = arith.mulf %mul3A_50, %squeeze3A_49 : vector<1x8xf32>
    %add3A_52 = arith.addf %add3A_42, %mul3A_51 : vector<1x8xf32>
    %eq3A_53 = arith.constant 5 : i32
    %eq3A_54 = arith.cmpi eq, %sub3A_8, %eq3A_53 : i32
    %jit3A_55 = arith.constant 1.000000e+00 : f32
    %jit3A_56 = arith.constant 0.000000e+00 : f32
    %select_n3A_57 = arith.select %eq3A_54, %jit3A_55, %jit3A_56 : f32
    %slice3A_58 = vector.extract_strided_slice %get3A_5 {offsets = [0, 5, 0], sizes = [1, 1, 8], strides = [1, 1, 1]} : vector<1x6x8xf32> to vector<1x1x8xf32>
    %squeeze3A_59 = vector.shape_cast %slice3A_58 : vector<1x1x8xf32> to vector<1x8xf32>
    %mul3A_60 = vector.broadcast %select_n3A_57 : f32 to vector<1x8xf32>
    %mul3A_61 = arith.mulf %mul3A_60, %squeeze3A_59 : vector<1x8xf32>
    %add3A_62 = arith.addf %add3A_52, %mul3A_61 : vector<1x8xf32>
    %jit3A_63 = arith.constant 0 : i32
    %jit3A_64 = arith.constant 17 : i32
    %max3A = arith.maxsi %jit3A_63, %get3A_0 : i32
    %min3A_65 = arith.minsi %jit3A_64, %max3A : i32
    %get3A_66 = arith.index_cast %min3A_65 : i32 to index
    %get3A_67 = arith.constant 0 : index
    %get3A_68 = vector.load %arg3[%get3A_66, %get3A_67] : memref<18x248xf32, #tpu.memory_space<vmem>>, vector<1x248xf32>
    %concatenate3A = tpu.concatenate %add3A_62, %get3A_68 in 1 : vector<1x8xf32>, vector<1x248xf32> -> vector<1x256xf32>
    %swap3A = arith.constant 0 : index
    %swap3A_69 = arith.constant 0 : index
    %swap3A_70 = vector.load %arg4[%swap3A, %swap3A_69] : memref<6x256xf32, #tpu.memory_space<vmem>>, vector<1x256xf32>
    tpu.vector_store %arg4[%swap3A, %swap3A_69], %concatenate3A {strides = array<i32>} : memref<6x256xf32, #tpu.memory_space<vmem>>, vector<1x256xf32>,
    %get3A_71 = arith.constant 1 : index
    %get3A_72 = memref.load %arg0[%get3A_71] : memref<6xi32, #tpu.memory_space<smem>>
    %min3A_73 = arith.constant 6 : i32
    %min3A_74 = arith.minsi %get3A_72, %min3A_73 : i32
    %get3A_75 = arith.index_cast %min3A_74 : i32 to index
    %get3A_76 = arith.constant 0 : index
    %get3A_77 = arith.constant 0 : index
    %get3A_78 = vector.load %arg2[%get3A_75, %get3A_76, %get3A_77] : memref<7x6x8xf32, #tpu.memory_space<vmem>>, vector<1x6x8xf32>
    %get3A_79 = arith.index_cast %min3A_74 : i32 to index
    %get3A_80 = memref.load %arg1[%get3A_79] : memref<7xi32, #tpu.memory_space<smem>>
    %sub3A_81 = arith.constant 1 : i32
    %sub3A_82 = arith.subi %get3A_80, %sub3A_81 : i32
    %broadcast_in_dim3A_83 = arith.constant 0.000000e+00 : f32
    %broadcast_in_dim3A_84 = vector.broadcast %broadcast_in_dim3A_83 : f32 to vector<1x8xf32>
    %eq3A_85 = arith.constant 0 : i32
    %eq3A_86 = arith.cmpi eq, %sub3A_82, %eq3A_85 : i32
    %jit3A_87 = arith.constant 1.000000e+00 : f32
    %jit3A_88 = arith.constant 0.000000e+00 : f32
    %select_n3A_89 = arith.select %eq3A_86, %jit3A_87, %jit3A_88 : f32
    %slice3A_90 = vector.extract_strided_slice %get3A_78 {offsets = [0, 0, 0], sizes = [1, 1, 8], strides = [1, 1, 1]} : vector<1x6x8xf32> to vector<1x1x8xf32>
    %squeeze3A_91 = vector.shape_cast %slice3A_90 : vector<1x1x8xf32> to vector<1x8xf32>
    %mul3A_92 = vector.broadcast %select_n3A_89 : f32 to vector<1x8xf32>
    %mul3A_93 = arith.mulf %mul3A_92, %squeeze3A_91 : vector<1x8xf32>
    %add3A_94 = arith.addf %broadcast_in_dim3A_84, %mul3A_93 : vector<1x8xf32>
    %eq3A_95 = arith.constant 1 : i32
    %eq3A_96 = arith.cmpi eq, %sub3A_82, %eq3A_95 : i32
    %jit3A_97 = arith.constant 1.000000e+00 : f32
    %jit3A_98 = arith.constant 0.000000e+00 : f32
    %select_n3A_99 = arith.select %eq3A_96, %jit3A_97, %jit3A_98 : f32
    %slice3A_100 = vector.extract_strided_slice %get3A_78 {offsets = [0, 1, 0], sizes = [1, 1, 8], strides = [1, 1, 1]} : vector<1x6x8xf32> to vector<1x1x8xf32>
    %squeeze3A_101 = vector.shape_cast %slice3A_100 : vector<1x1x8xf32> to vector<1x8xf32>
    %mul3A_102 = vector.broadcast %select_n3A_99 : f32 to vector<1x8xf32>
    %mul3A_103 = arith.mulf %mul3A_102, %squeeze3A_101 : vector<1x8xf32>
    %add3A_104 = arith.addf %add3A_94, %mul3A_103 : vector<1x8xf32>
    %eq3A_105 = arith.constant 2 : i32
    %eq3A_106 = arith.cmpi eq, %sub3A_82, %eq3A_105 : i32
    %jit3A_107 = arith.constant 1.000000e+00 : f32
    %jit3A_108 = arith.constant 0.000000e+00 : f32
    %select_n3A_109 = arith.select %eq3A_106, %jit3A_107, %jit3A_108 : f32
    %slice3A_110 = vector.extract_strided_slice %get3A_78 {offsets = [0, 2, 0], sizes = [1, 1, 8], strides = [1, 1, 1]} : vector<1x6x8xf32> to vector<1x1x8xf32>
    %squeeze3A_111 = vector.shape_cast %slice3A_110 : vector<1x1x8xf32> to vector<1x8xf32>
    %mul3A_112 = vector.broadcast %select_n3A_109 : f32 to vector<1x8xf32>
    %mul3A_113 = arith.mulf %mul3A_112, %squeeze3A_111 : vector<1x8xf32>
    %add3A_114 = arith.addf %add3A_104, %mul3A_113 : vector<1x8xf32>
    %eq3A_115 = arith.constant 3 : i32
    %eq3A_116 = arith.cmpi eq, %sub3A_82, %eq3A_115 : i32
    %jit3A_117 = arith.constant 1.000000e+00 : f32
    %jit3A_118 = arith.constant 0.000000e+00 : f32
    %select_n3A_119 = arith.select %eq3A_116, %jit3A_117, %jit3A_118 : f32
    %slice3A_120 = vector.extract_strided_slice %get3A_78 {offsets = [0, 3, 0], sizes = [1, 1, 8], strides = [1, 1, 1]} : vector<1x6x8xf32> to vector<1x1x8xf32>
    %squeeze3A_121 = vector.shape_cast %slice3A_120 : vector<1x1x8xf32> to vector<1x8xf32>
    %mul3A_122 = vector.broadcast %select_n3A_119 : f32 to vector<1x8xf32>
    %mul3A_123 = arith.mulf %mul3A_122, %squeeze3A_121 : vector<1x8xf32>
    %add3A_124 = arith.addf %add3A_114, %mul3A_123 : vector<1x8xf32>
    %eq3A_125 = arith.constant 4 : i32
    %eq3A_126 = arith.cmpi eq, %sub3A_82, %eq3A_125 : i32
    %jit3A_127 = arith.constant 1.000000e+00 : f32
    %jit3A_128 = arith.constant 0.000000e+00 : f32
    %select_n3A_129 = arith.select %eq3A_126, %jit3A_127, %jit3A_128 : f32
    %slice3A_130 = vector.extract_strided_slice %get3A_78 {offsets = [0, 4, 0], sizes = [1, 1, 8], strides = [1, 1, 1]} : vector<1x6x8xf32> to vector<1x1x8xf32>
    %squeeze3A_131 = vector.shape_cast %slice3A_130 : vector<1x1x8xf32> to vector<1x8xf32>
    %mul3A_132 = vector.broadcast %select_n3A_129 : f32 to vector<1x8xf32>
    %mul3A_133 = arith.mulf %mul3A_132, %squeeze3A_131 : vector<1x8xf32>
    %add3A_134 = arith.addf %add3A_124, %mul3A_133 : vector<1x8xf32>
    %eq3A_135 = arith.constant 5 : i32
    %eq3A_136 = arith.cmpi eq, %sub3A_82, %eq3A_135 : i32
    %jit3A_137 = arith.constant 1.000000e+00 : f32
    %jit3A_138 = arith.constant 0.000000e+00 : f32
    %select_n3A_139 = arith.select %eq3A_136, %jit3A_137, %jit3A_138 : f32
    %slice3A_140 = vector.extract_strided_slice %get3A_78 {offsets = [0, 5, 0], sizes = [1, 1, 8], strides = [1, 1, 1]} : vector<1x6x8xf32> to vector<1x1x8xf32>
    %squeeze3A_141 = vector.shape_cast %slice3A_140 : vector<1x1x8xf32> to vector<1x8xf32>
    %mul3A_142 = vector.broadcast %select_n3A_139 : f32 to vector<1x8xf32>
    %mul3A_143 = arith.mulf %mul3A_142, %squeeze3A_141 : vector<1x8xf32>
    %add3A_144 = arith.addf %add3A_134, %mul3A_143 : vector<1x8xf32>
    %jit3A_145 = arith.constant 0 : i32
    %jit3A_146 = arith.constant 17 : i32
    %max3A_147 = arith.maxsi %jit3A_145, %get3A_72 : i32
    %min3A_148 = arith.minsi %jit3A_146, %max3A_147 : i32
    %get3A_149 = arith.index_cast %min3A_148 : i32 to index
    %get3A_150 = arith.constant 0 : index
    %get3A_151 = vector.load %arg3[%get3A_149, %get3A_150] : memref<18x248xf32, #tpu.memory_space<vmem>>, vector<1x248xf32>
    %concatenate3A_152 = tpu.concatenate %add3A_144, %get3A_151 in 1 : vector<1x8xf32>, vector<1x248xf32> -> vector<1x256xf32>
    %swap3A_153 = arith.constant 1 : index
    %swap3A_154 = arith.constant 0 : index
    %swap3A_155 = vector.load %arg4[%swap3A_153, %swap3A_154] : memref<6x256xf32, #tpu.memory_space<vmem>>, vector<1x256xf32>
    tpu.vector_store %arg4[%swap3A_153, %swap3A_154], %concatenate3A_152 {strides = array<i32>} : memref<6x256xf32, #tpu.memory_space<vmem>>, vector<1x256xf32>,
    %get3A_156 = arith.constant 2 : index
    %get3A_157 = memref.load %arg0[%get3A_156] : memref<6xi32, #tpu.memory_space<smem>>
    %min3A_158 = arith.constant 6 : i32
    %min3A_159 = arith.minsi %get3A_157, %min3A_158 : i32
    %get3A_160 = arith.index_cast %min3A_159 : i32 to index
    %get3A_161 = arith.constant 0 : index
    %get3A_162 = arith.constant 0 : index
    %get3A_163 = vector.load %arg2[%get3A_160, %get3A_161, %get3A_162] : memref<7x6x8xf32, #tpu.memory_space<vmem>>, vector<1x6x8xf32>
    %get3A_164 = arith.index_cast %min3A_159 : i32 to index
    %get3A_165 = memref.load %arg1[%get3A_164] : memref<7xi32, #tpu.memory_space<smem>>
    %sub3A_166 = arith.constant 1 : i32
    %sub3A_167 = arith.subi %get3A_165, %sub3A_166 : i32
    %broadcast_in_dim3A_168 = arith.constant 0.000000e+00 : f32
    %broadcast_in_dim3A_169 = vector.broadcast %broadcast_in_dim3A_168 : f32 to vector<1x8xf32>
    %eq3A_170 = arith.constant 0 : i32
    %eq3A_171 = arith.cmpi eq, %sub3A_167, %eq3A_170 : i32
    %jit3A_172 = arith.constant 1.000000e+00 : f32
    %jit3A_173 = arith.constant 0.000000e+00 : f32
    %select_n3A_174 = arith.select %eq3A_171, %jit3A_172, %jit3A_173 : f32
    %slice3A_175 = vector.extract_strided_slice %get3A_163 {offsets = [0, 0, 0], sizes = [1, 1, 8], strides = [1, 1, 1]} : vector<1x6x8xf32> to vector<1x1x8xf32>
    %squeeze3A_176 = vector.shape_cast %slice3A_175 : vector<1x1x8xf32> to vector<1x8xf32>
    %mul3A_177 = vector.broadcast %select_n3A_174 : f32 to vector<1x8xf32>
    %mul3A_178 = arith.mulf %mul3A_177, %squeeze3A_176 : vector<1x8xf32>
    %add3A_179 = arith.addf %broadcast_in_dim3A_169, %mul3A_178 : vector<1x8xf32>
    %eq3A_180 = arith.constant 1 : i32
    %eq3A_181 = arith.cmpi eq, %sub3A_167, %eq3A_180 : i32
    %jit3A_182 = arith.constant 1.000000e+00 : f32
    %jit3A_183 = arith.constant 0.000000e+00 : f32
    %select_n3A_184 = arith.select %eq3A_181, %jit3A_182, %jit3A_183 : f32
    %slice3A_185 = vector.extract_strided_slice %get3A_163 {offsets = [0, 1, 0], sizes = [1, 1, 8], strides = [1, 1, 1]} : vector<1x6x8xf32> to vector<1x1x8xf32>
    %squeeze3A_186 = vector.shape_cast %slice3A_185 : vector<1x1x8xf32> to vector<1x8xf32>
    %mul3A_187 = vector.broadcast %select_n3A_184 : f32 to vector<1x8xf32>
    %mul3A_188 = arith.mulf %mul3A_187, %squeeze3A_186 : vector<1x8xf32>
    %add3A_189 = arith.addf %add3A_179, %mul3A_188 : vector<1x8xf32>
    %eq3A_190 = arith.constant 2 : i32
    %eq3A_191 = arith.cmpi eq, %sub3A_167, %eq3A_190 : i32
    %jit3A_192 = arith.constant 1.000000e+00 : f32
    %jit3A_193 = arith.constant 0.000000e+00 : f32
    %select_n3A_194 = arith.select %eq3A_191, %jit3A_192, %jit3A_193 : f32
    %slice3A_195 = vector.extract_strided_slice %get3A_163 {offsets = [0, 2, 0], sizes = [1, 1, 8], strides = [1, 1, 1]} : vector<1x6x8xf32> to vector<1x1x8xf32>
    %squeeze3A_196 = vector.shape_cast %slice3A_195 : vector<1x1x8xf32> to vector<1x8xf32>
    %mul3A_197 = vector.broadcast %select_n3A_194 : f32 to vector<1x8xf32>
    %mul3A_198 = arith.mulf %mul3A_197, %squeeze3A_196 : vector<1x8xf32>
    %add3A_199 = arith.addf %add3A_189, %mul3A_198 : vector<1x8xf32>
    %eq3A_200 = arith.constant 3 : i32
    %eq3A_201 = arith.cmpi eq, %sub3A_167, %eq3A_200 : i32
    %jit3A_202 = arith.constant 1.000000e+00 : f32
    %jit3A_203 = arith.constant 0.000000e+00 : f32
    %select_n3A_204 = arith.select %eq3A_201, %jit3A_202, %jit3A_203 : f32
    %slice3A_205 = vector.extract_strided_slice %get3A_163 {offsets = [0, 3, 0], sizes = [1, 1, 8], strides = [1, 1, 1]} : vector<1x6x8xf32> to vector<1x1x8xf32>
    %squeeze3A_206 = vector.shape_cast %slice3A_205 : vector<1x1x8xf32> to vector<1x8xf32>
    %mul3A_207 = vector.broadcast %select_n3A_204 : f32 to vector<1x8xf32>
    %mul3A_208 = arith.mulf %mul3A_207, %squeeze3A_206 : vector<1x8xf32>
    %add3A_209 = arith.addf %add3A_199, %mul3A_208 : vector<1x8xf32>
    %eq3A_210 = arith.constant 4 : i32
    %eq3A_211 = arith.cmpi eq, %sub3A_167, %eq3A_210 : i32
    %jit3A_212 = arith.constant 1.000000e+00 : f32
    %jit3A_213 = arith.constant 0.000000e+00 : f32
    %select_n3A_214 = arith.select %eq3A_211, %jit3A_212, %jit3A_213 : f32
    %slice3A_215 = vector.extract_strided_slice %get3A_163 {offsets = [0, 4, 0], sizes = [1, 1, 8], strides = [1, 1, 1]} : vector<1x6x8xf32> to vector<1x1x8xf32>
    %squeeze3A_216 = vector.shape_cast %slice3A_215 : vector<1x1x8xf32> to vector<1x8xf32>
    %mul3A_217 = vector.broadcast %select_n3A_214 : f32 to vector<1x8xf32>
    %mul3A_218 = arith.mulf %mul3A_217, %squeeze3A_216 : vector<1x8xf32>
    %add3A_219 = arith.addf %add3A_209, %mul3A_218 : vector<1x8xf32>
    %eq3A_220 = arith.constant 5 : i32
    %eq3A_221 = arith.cmpi eq, %sub3A_167, %eq3A_220 : i32
    %jit3A_222 = arith.constant 1.000000e+00 : f32
    %jit3A_223 = arith.constant 0.000000e+00 : f32
    %select_n3A_224 = arith.select %eq3A_221, %jit3A_222, %jit3A_223 : f32
    %slice3A_225 = vector.extract_strided_slice %get3A_163 {offsets = [0, 5, 0], sizes = [1, 1, 8], strides = [1, 1, 1]} : vector<1x6x8xf32> to vector<1x1x8xf32>
    %squeeze3A_226 = vector.shape_cast %slice3A_225 : vector<1x1x8xf32> to vector<1x8xf32>
    %mul3A_227 = vector.broadcast %select_n3A_224 : f32 to vector<1x8xf32>
    %mul3A_228 = arith.mulf %mul3A_227, %squeeze3A_226 : vector<1x8xf32>
    %add3A_229 = arith.addf %add3A_219, %mul3A_228 : vector<1x8xf32>
    %jit3A_230 = arith.constant 0 : i32
    %jit3A_231 = arith.constant 17 : i32
    %max3A_232 = arith.maxsi %jit3A_230, %get3A_157 : i32
    %min3A_233 = arith.minsi %jit3A_231, %max3A_232 : i32
    %get3A_234 = arith.index_cast %min3A_233 : i32 to index
    %get3A_235 = arith.constant 0 : index
    %get3A_236 = vector.load %arg3[%get3A_234, %get3A_235] : memref<18x248xf32, #tpu.memory_space<vmem>>, vector<1x248xf32>
    %concatenate3A_237 = tpu.concatenate %add3A_229, %get3A_236 in 1 : vector<1x8xf32>, vector<1x248xf32> -> vector<1x256xf32>
    %swap3A_238 = arith.constant 2 : index
    %swap3A_239 = arith.constant 0 : index
    %swap3A_240 = vector.load %arg4[%swap3A_238, %swap3A_239] : memref<6x256xf32, #tpu.memory_space<vmem>>, vector<1x256xf32>
    tpu.vector_store %arg4[%swap3A_238, %swap3A_239], %concatenate3A_237 {strides = array<i32>} : memref<6x256xf32, #tpu.memory_space<vmem>>, vector<1x256xf32>,
    %get3A_241 = arith.constant 3 : index
    %get3A_242 = memref.load %arg0[%get3A_241] : memref<6xi32, #tpu.memory_space<smem>>
    %min3A_243 = arith.constant 6 : i32
    %min3A_244 = arith.minsi %get3A_242, %min3A_243 : i32
    %get3A_245 = arith.index_cast %min3A_244 : i32 to index
    %get3A_246 = arith.constant 0 : index
    %get3A_247 = arith.constant 0 : index
    %get3A_248 = vector.load %arg2[%get3A_245, %get3A_246, %get3A_247] : memref<7x6x8xf32, #tpu.memory_space<vmem>>, vector<1x6x8xf32>
    %get3A_249 = arith.index_cast %min3A_244 : i32 to index
    %get3A_250 = memref.load %arg1[%get3A_249] : memref<7xi32, #tpu.memory_space<smem>>
    %sub3A_251 = arith.constant 1 : i32
    %sub3A_252 = arith.subi %get3A_250, %sub3A_251 : i32
    %broadcast_in_dim3A_253 = arith.constant 0.000000e+00 : f32
    %broadcast_in_dim3A_254 = vector.broadcast %broadcast_in_dim3A_253 : f32 to vector<1x8xf32>
    %eq3A_255 = arith.constant 0 : i32
    %eq3A_256 = arith.cmpi eq, %sub3A_252, %eq3A_255 : i32
    %jit3A_257 = arith.constant 1.000000e+00 : f32
    %jit3A_258 = arith.constant 0.000000e+00 : f32
    %select_n3A_259 = arith.select %eq3A_256, %jit3A_257, %jit3A_258 : f32
    %slice3A_260 = vector.extract_strided_slice %get3A_248 {offsets = [0, 0, 0], sizes = [1, 1, 8], strides = [1, 1, 1]} : vector<1x6x8xf32> to vector<1x1x8xf32>
    %squeeze3A_261 = vector.shape_cast %slice3A_260 : vector<1x1x8xf32> to vector<1x8xf32>
    %mul3A_262 = vector.broadcast %select_n3A_259 : f32 to vector<1x8xf32>
    %mul3A_263 = arith.mulf %mul3A_262, %squeeze3A_261 : vector<1x8xf32>
    %add3A_264 = arith.addf %broadcast_in_dim3A_254, %mul3A_263 : vector<1x8xf32>
    %eq3A_265 = arith.constant 1 : i32
    %eq3A_266 = arith.cmpi eq, %sub3A_252, %eq3A_265 : i32
    %jit3A_267 = arith.constant 1.000000e+00 : f32
    %jit3A_268 = arith.constant 0.000000e+00 : f32
    %select_n3A_269 = arith.select %eq3A_266, %jit3A_267, %jit3A_268 : f32
    %slice3A_270 = vector.extract_strided_slice %get3A_248 {offsets = [0, 1, 0], sizes = [1, 1, 8], strides = [1, 1, 1]} : vector<1x6x8xf32> to vector<1x1x8xf32>
    %squeeze3A_271 = vector.shape_cast %slice3A_270 : vector<1x1x8xf32> to vector<1x8xf32>
    %mul3A_272 = vector.broadcast %select_n3A_269 : f32 to vector<1x8xf32>
    %mul3A_273 = arith.mulf %mul3A_272, %squeeze3A_271 : vector<1x8xf32>
    %add3A_274 = arith.addf %add3A_264, %mul3A_273 : vector<1x8xf32>
    %eq3A_275 = arith.constant 2 : i32
    %eq3A_276 = arith.cmpi eq, %sub3A_252, %eq3A_275 : i32
    %jit3A_277 = arith.constant 1.000000e+00 : f32
    %jit3A_278 = arith.constant 0.000000e+00 : f32
    %select_n3A_279 = arith.select %eq3A_276, %jit3A_277, %jit3A_278 : f32
    %slice3A_280 = vector.extract_strided_slice %get3A_248 {offsets = [0, 2, 0], sizes = [1, 1, 8], strides = [1, 1, 1]} : vector<1x6x8xf32> to vector<1x1x8xf32>
    %squeeze3A_281 = vector.shape_cast %slice3A_280 : vector<1x1x8xf32> to vector<1x8xf32>
    %mul3A_282 = vector.broadcast %select_n3A_279 : f32 to vector<1x8xf32>
    %mul3A_283 = arith.mulf %mul3A_282, %squeeze3A_281 : vector<1x8xf32>
    %add3A_284 = arith.addf %add3A_274, %mul3A_283 : vector<1x8xf32>
    %eq3A_285 = arith.constant 3 : i32
    %eq3A_286 = arith.cmpi eq, %sub3A_252, %eq3A_285 : i32
    %jit3A_287 = arith.constant 1.000000e+00 : f32
    %jit3A_288 = arith.constant 0.000000e+00 : f32
    %select_n3A_289 = arith.select %eq3A_286, %jit3A_287, %jit3A_288 : f32
    %slice3A_290 = vector.extract_strided_slice %get3A_248 {offsets = [0, 3, 0], sizes = [1, 1, 8], strides = [1, 1, 1]} : vector<1x6x8xf32> to vector<1x1x8xf32>
    %squeeze3A_291 = vector.shape_cast %slice3A_290 : vector<1x1x8xf32> to vector<1x8xf32>
    %mul3A_292 = vector.broadcast %select_n3A_289 : f32 to vector<1x8xf32>
    %mul3A_293 = arith.mulf %mul3A_292, %squeeze3A_291 : vector<1x8xf32>
    %add3A_294 = arith.addf %add3A_284, %mul3A_293 : vector<1x8xf32>
    %eq3A_295 = arith.constant 4 : i32
    %eq3A_296 = arith.cmpi eq, %sub3A_252, %eq3A_295 : i32
    %jit3A_297 = arith.constant 1.000000e+00 : f32
    %jit3A_298 = arith.constant 0.000000e+00 : f32
    %select_n3A_299 = arith.select %eq3A_296, %jit3A_297, %jit3A_298 : f32
    %slice3A_300 = vector.extract_strided_slice %get3A_248 {offsets = [0, 4, 0], sizes = [1, 1, 8], strides = [1, 1, 1]} : vector<1x6x8xf32> to vector<1x1x8xf32>
    %squeeze3A_301 = vector.shape_cast %slice3A_300 : vector<1x1x8xf32> to vector<1x8xf32>
    %mul3A_302 = vector.broadcast %select_n3A_299 : f32 to vector<1x8xf32>
    %mul3A_303 = arith.mulf %mul3A_302, %squeeze3A_301 : vector<1x8xf32>
    %add3A_304 = arith.addf %add3A_294, %mul3A_303 : vector<1x8xf32>
    %eq3A_305 = arith.constant 5 : i32
    %eq3A_306 = arith.cmpi eq, %sub3A_252, %eq3A_305 : i32
    %jit3A_307 = arith.constant 1.000000e+00 : f32
    %jit3A_308 = arith.constant 0.000000e+00 : f32
    %select_n3A_309 = arith.select %eq3A_306, %jit3A_307, %jit3A_308 : f32
    %slice3A_310 = vector.extract_strided_slice %get3A_248 {offsets = [0, 5, 0], sizes = [1, 1, 8], strides = [1, 1, 1]} : vector<1x6x8xf32> to vector<1x1x8xf32>
    %squeeze3A_311 = vector.shape_cast %slice3A_310 : vector<1x1x8xf32> to vector<1x8xf32>
    %mul3A_312 = vector.broadcast %select_n3A_309 : f32 to vector<1x8xf32>
    %mul3A_313 = arith.mulf %mul3A_312, %squeeze3A_311 : vector<1x8xf32>
    %add3A_314 = arith.addf %add3A_304, %mul3A_313 : vector<1x8xf32>
    %jit3A_315 = arith.constant 0 : i32
    %jit3A_316 = arith.constant 17 : i32
    %max3A_317 = arith.maxsi %jit3A_315, %get3A_242 : i32
    %min3A_318 = arith.minsi %jit3A_316, %max3A_317 : i32
    %get3A_319 = arith.index_cast %min3A_318 : i32 to index
    %get3A_320 = arith.constant 0 : index
    %get3A_321 = vector.load %arg3[%get3A_319, %get3A_320] : memref<18x248xf32, #tpu.memory_space<vmem>>, vector<1x248xf32>
    %concatenate3A_322 = tpu.concatenate %add3A_314, %get3A_321 in 1 : vector<1x8xf32>, vector<1x248xf32> -> vector<1x256xf32>
    %swap3A_323 = arith.constant 3 : index
    %swap3A_324 = arith.constant 0 : index
    %swap3A_325 = vector.load %arg4[%swap3A_323, %swap3A_324] : memref<6x256xf32, #tpu.memory_space<vmem>>, vector<1x256xf32>
    tpu.vector_store %arg4[%swap3A_323, %swap3A_324], %concatenate3A_322 {strides = array<i32>} : memref<6x256xf32, #tpu.memory_space<vmem>>, vector<1x256xf32>,
    %get3A_326 = arith.constant 4 : index
    %get3A_327 = memref.load %arg0[%get3A_326] : memref<6xi32, #tpu.memory_space<smem>>
    %min3A_328 = arith.constant 6 : i32
    %min3A_329 = arith.minsi %get3A_327, %min3A_328 : i32
    %get3A_330 = arith.index_cast %min3A_329 : i32 to index
    %get3A_331 = arith.constant 0 : index
    %get3A_332 = arith.constant 0 : index
    %get3A_333 = vector.load %arg2[%get3A_330, %get3A_331, %get3A_332] : memref<7x6x8xf32, #tpu.memory_space<vmem>>, vector<1x6x8xf32>
    %get3A_334 = arith.index_cast %min3A_329 : i32 to index
    %get3A_335 = memref.load %arg1[%get3A_334] : memref<7xi32, #tpu.memory_space<smem>>
    %sub3A_336 = arith.constant 1 : i32
    %sub3A_337 = arith.subi %get3A_335, %sub3A_336 : i32
    %broadcast_in_dim3A_338 = arith.constant 0.000000e+00 : f32
    %broadcast_in_dim3A_339 = vector.broadcast %broadcast_in_dim3A_338 : f32 to vector<1x8xf32>
    %eq3A_340 = arith.constant 0 : i32
    %eq3A_341 = arith.cmpi eq, %sub3A_337, %eq3A_340 : i32
    %jit3A_342 = arith.constant 1.000000e+00 : f32
    %jit3A_343 = arith.constant 0.000000e+00 : f32
    %select_n3A_344 = arith.select %eq3A_341, %jit3A_342, %jit3A_343 : f32
    %slice3A_345 = vector.extract_strided_slice %get3A_333 {offsets = [0, 0, 0], sizes = [1, 1, 8], strides = [1, 1, 1]} : vector<1x6x8xf32> to vector<1x1x8xf32>
    %squeeze3A_346 = vector.shape_cast %slice3A_345 : vector<1x1x8xf32> to vector<1x8xf32>
    %mul3A_347 = vector.broadcast %select_n3A_344 : f32 to vector<1x8xf32>
    %mul3A_348 = arith.mulf %mul3A_347, %squeeze3A_346 : vector<1x8xf32>
    %add3A_349 = arith.addf %broadcast_in_dim3A_339, %mul3A_348 : vector<1x8xf32>
    %eq3A_350 = arith.constant 1 : i32
    %eq3A_351 = arith.cmpi eq, %sub3A_337, %eq3A_350 : i32
    %jit3A_352 = arith.constant 1.000000e+00 : f32
    %jit3A_353 = arith.constant 0.000000e+00 : f32
    %select_n3A_354 = arith.select %eq3A_351, %jit3A_352, %jit3A_353 : f32
    %slice3A_355 = vector.extract_strided_slice %get3A_333 {offsets = [0, 1, 0], sizes = [1, 1, 8], strides = [1, 1, 1]} : vector<1x6x8xf32> to vector<1x1x8xf32>
    %squeeze3A_356 = vector.shape_cast %slice3A_355 : vector<1x1x8xf32> to vector<1x8xf32>
    %mul3A_357 = vector.broadcast %select_n3A_354 : f32 to vector<1x8xf32>
    %mul3A_358 = arith.mulf %mul3A_357, %squeeze3A_356 : vector<1x8xf32>
    %add3A_359 = arith.addf %add3A_349, %mul3A_358 : vector<1x8xf32>
    %eq3A_360 = arith.constant 2 : i32
    %eq3A_361 = arith.cmpi eq, %sub3A_337, %eq3A_360 : i32
    %jit3A_362 = arith.constant 1.000000e+00 : f32
    %jit3A_363 = arith.constant 0.000000e+00 : f32
    %select_n3A_364 = arith.select %eq3A_361, %jit3A_362, %jit3A_363 : f32
    %slice3A_365 = vector.extract_strided_slice %get3A_333 {offsets = [0, 2, 0], sizes = [1, 1, 8], strides = [1, 1, 1]} : vector<1x6x8xf32> to vector<1x1x8xf32>
    %squeeze3A_366 = vector.shape_cast %slice3A_365 : vector<1x1x8xf32> to vector<1x8xf32>
    %mul3A_367 = vector.broadcast %select_n3A_364 : f32 to vector<1x8xf32>
    %mul3A_368 = arith.mulf %mul3A_367, %squeeze3A_366 : vector<1x8xf32>
    %add3A_369 = arith.addf %add3A_359, %mul3A_368 : vector<1x8xf32>
    %eq3A_370 = arith.constant 3 : i32
    %eq3A_371 = arith.cmpi eq, %sub3A_337, %eq3A_370 : i32
    %jit3A_372 = arith.constant 1.000000e+00 : f32
    %jit3A_373 = arith.constant 0.000000e+00 : f32
    %select_n3A_374 = arith.select %eq3A_371, %jit3A_372, %jit3A_373 : f32
    %slice3A_375 = vector.extract_strided_slice %get3A_333 {offsets = [0, 3, 0], sizes = [1, 1, 8], strides = [1, 1, 1]} : vector<1x6x8xf32> to vector<1x1x8xf32>
    %squeeze3A_376 = vector.shape_cast %slice3A_375 : vector<1x1x8xf32> to vector<1x8xf32>
    %mul3A_377 = vector.broadcast %select_n3A_374 : f32 to vector<1x8xf32>
    %mul3A_378 = arith.mulf %mul3A_377, %squeeze3A_376 : vector<1x8xf32>
    %add3A_379 = arith.addf %add3A_369, %mul3A_378 : vector<1x8xf32>
    %eq3A_380 = arith.constant 4 : i32
    %eq3A_381 = arith.cmpi eq, %sub3A_337, %eq3A_380 : i32
    %jit3A_382 = arith.constant 1.000000e+00 : f32
    %jit3A_383 = arith.constant 0.000000e+00 : f32
    %select_n3A_384 = arith.select %eq3A_381, %jit3A_382, %jit3A_383 : f32
    %slice3A_385 = vector.extract_strided_slice %get3A_333 {offsets = [0, 4, 0], sizes = [1, 1, 8], strides = [1, 1, 1]} : vector<1x6x8xf32> to vector<1x1x8xf32>
    %squeeze3A_386 = vector.shape_cast %slice3A_385 : vector<1x1x8xf32> to vector<1x8xf32>
    %mul3A_387 = vector.broadcast %select_n3A_384 : f32 to vector<1x8xf32>
    %mul3A_388 = arith.mulf %mul3A_387, %squeeze3A_386 : vector<1x8xf32>
    %add3A_389 = arith.addf %add3A_379, %mul3A_388 : vector<1x8xf32>
    %eq3A_390 = arith.constant 5 : i32
    %eq3A_391 = arith.cmpi eq, %sub3A_337, %eq3A_390 : i32
    %jit3A_392 = arith.constant 1.000000e+00 : f32
    %jit3A_393 = arith.constant 0.000000e+00 : f32
    %select_n3A_394 = arith.select %eq3A_391, %jit3A_392, %jit3A_393 : f32
    %slice3A_395 = vector.extract_strided_slice %get3A_333 {offsets = [0, 5, 0], sizes = [1, 1, 8], strides = [1, 1, 1]} : vector<1x6x8xf32> to vector<1x1x8xf32>
    %squeeze3A_396 = vector.shape_cast %slice3A_395 : vector<1x1x8xf32> to vector<1x8xf32>
    %mul3A_397 = vector.broadcast %select_n3A_394 : f32 to vector<1x8xf32>
    %mul3A_398 = arith.mulf %mul3A_397, %squeeze3A_396 : vector<1x8xf32>
    %add3A_399 = arith.addf %add3A_389, %mul3A_398 : vector<1x8xf32>
    %jit3A_400 = arith.constant 0 : i32
    %jit3A_401 = arith.constant 17 : i32
    %max3A_402 = arith.maxsi %jit3A_400, %get3A_327 : i32
    %min3A_403 = arith.minsi %jit3A_401, %max3A_402 : i32
    %get3A_404 = arith.index_cast %min3A_403 : i32 to index
    %get3A_405 = arith.constant 0 : index
    %get3A_406 = vector.load %arg3[%get3A_404, %get3A_405] : memref<18x248xf32, #tpu.memory_space<vmem>>, vector<1x248xf32>
    %concatenate3A_407 = tpu.concatenate %add3A_399, %get3A_406 in 1 : vector<1x8xf32>, vector<1x248xf32> -> vector<1x256xf32>
    %swap3A_408 = arith.constant 4 : index
    %swap3A_409 = arith.constant 0 : index
    %swap3A_410 = vector.load %arg4[%swap3A_408, %swap3A_409] : memref<6x256xf32, #tpu.memory_space<vmem>>, vector<1x256xf32>
    tpu.vector_store %arg4[%swap3A_408, %swap3A_409], %concatenate3A_407 {strides = array<i32>} : memref<6x256xf32, #tpu.memory_space<vmem>>, vector<1x256xf32>,
    %get3A_411 = arith.constant 5 : index
    %get3A_412 = memref.load %arg0[%get3A_411] : memref<6xi32, #tpu.memory_space<smem>>
    %min3A_413 = arith.constant 6 : i32
    %min3A_414 = arith.minsi %get3A_412, %min3A_413 : i32
    %get3A_415 = arith.index_cast %min3A_414 : i32 to index
    %get3A_416 = arith.constant 0 : index
    %get3A_417 = arith.constant 0 : index
    %get3A_418 = vector.load %arg2[%get3A_415, %get3A_416, %get3A_417] : memref<7x6x8xf32, #tpu.memory_space<vmem>>, vector<1x6x8xf32>
    %get3A_419 = arith.index_cast %min3A_414 : i32 to index
    %get3A_420 = memref.load %arg1[%get3A_419] : memref<7xi32, #tpu.memory_space<smem>>
    %sub3A_421 = arith.constant 1 : i32
    %sub3A_422 = arith.subi %get3A_420, %sub3A_421 : i32
    %broadcast_in_dim3A_423 = arith.constant 0.000000e+00 : f32
    %broadcast_in_dim3A_424 = vector.broadcast %broadcast_in_dim3A_423 : f32 to vector<1x8xf32>
    %eq3A_425 = arith.constant 0 : i32
    %eq3A_426 = arith.cmpi eq, %sub3A_422, %eq3A_425 : i32
    %jit3A_427 = arith.constant 1.000000e+00 : f32
    %jit3A_428 = arith.constant 0.000000e+00 : f32
    %select_n3A_429 = arith.select %eq3A_426, %jit3A_427, %jit3A_428 : f32
    %slice3A_430 = vector.extract_strided_slice %get3A_418 {offsets = [0, 0, 0], sizes = [1, 1, 8], strides = [1, 1, 1]} : vector<1x6x8xf32> to vector<1x1x8xf32>
    %squeeze3A_431 = vector.shape_cast %slice3A_430 : vector<1x1x8xf32> to vector<1x8xf32>
    %mul3A_432 = vector.broadcast %select_n3A_429 : f32 to vector<1x8xf32>
    %mul3A_433 = arith.mulf %mul3A_432, %squeeze3A_431 : vector<1x8xf32>
    %add3A_434 = arith.addf %broadcast_in_dim3A_424, %mul3A_433 : vector<1x8xf32>
    %eq3A_435 = arith.constant 1 : i32
    %eq3A_436 = arith.cmpi eq, %sub3A_422, %eq3A_435 : i32
    %jit3A_437 = arith.constant 1.000000e+00 : f32
    %jit3A_438 = arith.constant 0.000000e+00 : f32
    %select_n3A_439 = arith.select %eq3A_436, %jit3A_437, %jit3A_438 : f32
    %slice3A_440 = vector.extract_strided_slice %get3A_418 {offsets = [0, 1, 0], sizes = [1, 1, 8], strides = [1, 1, 1]} : vector<1x6x8xf32> to vector<1x1x8xf32>
    %squeeze3A_441 = vector.shape_cast %slice3A_440 : vector<1x1x8xf32> to vector<1x8xf32>
    %mul3A_442 = vector.broadcast %select_n3A_439 : f32 to vector<1x8xf32>
    %mul3A_443 = arith.mulf %mul3A_442, %squeeze3A_441 : vector<1x8xf32>
    %add3A_444 = arith.addf %add3A_434, %mul3A_443 : vector<1x8xf32>
    %eq3A_445 = arith.constant 2 : i32
    %eq3A_446 = arith.cmpi eq, %sub3A_422, %eq3A_445 : i32
    %jit3A_447 = arith.constant 1.000000e+00 : f32
    %jit3A_448 = arith.constant 0.000000e+00 : f32
    %select_n3A_449 = arith.select %eq3A_446, %jit3A_447, %jit3A_448 : f32
    %slice3A_450 = vector.extract_strided_slice %get3A_418 {offsets = [0, 2, 0], sizes = [1, 1, 8], strides = [1, 1, 1]} : vector<1x6x8xf32> to vector<1x1x8xf32>
    %squeeze3A_451 = vector.shape_cast %slice3A_450 : vector<1x1x8xf32> to vector<1x8xf32>
    %mul3A_452 = vector.broadcast %select_n3A_449 : f32 to vector<1x8xf32>
    %mul3A_453 = arith.mulf %mul3A_452, %squeeze3A_451 : vector<1x8xf32>
    %add3A_454 = arith.addf %add3A_444, %mul3A_453 : vector<1x8xf32>
    %eq3A_455 = arith.constant 3 : i32
    %eq3A_456 = arith.cmpi eq, %sub3A_422, %eq3A_455 : i32
    %jit3A_457 = arith.constant 1.000000e+00 : f32
    %jit3A_458 = arith.constant 0.000000e+00 : f32
    %select_n3A_459 = arith.select %eq3A_456, %jit3A_457, %jit3A_458 : f32
    %slice3A_460 = vector.extract_strided_slice %get3A_418 {offsets = [0, 3, 0], sizes = [1, 1, 8], strides = [1, 1, 1]} : vector<1x6x8xf32> to vector<1x1x8xf32>
    %squeeze3A_461 = vector.shape_cast %slice3A_460 : vector<1x1x8xf32> to vector<1x8xf32>
    %mul3A_462 = vector.broadcast %select_n3A_459 : f32 to vector<1x8xf32>
    %mul3A_463 = arith.mulf %mul3A_462, %squeeze3A_461 : vector<1x8xf32>
    %add3A_464 = arith.addf %add3A_454, %mul3A_463 : vector<1x8xf32>
    %eq3A_465 = arith.constant 4 : i32
    %eq3A_466 = arith.cmpi eq, %sub3A_422, %eq3A_465 : i32
    %jit3A_467 = arith.constant 1.000000e+00 : f32
    %jit3A_468 = arith.constant 0.000000e+00 : f32
    %select_n3A_469 = arith.select %eq3A_466, %jit3A_467, %jit3A_468 : f32
    %slice3A_470 = vector.extract_strided_slice %get3A_418 {offsets = [0, 4, 0], sizes = [1, 1, 8], strides = [1, 1, 1]} : vector<1x6x8xf32> to vector<1x1x8xf32>
    %squeeze3A_471 = vector.shape_cast %slice3A_470 : vector<1x1x8xf32> to vector<1x8xf32>
    %mul3A_472 = vector.broadcast %select_n3A_469 : f32 to vector<1x8xf32>
    %mul3A_473 = arith.mulf %mul3A_472, %squeeze3A_471 : vector<1x8xf32>
    %add3A_474 = arith.addf %add3A_464, %mul3A_473 : vector<1x8xf32>
    %eq3A_475 = arith.constant 5 : i32
    %eq3A_476 = arith.cmpi eq, %sub3A_422, %eq3A_475 : i32
    %jit3A_477 = arith.constant 1.000000e+00 : f32
    %jit3A_478 = arith.constant 0.000000e+00 : f32
    %select_n3A_479 = arith.select %eq3A_476, %jit3A_477, %jit3A_478 : f32
    %slice3A_480 = vector.extract_strided_slice %get3A_418 {offsets = [0, 5, 0], sizes = [1, 1, 8], strides = [1, 1, 1]} : vector<1x6x8xf32> to vector<1x1x8xf32>
    %squeeze3A_481 = vector.shape_cast %slice3A_480 : vector<1x1x8xf32> to vector<1x8xf32>
    %mul3A_482 = vector.broadcast %select_n3A_479 : f32 to vector<1x8xf32>
    %mul3A_483 = arith.mulf %mul3A_482, %squeeze3A_481 : vector<1x8xf32>
    %add3A_484 = arith.addf %add3A_474, %mul3A_483 : vector<1x8xf32>
    %jit3A_485 = arith.constant 0 : i32
    %jit3A_486 = arith.constant 17 : i32
    %max3A_487 = arith.maxsi %jit3A_485, %get3A_412 : i32
    %min3A_488 = arith.minsi %jit3A_486, %max3A_487 : i32
    %get3A_489 = arith.index_cast %min3A_488 : i32 to index
    %get3A_490 = arith.constant 0 : index
    %get3A_491 = vector.load %arg3[%get3A_489, %get3A_490] : memref<18x248xf32, #tpu.memory_space<vmem>>, vector<1x248xf32>
    %concatenate3A_492 = tpu.concatenate %add3A_484, %get3A_491 in 1 : vector<1x8xf32>, vector<1x248xf32> -> vector<1x256xf32>
    %swap3A_493 = arith.constant 5 : index
    %swap3A_494 = arith.constant 0 : index
    %swap3A_495 = vector.load %arg4[%swap3A_493, %swap3A_494] : memref<6x256xf32, #tpu.memory_space<vmem>>, vector<1x256xf32>
    tpu.vector_store %arg4[%swap3A_493, %swap3A_494], %concatenate3A_492 {strides = array<i32>} : memref<6x256xf32, #tpu.memory_space<vmem>>, vector<1x256xf32>,
    return
  }
}

</mosaic_0001>

<sc_bundles>
// kernel: kernel.5.cloned.1.call-start
scs
__scs_entry_jumppad:
0x0: {  	(pc) =	sbr.rel $0x88, $3  }
0x1: {  	(tag) =	ssettag $0x0;
	lr =	simm.s32 $0x1  }
0x2: {  	[smem:$0x3F95] =	sst lr;
	_ =	strace $0xD0000000  }
0x3: {  	_ = 	snop  }
0x4: {  	_ = 	snop  }
0x5: {  	_ = 	snop  }
0x6: {  	_ = 	snop  }
0x7: {  	_ = 	snop  }
__scs_overlays_trampoline_lowered:
0x8: {  	[smem:$0x3FA4] =	sst s0  }
0x9: {  	[smem:$0x3FA5] =	sst s1  }
0xa: {  	[smem:$0x3FA6] =	sst s2  }
0xb: {  	[smem:$0x3FA7] =	sst s3  }
0xc: {  	[smem:$0x3FA8] =	sst s4  }
0xd: {  	[smem:$0x3FA9] =	sst s5  }
0xe: {  	[smem:$0x3FAA] =	sst s6  }
0xf: {  	[smem:$0x3FAB] =	sst s7  }
0x10: {  	[smem:$0x3FAC] =	sst s8  }
0x11: {  	[smem:$0x3FAD] =	sst s9;
	s0 =	simm.s32 @!p0 $0x0  }
0x12: {  	s1 =	sld [smem:$0x3F93];
	s0 =	simm.s32 @p0 $0x1  }
0x13: {  	[smem:$0x3FAE] =	sst s0;
	s0 =	simm.s32 @!p1 $0x0  }
0x14: {  	s2 =	sld [smem:$0x3F92];
	s0 =	simm.s32 @p1 $0x1  }
0x15: {  	[smem:$0x3FAF] =	sst s0;
	s0 =	simm.s32 @!p2 $0x0  }
0x16: {  	s3 =	sld [smem:$0x3FDB];
	s0 =	simm.s32 @p2 $0x1  }
0x17: {  	s4 =	simm.s32 $0x1BF5;
	[smem:$0x3FB1] =	sst s0  }
0x18: {  	s0 =	sld [smem:$0x3F94];
	_ =	swait.ge [sflag:s4], $0x0  }
0x19: {  	s7 =	sld [smem:$0x3F95]  }
0x1a: {  	s8 =	sadd.s32 $0xFFFFE003, lr  }
0x1b: {  	s9 =	sadd.s32 $0xFFFFFEF7, lr;
	s5 =	simm.s32 $0xFFFFFFFF;
	p2 =	slt.u32 s8, $0xFFFFF086  }
0x1c: {  	p1 =	slt.u32 s9, $0xF7A;
	s5 =	simm.s32 @!p2 $0x0  }
0x1d: {  	s5 =	simm.s32 @p1 $0x1;
	p0 =	seq.s32 s7, s2  }
0x1e: {  	s7 =	smul.u32 @!p0 $0xF7A, s2;
	p2 =	seq.s32 @!p0 s5, $0x0  }
0x1f: {  	s9 =	smul.u32 $0xF7A, s1;
	s8 =	simm.s32 @!p0 $0x1BF5;
	p2 =	por !p2, p0  }
0x20: {  	[sflag:s8] =	ssyncset.s32 @!p0 $0xFFFFF086;
	s6 =	sadd.s32 @!p0 s3, s7;
	s7 =	simm.s32 @!p0 $0x108  }
0x21: {  	s3 =	sadd.s32 s3, s9;
	s6 =	sadd.s32 @!p0 $0x88, s6;
	s7 =	simm.s32 @p2 $0x1082  }
0x22: {  	[simem:s7], [sflag:s8] =	dma.local @!p0 [hbm:s6], $0xF7A  }
0x23: {  	s9 =	sor.u32 $0xD0000000, s2;
	s6 =	simm.s32 $0x108;
	_ =	swait.ge @!p0 [sflag:s8], $0x0  }
0x24: {  	s3 =	sadd.s32 $0x88, s3;
	s6 =	simm.s32 @!p1 $0x1082;
	[sflag:s4] =	ssyncset.s32 $0xFFFFF086  }
0x25: {  	[simem:s6], [sflag:s4] =	dma.local [hbm:s3], $0xF7A  }
0x26: {  	[smem:$0x3F95] =	sst s1;
	(tag) =	ssettag s2;
	_ =	strace s9  }
0x27: {  	s1 =	sld [smem:$0x3FA5]  }
0x28: {  	s2 =	sld [smem:$0x3FA6]  }
0x29: {  	s4 =	sld [smem:$0x3FA8]  }
0x2a: {  	p0 =	seq.s32 s5, $0x0;
	s5 =	sld [smem:$0x3FA9]  }
0x2b: {  	s6 =	sld [smem:$0x3FAA]  }
0x2c: {  	s7 =	sld [smem:$0x3FAB]  }
0x2d: {  	s3 =	simm.s32 $0x108;
	s8 =	sld [smem:$0x3FAC]  }
0x2e: {  	s3 =	simm.s32 @!p0 $0x1082;
	s9 =	sld [smem:$0x3FAD]  }
0x2f: {  	lr =	sadd.s32 s0, s3;
	s0 =	sld [smem:$0x3FA4]  }
0x30: {  	s3 =	sld [smem:$0x3FA7]  }
0x31: {  	[smem:$0x3FB0] =	sst s10  }
0x32: {  	s10 =	sld [smem:$0x3FAE];
	_ =	sdelay $0x3  }
0x33: {  	p0 =	seq.s32 s10, $0x1;
	s10 =	sld [smem:$0x3FB0];
	_ =	sdelay $0x3  }
0x34: {  	[smem:$0x3FB0] =	sst s10  }
0x35: {  	s10 =	sld [smem:$0x3FAF];
	_ =	sdelay $0x3  }
0x36: {  	p1 =	seq.s32 s10, $0x1;
	s10 =	sld [smem:$0x3FB0];
	_ =	sdelay $0x3  }
0x37: {  	[smem:$0x3FB0] =	sst s10  }
0x38: {  	s10 =	sld [smem:$0x3FB1]  }
0x39: {  	_ = 	snop;
	(pc) =	sbr.ind lr, $3  }
0x3a: {  	_ = 	snop  }
0x3b: {  	_ = 	snop  }
0x3c: {  	p2 =	seq.s32 s10, $0x1;
	s10 =	sld [smem:$0x3FB0]  }
0x3d: {  	_ =	shalt  }
0x3e: {  	_ =	shalt  }
0x3f: {  	_ =	shalt  }
0x40: {  	_ =	shalt  }
0x41: {  	_ =	shalt  }
0x42: {  	_ =	shalt  }
0x43: {  	_ =	shalt  }
0x44: {  	_ =	shalt  }
0x45: {  	_ =	shalt  }
0x46: {  	_ =	shalt  }
0x47: {  	_ =	shalt  }
0x48: {  	_ =	shalt  }
0x49: {  	_ =	shalt  }
0x4a: {  	_ =	shalt  }
0x4b: {  	_ =	shalt  }
0x4c: {  	_ =	shalt  }
0x4d: {  	_ =	shalt  }
0x4e: {  	_ =	shalt  }
0x4f: {  	_ =	shalt  }
0x50: {  	_ =	shalt  }
0x51: {  	_ =	shalt  }
0x52: {  	_ =	shalt  }
0x53: {  	_ =	shalt  }
0x54: {  	_ =	shalt  }
0x55: {  	_ =	shalt  }
0x56: {  	_ =	shalt  }
0x57: {  	_ =	shalt  }
0x58: {  	_ =	shalt  }
0x59: {  	_ =	shalt  }
0x5a: {  	_ =	shalt  }
0x5b: {  	_ =	shalt  }
0x5c: {  	_ =	shalt  }
0x5d: {  	_ =	shalt  }
0x5e: {  	_ =	shalt  }
0x5f: {  	_ =	shalt  }
0x60: {  	_ =	shalt  }
0x61: {  	_ =	shalt  }
0x62: {  	_ =	shalt  }
0x63: {  	_ =	shalt  }
0x64: {  	_ =	shalt  }
0x65: {  	_ =	shalt  }
0x66: {  	_ =	shalt  }
0x67: {  	_ =	shalt  }
0x68: {  	_ =	shalt  }
0x69: {  	_ =	shalt  }
0x6a: {  	_ =	shalt  }
0x6b: {  	_ =	shalt  }
0x6c: {  	_ =	shalt  }
0x6d: {  	_ =	shalt  }
0x6e: {  	_ =	shalt  }
0x6f: {  	_ =	shalt  }
0x70: {  	_ =	shalt  }
0x71: {  	_ =	shalt  }
0x72: {  	_ =	shalt  }
0x73: {  	_ =	shalt  }
0x74: {  	_ =	shalt  }
0x75: {  	_ =	shalt  }
0x76: {  	_ =	shalt  }
0x77: {  	_ =	shalt  }
0x78: {  	_ =	shalt  }
0x79: {  	_ =	shalt  }
0x7a: {  	_ =	shalt  }
0x7b: {  	_ =	shalt  }
0x7c: {  	_ =	shalt  }
0x7d: {  	_ =	shalt  }
0x7e: {  	_ =	shalt  }
0x7f: {  	_ =	shalt  }
0x80: {  	_ =	shalt  }
0x81: {  	_ =	shalt  }
0x82: {  	_ =	shalt  }
0x83: {  	_ =	shalt  }
0x84: {  	_ =	shalt  }
0x85: {  	_ =	shalt  }
0x86: {  	_ =	shalt  }
0x87: {  	_ =	shalt  }
.Lfunc_end0:
.L_simem_size_0:
called_computation_lowered:
.L_overlay_start_0:
0x88: {  	s2 =	sld [smem:$0x3FD9]  }
0x89: {  	s3 =	sld [smem:$0x3FFE];
	_ =	sdelay $0x1  }
0x8a: {  	s1 =	srdreg.scid  }
0x8b: {  	s0 =	sand.u32 $0x1, s1  }
0x8c: {  	s8 =	sshll.u32 s0, $0xA;
	s2 =	sadd.s32 s3, s2  }
0x8d: {  	s2 =	sadd.s32 s2, s8  }
0x8e: {  	[smem:$0x3FBC] =	sst s2  }
0x8f: {  	_ = 	snop  }
0x90: {  	s2 =	sld [smem:$0x3FD0];
	_ =	sdelay $0x2  }
0x91: {  	s9 =	simm.s32 $0xA;
	s4 =	simm.s32 $0x10  }
0x92: {  	[smem:s4], [sflag:s9] =	dma.local [hbm:s2], $0x1  }
0x93: {  	_ =	swait.eq [sflag:s9], $0x1  }
0x94: {  	[sflag:s9] =	ssyncset.done $0x0  }
0x95: {  	s10 =	simm.s32 $0x0;
	s5 =	sld [smem:$0x11];
	[sflag:s9] =	ssyncadd.s32 $0xFFFFFFFF  }
0x96: {  	[smem:$0xF] =	sst s10  }
0x97: {  	(tm) =	ssettm $0x1  }
0x98: {  	s11 =	sld [smem:$0x3FFB];
	_ =	sdelay $0x3  }
0x99: {  	_ =	strace s11  }
0x9a: {  	s2 =	sld [smem:$0x3FFC];
	_ =	sdelay $0x3  }
0x9b: {  	_ =	strace s2  }
0x9c: {  	s2 =	sld [smem:$0x3FFD];
	_ =	sdelay $0x3  }
0x9d: {  	_ =	strace s2  }
0x9e: {  	s12 =	simm.s32 $0x1B8B;
	_ =	strace $0x8FFFFFFF  }
0x9f: {  	_ =	swait.ge [sflag:s12], $0x1  }
0xa0: {  	s13 =	sld [smem:$0x3FFE];
	_ =	sdelay $0x1  }
0xa1: {  	[sflag:s12] =	ssyncset.done $0x0  }
0xa2: {  	s14 =	simm.s32 $0x1B8E;
	s15 =	sshll.u32 s0, $0x15;
	[sflag:s12] =	ssyncadd.s32 $0xFFFFFFFF  }
0xa3: {  	[smem:$0x3FD2] =	sst s14;
	s3 =	sadd.s32 s15, s13  }
0xa4: {  	s16 =	simm.s32 $0x9;
	_ =	strace $0x80000046;
	s4 =	sadd.s32 $0x800, s3  }
0xa5: {  	[hbm:s4], [sflag:s16] =	dma.local [hbm:s5], $0x100  }
0xa6: {  	_ =	swait.ge [sflag:s16], $0x100  }
0xa7: {  	[sflag:s16] =	ssyncset.done $0x0  }
0xa8: {  	[sflag:s16] =	ssyncadd.s32 $0xFFFFFF00  }
0xa9: {  	s17 =	sadd.s32 $0x900, s3  }
0xaa: {  	[hbm:s17], [sflag:s16] =	dma.local [hbm:s4], $0x100  }
0xab: {  	_ =	swait.ge [sflag:s16], $0x100  }
0xac: {  	[sflag:s16] =	ssyncset.done $0x0  }
0xad: {  	[sflag:s16] =	ssyncadd.s32 $0xFFFFFF00  }
0xae: {  	s18 =	sadd.s32 $0xA00, s3  }
0xaf: {  	[hbm:s18], [sflag:s16] =	dma.local [hbm:s4], $0x200  }
0xb0: {  	_ =	swait.ge [sflag:s16], $0x200  }
0xb1: {  	[sflag:s16] =	ssyncset.done $0x0  }
0xb2: {  	[sflag:s16] =	ssyncadd.s32 $0xFFFFFE00  }
0xb3: {  	s19 =	sadd.s32 $0xC00, s3  }
0xb4: {  	[hbm:s19], [sflag:s16] =	dma.local [hbm:s4], $0x400  }
0xb5: {  	_ =	swait.ge [sflag:s16], $0x400  }
0xb6: {  	[sflag:s16] =	ssyncset.done $0x0  }
0xb7: {  	[sflag:s16] =	ssyncadd.s32 $0xFFFFFC00  }
0xb8: {  	s20 =	sadd.s32 $0x1000, s3  }
0xb9: {  	[hbm:s20], [sflag:s16] =	dma.local [hbm:s4], $0x800  }
0xba: {  	_ =	swait.ge [sflag:s16], $0x800  }
0xbb: {  	[sflag:s16] =	ssyncset.done $0x0  }
0xbc: {  	[sflag:s16] =	ssyncadd.s32 $0xFFFFF800  }
0xbd: {  	s21 =	sadd.s32 $0x1800, s3  }
0xbe: {  	[hbm:s21], [sflag:s16] =	dma.local [hbm:s4], $0x1000  }
0xbf: {  	_ =	swait.ge [sflag:s16], $0x1000  }
0xc0: {  	[sflag:s16] =	ssyncset.done $0x0  }
0xc1: {  	[sflag:s16] =	ssyncadd.s32 $0xFFFFF000  }
0xc2: {  	s22 =	sadd.s32 $0x2800, s3  }
0xc3: {  	[hbm:s22], [sflag:s16] =	dma.local [hbm:s4], $0x2000  }
0xc4: {  	_ =	swait.ge [sflag:s16], $0x2000  }
0xc5: {  	[sflag:s16] =	ssyncset.done $0x0  }
0xc6: {  	[sflag:s16] =	ssyncadd.s32 $0xFFFFE000  }
0xc7: {  	s23 =	sadd.s32 $0x4800, s3  }
0xc8: {  	[hbm:s23], [sflag:s16] =	dma.local [hbm:s4], $0x4000  }
0xc9: {  	_ =	swait.ge [sflag:s16], $0x4000  }
0xca: {  	[sflag:s16] =	ssyncset.done $0x0  }
0xcb: {  	[sflag:s16] =	ssyncadd.s32 $0xFFFFC000  }
0xcc: {  	s24 =	sadd.s32 $0x8800, s3  }
0xcd: {  	[hbm:s24], [sflag:s16] =	dma.local [hbm:s4], $0x8000  }
0xce: {  	_ =	swait.ge [sflag:s16], $0x8000  }
0xcf: {  	[sflag:s16] =	ssyncset.done $0x0  }
0xd0: {  	[sflag:s16] =	ssyncadd.s32 $0xFFFF8000  }
0xd1: {  	s25 =	sadd.s32 $0x10800, s3  }
0xd2: {  	[hbm:s25], [sflag:s16] =	dma.local [hbm:s4], $0x10000  }
0xd3: {  	_ =	swait.ge [sflag:s16], $0x10000  }
0xd4: {  	[sflag:s16] =	ssyncset.done $0x0  }
0xd5: {  	[sflag:s16] =	ssyncadd.s32 $0xFFFF0000  }
0xd6: {  	s26 =	sadd.s32 $0x20800, s3  }
0xd7: {  	[hbm:s26], [sflag:s16] =	dma.local [hbm:s4], $0x20000  }
0xd8: {  	_ =	swait.ge [sflag:s16], $0x20000  }
0xd9: {  	[sflag:s16] =	ssyncset.done $0x0  }
0xda: {  	[sflag:s16] =	ssyncadd.s32 $0xFFFE0000  }
0xdb: {  	s28 =	sadd.s32 $0x40800, s3  }
0xdc: {  	[hbm:s28], [sflag:s16] =	dma.local [hbm:s4], $0x40000  }
0xdd: {  	_ =	swait.ge [sflag:s16], $0x40000  }
0xde: {  	[sflag:s16] =	ssyncset.done $0x0  }
0xdf: {  	[sflag:s16] =	ssyncadd.s32 $0xFFFC0000  }
0xe0: {  	s29 =	sadd.s32 $0x80800, s3  }
0xe1: {  	[hbm:s29], [sflag:s16] =	dma.local [hbm:s4], $0x80000  }
0xe2: {  	_ =	swait.ge [sflag:s16], $0x80000  }
0xe3: {  	[sflag:s16] =	ssyncset.done $0x0  }
0xe4: {  	[sflag:s16] =	ssyncadd.s32 $0xFFF80000  }
0xe5: {  	s3 =	sadd.s32 $0x100800, s3  }
0xe6: {  	[hbm:s3], [sflag:s16] =	dma.local [hbm:s4], $0x100000  }
0xe7: {  	_ =	swait.ge [sflag:s16], $0x100000  }
0xe8: {  	[sflag:s16] =	ssyncset.done $0x0  }
0xe9: {  	[sflag:s16] =	ssyncadd.s32 $0xFFF00000  }
0xea: {  	_ =	strace $0x90000046  }
0xeb: {  	_ =	sfence  }
0xec: {  	s30 =	sld [smem:$0x0];
	_ =	sdelay $0x2  }
0xed: {  	s31 =	sshll.u32 s1, $0xD;
	s1 =	sshrl.u32 s1, $0x2  }
0xee: {  	s3 =	sand.u32 $0x4000, s31;
	s1 =	sadd.s32 s1, s30  }
0xef: {  	s0 =	sor.u32 s3, s0;
	s1 =	sshll.u32 s1, $0x11  }
0xf0: {  	s0 =	sor.u32 s1, s0  }
0xf1: {  	s0 =	sadd.s32 $0x8F2B, s0;
	(pc) =	sbr.abs _section_cstart, $3  }
0xf2: {  	[sflag:s0] =	ssyncadd.remote.s32 $0x1  }
0xf3: {  	_ =	strace $0x9FFFFFFF  }
0xf4: {  	(tm) =	ssettm $0x7FFFFFFF  }
0xf5: {  	_ =	shalt  }

</sc_bundles>
